<compile_context>
chip_gen: v7x
topology: tpu7x:2x2x1
jax: 0.10.2.dev20260603
libtpu: 0.0.44.dev20260713+nightly
codegen_flags: <defaults>
</compile_context>

<pallas_src>
import functools

import jax
import jax.numpy as jnp
from jax import lax
from jax.experimental import pallas as pl
from jax.experimental.pallas import tpu as pltpu
from jax.experimental.pallas import tpu_sc as plsc

N = 10000
E = 320000
D = 128
NW = 32
EPW = E // NW
LANES = 16
TILES = E // 128
NT_HI = 79
NT_LO = 78

_mesh = plsc.VectorSubcoreMesh(core_axis_name="c", subcore_axis_name="s")
_sc_params = pltpu.CompilerParams(needs_layout_passes=False)


@functools.partial(
    pl.kernel,
    mesh=_mesh,
    out_type=jax.ShapeDtypeStruct((NW, N), jnp.float32),
    compiler_params=_sc_params,
    scratch_types=[
        pltpu.VMEM((NT_HI, 2, 128), jnp.int32),
        pltpu.VMEM((N,), jnp.float32),
        pltpu.SemaphoreType.DMA,
    ],
)
def _deg_kernel(ei_hbm, out_hbm, ei_v, acc_v, sem):
    wid = lax.axis_index("c") * 16 + lax.axis_index("s")
    t0 = NT_LO * wid + jnp.minimum(wid, 4)

    zeros = jnp.zeros((LANES,), jnp.float32)
    ones = jnp.ones((LANES,), jnp.float32)

    def init(i, carry):
        acc_v[pl.ds(i * LANES, LANES)] = zeros
        return carry

    def run(nt):
        cp = pltpu.async_copy(
            ei_hbm.at[pl.ds(t0, nt)], ei_v.at[pl.ds(0, nt)], sem)
        lax.fori_loop(0, N // LANES, init, 0, unroll=8)
        cp.wait()

        def body(t, carry):
            dvs = [ei_v[t, 1, pl.ds(k * LANES, LANES)] for k in range(8)]
            for dv in dvs:
                plsc.addupdate_scatter(acc_v, [dv], ones)
            return carry

        lax.fori_loop(0, nt, body, 0, unroll=2)

    @pl.when(wid < 4)
    def _():
        run(NT_HI)

    @pl.when(wid >= 4)
    def _():
        run(NT_LO)

    pltpu.sync_copy(acc_v, out_hbm.at[wid])


@functools.partial(
    pl.kernel,
    mesh=_mesh,
    out_type=jax.ShapeDtypeStruct((NW, N), jnp.float32),
    compiler_params=_sc_params,
    scratch_types=[
        pltpu.VMEM((NT_HI, 2, 128), jnp.int32),
        pltpu.VMEM((N,), jnp.float32),
        pltpu.VMEM((N,), jnp.float32),
        pltpu.SemaphoreType.DMA,
        pltpu.SemaphoreType.DMA,
    ],
)
def _agg_kernel(ei_hbm, s_hbm, out_hbm, ei_v, s_v, acc_v, sem_s, sem_e):
    wid = lax.axis_index("c") * 16 + lax.axis_index("s")
    t0 = NT_LO * wid + jnp.minimum(wid, 4)

    zeros = jnp.zeros((LANES,), jnp.float32)

    def init(i, carry):
        acc_v[pl.ds(i * LANES, LANES)] = zeros
        return carry

    def run(nt):
        cp_s = pltpu.async_copy(s_hbm, s_v, sem_s)
        cp_e = pltpu.async_copy(
            ei_hbm.at[pl.ds(t0, nt)], ei_v.at[pl.ds(0, nt)], sem_e)
        lax.fori_loop(0, N // LANES, init, 0, unroll=8)
        cp_s.wait()
        cp_e.wait()

        def body(t, carry):
            svs = [
                plsc.load_gather(s_v, [ei_v[t, 0, pl.ds(k * LANES, LANES)]])
                for k in range(8)
            ]
            for k in range(8):
                plsc.addupdate_scatter(
                    acc_v, [ei_v[t, 1, pl.ds(k * LANES, LANES)]], svs[k])
            return carry

        lax.fori_loop(0, nt, body, 0, unroll=4)

    @pl.when(wid < 4)
    def _():
        run(NT_HI)

    @pl.when(wid >= 4)
    def _():
        run(NT_LO)

    pltpu.sync_copy(acc_v, out_hbm.at[wid])


def _tc0_body(x_ref, wt_ref, xw_ref):
    xw_ref[...] = lax.dot_general(
        wt_ref[...], x_ref[...], (((1,), (1,)), ((), ())),
        preferred_element_type=jnp.float32)


def _tc1_body(xw_ref, degp_ref, s_ref, dinv_ref, s1_ref):
    deg = jnp.sum(degp_ref[...], axis=0, keepdims=True) + 1.0
    dinv = lax.rsqrt(deg)
    dinv_ref[...] = dinv
    s = xw_ref[...] * dinv
    s_ref[...] = s
    s1_ref[...] = s.reshape(N)


def _tc2_body(accp_ref, s_ref, dinv_ref, b_ref, o_ref):
    tot = jnp.sum(accp_ref[...], axis=0, keepdims=True) + s_ref[...]
    o_ref[...] = jnp.maximum(dinv_ref[...] * tot + b_ref[...], 0.0)


def kernel(x, edge_index, W, b):
    ei = edge_index.astype(jnp.int32).reshape(2, TILES, 128).transpose(1, 0, 2)
    wt = W.reshape(1, D)
    b2 = b.reshape(1, 1)

    xw_row = pl.pallas_call(
        _tc0_body,
        out_shape=jax.ShapeDtypeStruct((1, N), jnp.float32),
    )(x, wt)

    degp = _deg_kernel(ei)

    s_row, dinv_row, s1d = pl.pallas_call(
        _tc1_body,
        out_shape=[
            jax.ShapeDtypeStruct((1, N), jnp.float32),
            jax.ShapeDtypeStruct((1, N), jnp.float32),
            jax.ShapeDtypeStruct((N,), jnp.float32),
        ],
    )(xw_row, degp)

    accp = _agg_kernel(ei, s1d)

    out_row = pl.pallas_call(
        _tc2_body,
        out_shape=jax.ShapeDtypeStruct((1, N), jnp.float32),
    )(accp, s_row, dinv_row, b2)

    return out_row.reshape(N, 1)

# --- scband reference (transcript-rebuilt; emitter-appended) ---
"""Pipeline reference for scband-gcn-1layer-6889127543165 (READ-ONLY COPY).

The authoritative reference and input builder live on the scoring server;
editing this copy changes nothing except your own understanding.
"""

import jax, jax.numpy as jnp
import numpy as np

N_NODES = 10000
N_EDGES = 320000
D_FEAT = 128
N_CLASSES = 1


def setup_inputs(seed: int = 0) -> dict:
    key = jax.random.key(seed)
    k1, k2, k3, k4 = jax.random.split(key, 4)
    x = jax.random.normal(k1, (N_NODES, D_FEAT), dtype=jnp.float32)
    edge_index = jax.random.randint(k2, (2, N_EDGES), 0, N_NODES, dtype=jnp.int64)
    # GCNConv linear weight (glorot) and bias
    limit = float(np.sqrt(6.0 / (D_FEAT + N_CLASSES)))
    W = jax.random.uniform(k3, (D_FEAT, N_CLASSES), dtype=jnp.float32, minval=-limit, maxval=limit)
    b = jnp.zeros((N_CLASSES,), dtype=jnp.float32)
    return {"x": x, "edge_index": edge_index, "W": W, "b": b}


def reference(x, edge_index, W, b):
    N = x.shape[0]
    # GCNConv: add self-loops, symmetric normalization, linear transform, scatter-add aggregate, bias
    loops = jnp.arange(N, dtype=edge_index.dtype)
    src = jnp.concatenate([edge_index[0], loops])
    dst = jnp.concatenate([edge_index[1], loops])
    deg = jnp.zeros((N,), dtype=jnp.float32).at[dst].add(1.0)
    deg_inv_sqrt = jnp.where(deg > 0, deg ** -0.5, 0.0)
    norm = deg_inv_sqrt[src] * deg_inv_sqrt[dst]
    xw = x @ W  # linear (no bias inside lin)
    msg = xw[src] * norm[:, None]
    out = jnp.zeros((N, W.shape[1]), dtype=jnp.float32).at[dst].add(msg)
    out = out + b
    # F.relu
    out = jax.nn.relu(out)
    # F.dropout(p=0.1, training=self.training): identity in eval mode
    return out

if __name__ == "__main__":
    import jax
    _d = setup_inputs()
    print(jax.jit(kernel)(*tuple(_d.values())))

</pallas_src>

<mosaic_0001>
#map = affine_map<(d0, d1) -> (0, 0, 0)>
#map1 = affine_map<(d0, d1) -> (0)>
#map2 = affine_map<(d0, d1) -> (0, 0)>
module attributes {stable_mosaic.version = 14 : i64} {
  func.func @_agg_kernel(%arg0: i32, %arg1: i32, %arg2: memref<2500x2x128xi32, #tpu.memory_space<hbm>>, %arg3: memref<10000xf32, #tpu.memory_space<hbm>>, %arg4: memref<32x10000xf32, #tpu.memory_space<hbm>>, %arg5: memref<79x2x128xi32, #tpu.memory_space<vmem>>, %arg6: memref<10000xf32, #tpu.memory_space<vmem>>, %arg7: memref<10000xf32, #tpu.memory_space<vmem>>, %arg8: memref<!tpu.dma_semaphore, #tpu.memory_space<semaphore_mem>>, %arg9: memref<!tpu.dma_semaphore, #tpu.memory_space<semaphore_mem>>) attributes {dimension_semantics = [#tpu.dimension_semantics<core_parallel>, #tpu.dimension_semantics<subcore_parallel>], iteration_bounds = array<i64: 2, 16>, scalar_prefetch = 0 : i64, scratch_operands = 5 : i64, tpu.core_type = #tpu.core_type<sc_vector_subcore>, window_params = [{transform_indices = #map}, {transform_indices = #map1}, {transform_indices = #map2}]} {
    %mul3A = arith.constant 16 : i32
    %mul3A_0 = arith.muli %arg0, %mul3A : i32
    %add3A = arith.addi %mul3A_0, %arg1 : i32
    %mul3A_1 = arith.constant 78 : i32
    %mul3A_2 = arith.muli %mul3A_1, %add3A : i32
    %min3A = arith.constant 4 : i32
    %min3A_3 = arith.minsi %add3A, %min3A : i32
    %add3A_4 = arith.addi %mul3A_2, %min3A_3 : i32
    %broadcast_in_dim3A = arith.constant 0.000000e+00 : f32
    %broadcast_in_dim3A_5 = vector.broadcast %broadcast_in_dim3A : f32 to vector<16xf32>
    %lt3A = arith.constant 4 : i32
    %lt3A_6 = arith.cmpi slt, %add3A, %lt3A : i32
    %convert_element_type3A = arith.extui %lt3A_6 : i1 to i32
    %cond3A = arith.constant 0 : i32
    %cond3A_7 = arith.cmpi ne, %convert_element_type3A, %cond3A : i32
    scf.if %cond3A_7 {
      tpu.enqueue_dma source(%arg3 : memref<10000xf32, #tpu.memory_space<hbm>>) target(%arg6 : memref<10000xf32, #tpu.memory_space<vmem>>) target_semaphore(%arg8 : memref<!tpu.dma_semaphore, #tpu.memory_space<semaphore_mem>>)
      %dma_start3A = arith.constant 0 : i32
      %dma_start3A_12 = arith.constant 0 : i32
      %dma_start3A_13 = arith.constant 0 : i32
      %dma_start3A_14 = tpu.memref_slice %arg5[%dma_start3A, %dma_start3A_12, %dma_start3A_13] : memref<79x2x128xi32, #tpu.memory_space<vmem>> -> memref<79x2x128xi32, #tpu.memory_space<vmem>>
      %dma_start3A_15 = arith.constant 0 : i32
      %dma_start3A_16 = arith.constant 0 : i32
      %dma_start3A_17 = tpu.memref_slice %arg2[%add3A_4, %dma_start3A_15, %dma_start3A_16] : memref<2500x2x128xi32, #tpu.memory_space<hbm>> -> memref<79x2x128xi32, #tpu.memory_space<hbm>>
      %dma_start3A_18 = arith.constant 0 : i32
      %dma_start3A_19 = arith.constant 0 : i32
      %dma_start3A_20 = arith.constant 0 : i32
      %dma_start3A_21 = tpu.memref_slice %arg5[%dma_start3A_18, %dma_start3A_19, %dma_start3A_20] : memref<79x2x128xi32, #tpu.memory_space<vmem>> -> memref<79x2x128xi32, #tpu.memory_space<vmem>>
      %dma_start3A_22 = arith.constant 0 : i32
      %dma_start3A_23 = arith.constant 0 : i32
      %dma_start3A_24 = tpu.memref_slice %arg2[%add3A_4, %dma_start3A_22, %dma_start3A_23] : memref<2500x2x128xi32, #tpu.memory_space<hbm>> -> memref<79x2x128xi32, #tpu.memory_space<hbm>>
      tpu.enqueue_dma source(%dma_start3A_24 : memref<79x2x128xi32, #tpu.memory_space<hbm>>) target(%dma_start3A_21 : memref<79x2x128xi32, #tpu.memory_space<vmem>>) target_semaphore(%arg9 : memref<!tpu.dma_semaphore, #tpu.memory_space<semaphore_mem>>)
      %scan3A = arith.constant 0 : i32
      %scan3A_25 = arith.constant 0 : i32
      %scan3A_26 = arith.constant 624 : i32
      %scan3A_27 = arith.addi %scan3A_25, %scan3A_26 : i32
      %scan3A_28 = arith.constant 8 : i32
      scf.for %scan3A_322 = %scan3A_25 to %scan3A_27 step %scan3A_28  : i32 {
        %mul3A_323 = arith.constant 16 : i32
        %mul3A_324 = arith.muli %scan3A_322, %mul3A_323 : i32
        %swap3A_325 = arith.index_cast %mul3A_324 : i32 to index
        %swap3A_326 = tpu.vector_load %arg7[%swap3A_325] {strides = array<i32>} : memref<10000xf32, #tpu.memory_space<vmem>>, vector<16xf32>,
        tpu.vector_store %arg7[%swap3A_325], %broadcast_in_dim3A_5 {strides = array<i32>} : memref<10000xf32, #tpu.memory_space<vmem>>, vector<16xf32>,
        %scan3A_327 = arith.constant 1 : i32
        %scan3A_328 = arith.addi %scan3A_322, %scan3A_327 : i32
        %mul3A_329 = arith.constant 16 : i32
        %mul3A_330 = arith.muli %scan3A_328, %mul3A_329 : i32
        %swap3A_331 = arith.index_cast %mul3A_330 : i32 to index
        %swap3A_332 = tpu.vector_load %arg7[%swap3A_331] {strides = array<i32>} : memref<10000xf32, #tpu.memory_space<vmem>>, vector<16xf32>,
        tpu.vector_store %arg7[%swap3A_331], %broadcast_in_dim3A_5 {strides = array<i32>} : memref<10000xf32, #tpu.memory_space<vmem>>, vector<16xf32>,
        %scan3A_333 = arith.constant 2 : i32
        %scan3A_334 = arith.addi %scan3A_322, %scan3A_333 : i32
        %mul3A_335 = arith.constant 16 : i32
        %mul3A_336 = arith.muli %scan3A_334, %mul3A_335 : i32
        %swap3A_337 = arith.index_cast %mul3A_336 : i32 to index
        %swap3A_338 = tpu.vector_load %arg7[%swap3A_337] {strides = array<i32>} : memref<10000xf32, #tpu.memory_space<vmem>>, vector<16xf32>,
        tpu.vector_store %arg7[%swap3A_337], %broadcast_in_dim3A_5 {strides = array<i32>} : memref<10000xf32, #tpu.memory_space<vmem>>, vector<16xf32>,
        %scan3A_339 = arith.constant 3 : i32
        %scan3A_340 = arith.addi %scan3A_322, %scan3A_339 : i32
        %mul3A_341 = arith.constant 16 : i32
        %mul3A_342 = arith.muli %scan3A_340, %mul3A_341 : i32
        %swap3A_343 = arith.index_cast %mul3A_342 : i32 to index
        %swap3A_344 = tpu.vector_load %arg7[%swap3A_343] {strides = array<i32>} : memref<10000xf32, #tpu.memory_space<vmem>>, vector<16xf32>,
        tpu.vector_store %arg7[%swap3A_343], %broadcast_in_dim3A_5 {strides = array<i32>} : memref<10000xf32, #tpu.memory_space<vmem>>, vector<16xf32>,
        %scan3A_345 = arith.constant 4 : i32
        %scan3A_346 = arith.addi %scan3A_322, %scan3A_345 : i32
        %mul3A_347 = arith.constant 16 : i32
        %mul3A_348 = arith.muli %scan3A_346, %mul3A_347 : i32
        %swap3A_349 = arith.index_cast %mul3A_348 : i32 to index
        %swap3A_350 = tpu.vector_load %arg7[%swap3A_349] {strides = array<i32>} : memref<10000xf32, #tpu.memory_space<vmem>>, vector<16xf32>,
        tpu.vector_store %arg7[%swap3A_349], %broadcast_in_dim3A_5 {strides = array<i32>} : memref<10000xf32, #tpu.memory_space<vmem>>, vector<16xf32>,
        %scan3A_351 = arith.constant 5 : i32
        %scan3A_352 = arith.addi %scan3A_322, %scan3A_351 : i32
        %mul3A_353 = arith.constant 16 : i32
        %mul3A_354 = arith.muli %scan3A_352, %mul3A_353 : i32
        %swap3A_355 = arith.index_cast %mul3A_354 : i32 to index
        %swap3A_356 = tpu.vector_load %arg7[%swap3A_355] {strides = array<i32>} : memref<10000xf32, #tpu.memory_space<vmem>>, vector<16xf32>,
        tpu.vector_store %arg7[%swap3A_355], %broadcast_in_dim3A_5 {strides = array<i32>} : memref<10000xf32, #tpu.memory_space<vmem>>, vector<16xf32>,
        %scan3A_357 = arith.constant 6 : i32
        %scan3A_358 = arith.addi %scan3A_322, %scan3A_357 : i32
        %mul3A_359 = arith.constant 16 : i32
        %mul3A_360 = arith.muli %scan3A_358, %mul3A_359 : i32
        %swap3A_361 = arith.index_cast %mul3A_360 : i32 to index
        %swap3A_362 = tpu.vector_load %arg7[%swap3A_361] {strides = array<i32>} : memref<10000xf32, #tpu.memory_space<vmem>>, vector<16xf32>,
        tpu.vector_store %arg7[%swap3A_361], %broadcast_in_dim3A_5 {strides = array<i32>} : memref<10000xf32, #tpu.memory_space<vmem>>, vector<16xf32>,
        %scan3A_363 = arith.constant 7 : i32
        %scan3A_364 = arith.addi %scan3A_322, %scan3A_363 : i32
        %mul3A_365 = arith.constant 16 : i32
        %mul3A_366 = arith.muli %scan3A_364, %mul3A_365 : i32
        %swap3A_367 = arith.index_cast %mul3A_366 : i32 to index
        %swap3A_368 = tpu.vector_load %arg7[%swap3A_367] {strides = array<i32>} : memref<10000xf32, #tpu.memory_space<vmem>>, vector<16xf32>,
        tpu.vector_store %arg7[%swap3A_367], %broadcast_in_dim3A_5 {strides = array<i32>} : memref<10000xf32, #tpu.memory_space<vmem>>, vector<16xf32>,
      }
      %scan3A_29 = arith.constant 624 : i32
      %scan3A_30 = arith.addi %scan3A_25, %scan3A_29 : i32
      %mul3A_31 = arith.constant 16 : i32
      %mul3A_32 = arith.muli %scan3A_30, %mul3A_31 : i32
      %swap3A = arith.index_cast %mul3A_32 : i32 to index
      %swap3A_33 = tpu.vector_load %arg7[%swap3A] {strides = array<i32>} : memref<10000xf32, #tpu.memory_space<vmem>>, vector<16xf32>,
      tpu.vector_store %arg7[%swap3A], %broadcast_in_dim3A_5 {strides = array<i32>} : memref<10000xf32, #tpu.memory_space<vmem>>, vector<16xf32>,
      %scan3A_34 = arith.constant 625 : i32
      tpu.wait_dma2 semaphore(%arg8 : memref<!tpu.dma_semaphore, #tpu.memory_space<semaphore_mem>>) src(%arg3 : memref<10000xf32, #tpu.memory_space<hbm>>) dst(%arg6 : memref<10000xf32, #tpu.memory_space<vmem>>)
      %dma_wait3A = arith.constant 0 : i32
      %dma_wait3A_35 = arith.constant 0 : i32
      %dma_wait3A_36 = arith.constant 0 : i32
      %dma_wait3A_37 = tpu.memref_slice %arg5[%dma_wait3A, %dma_wait3A_35, %dma_wait3A_36] : memref<79x2x128xi32, #tpu.memory_space<vmem>> -> memref<79x2x128xi32, #tpu.memory_space<vmem>>
      %dma_wait3A_38 = arith.constant 0 : i32
      %dma_wait3A_39 = arith.constant 0 : i32
      %dma_wait3A_40 = tpu.memref_slice %arg2[%add3A_4, %dma_wait3A_38, %dma_wait3A_39] : memref<2500x2x128xi32, #tpu.memory_space<hbm>> -> memref<79x2x128xi32, #tpu.memory_space<hbm>>
      %dma_wait3A_41 = arith.constant 0 : i32
      %dma_wait3A_42 = arith.constant 0 : i32
      %dma_wait3A_43 = arith.constant 0 : i32
      %dma_wait3A_44 = tpu.memref_slice %arg5[%dma_wait3A_41, %dma_wait3A_42, %dma_wait3A_43] : memref<79x2x128xi32, #tpu.memory_space<vmem>> -> memref<79x2x128xi32, #tpu.memory_space<vmem>>
      %dma_wait3A_45 = arith.constant 0 : i32
      %dma_wait3A_46 = arith.constant 0 : i32
      %dma_wait3A_47 = tpu.memref_slice %arg2[%add3A_4, %dma_wait3A_45, %dma_wait3A_46] : memref<2500x2x128xi32, #tpu.memory_space<hbm>> -> memref<79x2x128xi32, #tpu.memory_space<hbm>>
      tpu.wait_dma2 semaphore(%arg9 : memref<!tpu.dma_semaphore, #tpu.memory_space<semaphore_mem>>) src(%dma_wait3A_47 : memref<79x2x128xi32, #tpu.memory_space<hbm>>) dst(%dma_wait3A_44 : memref<79x2x128xi32, #tpu.memory_space<vmem>>)
      %scan3A_48 = arith.constant 0 : i32
      %scan3A_49 = arith.constant 0 : i32
      %scan3A_50 = arith.constant 76 : i32
      %scan3A_51 = arith.addi %scan3A_49, %scan3A_50 : i32
      %scan3A_52 = arith.constant 4 : i32
      scf.for %scan3A_322 = %scan3A_49 to %scan3A_51 step %scan3A_52  : i32 {
        %get3A_323 = arith.constant 0 : i32
        %get3A_324 = arith.index_cast %scan3A_322 : i32 to index
        %get3A_325 = arith.index_cast %get3A_323 : i32 to index
        %get3A_326 = arith.constant 0 : index
        %get3A_327 = tpu.vector_load %arg5[%get3A_324, %get3A_325, %get3A_326] {strides = array<i32>} : memref<79x2x128xi32, #tpu.memory_space<vmem>>, vector<16xi32>,
        %gather3A_328 = tpu.vector_load_idx %arg6[%get3A_327] : memref<10000xf32, #tpu.memory_space<vmem>>[vector<16xi32>], vector<16xf32>,
        %get3A_329 = arith.constant 0 : i32
        %get3A_330 = arith.index_cast %scan3A_322 : i32 to index
        %get3A_331 = arith.index_cast %get3A_329 : i32 to index
        %get3A_332 = arith.constant 16 : index
        %get3A_333 = tpu.vector_load %arg5[%get3A_330, %get3A_331, %get3A_332] {strides = array<i32>} : memref<79x2x128xi32, #tpu.memory_space<vmem>>, vector<16xi32>,
        %gather3A_334 = tpu.vector_load_idx %arg6[%get3A_333] : memref<10000xf32, #tpu.memory_space<vmem>>[vector<16xi32>], vector<16xf32>,
        %get3A_335 = arith.constant 0 : i32
        %get3A_336 = arith.index_cast %scan3A_322 : i32 to index
        %get3A_337 = arith.index_cast %get3A_335 : i32 to index
        %get3A_338 = arith.constant 32 : index
        %get3A_339 = tpu.vector_load %arg5[%get3A_336, %get3A_337, %get3A_338] {strides = array<i32>} : memref<79x2x128xi32, #tpu.memory_space<vmem>>, vector<16xi32>,
        %gather3A_340 = tpu.vector_load_idx %arg6[%get3A_339] : memref<10000xf32, #tpu.memory_space<vmem>>[vector<16xi32>], vector<16xf32>,
        %get3A_341 = arith.constant 0 : i32
        %get3A_342 = arith.index_cast %scan3A_322 : i32 to index
        %get3A_343 = arith.index_cast %get3A_341 : i32 to index
        %get3A_344 = arith.constant 48 : index
        %get3A_345 = tpu.vector_load %arg5[%get3A_342, %get3A_343, %get3A_344] {strides = array<i32>} : memref<79x2x128xi32, #tpu.memory_space<vmem>>, vector<16xi32>,
        %gather3A_346 = tpu.vector_load_idx %arg6[%get3A_345] : memref<10000xf32, #tpu.memory_space<vmem>>[vector<16xi32>], vector<16xf32>,
        %get3A_347 = arith.constant 0 : i32
        %get3A_348 = arith.index_cast %scan3A_322 : i32 to index
        %get3A_349 = arith.index_cast %get3A_347 : i32 to index
        %get3A_350 = arith.constant 64 : index
        %get3A_351 = tpu.vector_load %arg5[%get3A_348, %get3A_349, %get3A_350] {strides = array<i32>} : memref<79x2x128xi32, #tpu.memory_space<vmem>>, vector<16xi32>,
        %gather3A_352 = tpu.vector_load_idx %arg6[%get3A_351] : memref<10000xf32, #tpu.memory_space<vmem>>[vector<16xi32>], vector<16xf32>,
        %get3A_353 = arith.constant 0 : i32
        %get3A_354 = arith.index_cast %scan3A_322 : i32 to index
        %get3A_355 = arith.index_cast %get3A_353 : i32 to index
        %get3A_356 = arith.constant 80 : index
        %get3A_357 = tpu.vector_load %arg5[%get3A_354, %get3A_355, %get3A_356] {strides = array<i32>} : memref<79x2x128xi32, #tpu.memory_space<vmem>>, vector<16xi32>,
        %gather3A_358 = tpu.vector_load_idx %arg6[%get3A_357] : memref<10000xf32, #tpu.memory_space<vmem>>[vector<16xi32>], vector<16xf32>,
        %get3A_359 = arith.constant 0 : i32
        %get3A_360 = arith.index_cast %scan3A_322 : i32 to index
        %get3A_361 = arith.index_cast %get3A_359 : i32 to index
        %get3A_362 = arith.constant 96 : index
        %get3A_363 = tpu.vector_load %arg5[%get3A_360, %get3A_361, %get3A_362] {strides = array<i32>} : memref<79x2x128xi32, #tpu.memory_space<vmem>>, vector<16xi32>,
        %gather3A_364 = tpu.vector_load_idx %arg6[%get3A_363] : memref<10000xf32, #tpu.memory_space<vmem>>[vector<16xi32>], vector<16xf32>,
        %get3A_365 = arith.constant 0 : i32
        %get3A_366 = arith.index_cast %scan3A_322 : i32 to index
        %get3A_367 = arith.index_cast %get3A_365 : i32 to index
        %get3A_368 = arith.constant 112 : index
        %get3A_369 = tpu.vector_load %arg5[%get3A_366, %get3A_367, %get3A_368] {strides = array<i32>} : memref<79x2x128xi32, #tpu.memory_space<vmem>>, vector<16xi32>,
        %gather3A_370 = tpu.vector_load_idx %arg6[%get3A_369] : memref<10000xf32, #tpu.memory_space<vmem>>[vector<16xi32>], vector<16xf32>,
        %get3A_371 = arith.constant 1 : i32
        %get3A_372 = arith.index_cast %scan3A_322 : i32 to index
        %get3A_373 = arith.index_cast %get3A_371 : i32 to index
        %get3A_374 = arith.constant 0 : index
        %get3A_375 = tpu.vector_load %arg5[%get3A_372, %get3A_373, %get3A_374] {strides = array<i32>} : memref<79x2x128xi32, #tpu.memory_space<vmem>>, vector<16xi32>,
        tpu.vector_store_idx %arg7[%get3A_375], %gather3A_328 {add = true} : memref<10000xf32, #tpu.memory_space<vmem>>[vector<16xi32>], vector<16xf32>,
        %get3A_376 = arith.constant 1 : i32
        %get3A_377 = arith.index_cast %scan3A_322 : i32 to index
        %get3A_378 = arith.index_cast %get3A_376 : i32 to index
        %get3A_379 = arith.constant 16 : index
        %get3A_380 = tpu.vector_load %arg5[%get3A_377, %get3A_378, %get3A_379] {strides = array<i32>} : memref<79x2x128xi32, #tpu.memory_space<vmem>>, vector<16xi32>,
        tpu.vector_store_idx %arg7[%get3A_380], %gather3A_334 {add = true} : memref<10000xf32, #tpu.memory_space<vmem>>[vector<16xi32>], vector<16xf32>,
        %get3A_381 = arith.constant 1 : i32
        %get3A_382 = arith.index_cast %scan3A_322 : i32 to index
        %get3A_383 = arith.index_cast %get3A_381 : i32 to index
        %get3A_384 = arith.constant 32 : index
        %get3A_385 = tpu.vector_load %arg5[%get3A_382, %get3A_383, %get3A_384] {strides = array<i32>} : memref<79x2x128xi32, #tpu.memory_space<vmem>>, vector<16xi32>,
        tpu.vector_store_idx %arg7[%get3A_385], %gather3A_340 {add = true} : memref<10000xf32, #tpu.memory_space<vmem>>[vector<16xi32>], vector<16xf32>,
        %get3A_386 = arith.constant 1 : i32
        %get3A_387 = arith.index_cast %scan3A_322 : i32 to index
        %get3A_388 = arith.index_cast %get3A_386 : i32 to index
        %get3A_389 = arith.constant 48 : index
        %get3A_390 = tpu.vector_load %arg5[%get3A_387, %get3A_388, %get3A_389] {strides = array<i32>} : memref<79x2x128xi32, #tpu.memory_space<vmem>>, vector<16xi32>,
        tpu.vector_store_idx %arg7[%get3A_390], %gather3A_346 {add = true} : memref<10000xf32, #tpu.memory_space<vmem>>[vector<16xi32>], vector<16xf32>,
        %get3A_391 = arith.constant 1 : i32
        %get3A_392 = arith.index_cast %scan3A_322 : i32 to index
        %get3A_393 = arith.index_cast %get3A_391 : i32 to index
        %get3A_394 = arith.constant 64 : index
        %get3A_395 = tpu.vector_load %arg5[%get3A_392, %get3A_393, %get3A_394] {strides = array<i32>} : memref<79x2x128xi32, #tpu.memory_space<vmem>>, vector<16xi32>,
        tpu.vector_store_idx %arg7[%get3A_395], %gather3A_352 {add = true} : memref<10000xf32, #tpu.memory_space<vmem>>[vector<16xi32>], vector<16xf32>,
        %get3A_396 = arith.constant 1 : i32
        %get3A_397 = arith.index_cast %scan3A_322 : i32 to index
        %get3A_398 = arith.index_cast %get3A_396 : i32 to index
        %get3A_399 = arith.constant 80 : index
        %get3A_400 = tpu.vector_load %arg5[%get3A_397, %get3A_398, %get3A_399] {strides = array<i32>} : memref<79x2x128xi32, #tpu.memory_space<vmem>>, vector<16xi32>,
        tpu.vector_store_idx %arg7[%get3A_400], %gather3A_358 {add = true} : memref<10000xf32, #tpu.memory_space<vmem>>[vector<16xi32>], vector<16xf32>,
        %get3A_401 = arith.constant 1 : i32
        %get3A_402 = arith.index_cast %scan3A_322 : i32 to index
        %get3A_403 = arith.index_cast %get3A_401 : i32 to index
        %get3A_404 = arith.constant 96 : index
        %get3A_405 = tpu.vector_load %arg5[%get3A_402, %get3A_403, %get3A_404] {strides = array<i32>} : memref<79x2x128xi32, #tpu.memory_space<vmem>>, vector<16xi32>,
        tpu.vector_store_idx %arg7[%get3A_405], %gather3A_364 {add = true} : memref<10000xf32, #tpu.memory_space<vmem>>[vector<16xi32>], vector<16xf32>,
        %get3A_406 = arith.constant 1 : i32
        %get3A_407 = arith.index_cast %scan3A_322 : i32 to index
        %get3A_408 = arith.index_cast %get3A_406 : i32 to index
        %get3A_409 = arith.constant 112 : index
        %get3A_410 = tpu.vector_load %arg5[%get3A_407, %get3A_408, %get3A_409] {strides = array<i32>} : memref<79x2x128xi32, #tpu.memory_space<vmem>>, vector<16xi32>,
        tpu.vector_store_idx %arg7[%get3A_410], %gather3A_370 {add = true} : memref<10000xf32, #tpu.memory_space<vmem>>[vector<16xi32>], vector<16xf32>,
        %scan3A_411 = arith.constant 1 : i32
        %scan3A_412 = arith.addi %scan3A_322, %scan3A_411 : i32
        %get3A_413 = arith.constant 0 : i32
        %get3A_414 = arith.index_cast %scan3A_412 : i32 to index
        %get3A_415 = arith.index_cast %get3A_413 : i32 to index
        %get3A_416 = arith.constant 0 : index
        %get3A_417 = tpu.vector_load %arg5[%get3A_414, %get3A_415, %get3A_416] {strides = array<i32>} : memref<79x2x128xi32, #tpu.memory_space<vmem>>, vector<16xi32>,
        %gather3A_418 = tpu.vector_load_idx %arg6[%get3A_417] : memref<10000xf32, #tpu.memory_space<vmem>>[vector<16xi32>], vector<16xf32>,
        %get3A_419 = arith.constant 0 : i32
        %get3A_420 = arith.index_cast %scan3A_412 : i32 to index
        %get3A_421 = arith.index_cast %get3A_419 : i32 to index
        %get3A_422 = arith.constant 16 : index
        %get3A_423 = tpu.vector_load %arg5[%get3A_420, %get3A_421, %get3A_422] {strides = array<i32>} : memref<79x2x128xi32, #tpu.memory_space<vmem>>, vector<16xi32>,
        %gather3A_424 = tpu.vector_load_idx %arg6[%get3A_423] : memref<10000xf32, #tpu.memory_space<vmem>>[vector<16xi32>], vector<16xf32>,
        %get3A_425 = arith.constant 0 : i32
        %get3A_426 = arith.index_cast %scan3A_412 : i32 to index
        %get3A_427 = arith.index_cast %get3A_425 : i32 to index
        %get3A_428 = arith.constant 32 : index
        %get3A_429 = tpu.vector_load %arg5[%get3A_426, %get3A_427, %get3A_428] {strides = array<i32>} : memref<79x2x128xi32, #tpu.memory_space<vmem>>, vector<16xi32>,
        %gather3A_430 = tpu.vector_load_idx %arg6[%get3A_429] : memref<10000xf32, #tpu.memory_space<vmem>>[vector<16xi32>], vector<16xf32>,
        %get3A_431 = arith.constant 0 : i32
        %get3A_432 = arith.index_cast %scan3A_412 : i32 to index
        %get3A_433 = arith.index_cast %get3A_431 : i32 to index
        %get3A_434 = arith.constant 48 : index
        %get3A_435 = tpu.vector_load %arg5[%get3A_432, %get3A_433, %get3A_434] {strides = array<i32>} : memref<79x2x128xi32, #tpu.memory_space<vmem>>, vector<16xi32>,
        %gather3A_436 = tpu.vector_load_idx %arg6[%get3A_435] : memref<10000xf32, #tpu.memory_space<vmem>>[vector<16xi32>], vector<16xf32>,
        %get3A_437 = arith.constant 0 : i32
        %get3A_438 = arith.index_cast %scan3A_412 : i32 to index
        %get3A_439 = arith.index_cast %get3A_437 : i32 to index
        %get3A_440 = arith.constant 64 : index
        %get3A_441 = tpu.vector_load %arg5[%get3A_438, %get3A_439, %get3A_440] {strides = array<i32>} : memref<79x2x128xi32, #tpu.memory_space<vmem>>, vector<16xi32>,
        %gather3A_442 = tpu.vector_load_idx %arg6[%get3A_441] : memref<10000xf32, #tpu.memory_space<vmem>>[vector<16xi32>], vector<16xf32>,
        %get3A_443 = arith.constant 0 : i32
        %get3A_444 = arith.index_cast %scan3A_412 : i32 to index
        %get3A_445 = arith.index_cast %get3A_443 : i32 to index
        %get3A_446 = arith.constant 80 : index
        %get3A_447 = tpu.vector_load %arg5[%get3A_444, %get3A_445, %get3A_446] {strides = array<i32>} : memref<79x2x128xi32, #tpu.memory_space<vmem>>, vector<16xi32>,
        %gather3A_448 = tpu.vector_load_idx %arg6[%get3A_447] : memref<10000xf32, #tpu.memory_space<vmem>>[vector<16xi32>], vector<16xf32>,
        %get3A_449 = arith.constant 0 : i32
        %get3A_450 = arith.index_cast %scan3A_412 : i32 to index
        %get3A_451 = arith.index_cast %get3A_449 : i32 to index
        %get3A_452 = arith.constant 96 : index
        %get3A_453 = tpu.vector_load %arg5[%get3A_450, %get3A_451, %get3A_452] {strides = array<i32>} : memref<79x2x128xi32, #tpu.memory_space<vmem>>, vector<16xi32>,
        %gather3A_454 = tpu.vector_load_idx %arg6[%get3A_453] : memref<10000xf32, #tpu.memory_space<vmem>>[vector<16xi32>], vector<16xf32>,
        %get3A_455 = arith.constant 0 : i32
        %get3A_456 = arith.index_cast %scan3A_412 : i32 to index
        %get3A_457 = arith.index_cast %get3A_455 : i32 to index
        %get3A_458 = arith.constant 112 : index
        %get3A_459 = tpu.vector_load %arg5[%get3A_456, %get3A_457, %get3A_458] {strides = array<i32>} : memref<79x2x128xi32, #tpu.memory_space<vmem>>, vector<16xi32>,
        %gather3A_460 = tpu.vector_load_idx %arg6[%get3A_459] : memref<10000xf32, #tpu.memory_space<vmem>>[vector<16xi32>], vector<16xf32>,
        %get3A_461 = arith.constant 1 : i32
        %get3A_462 = arith.index_cast %scan3A_412 : i32 to index
        %get3A_463 = arith.index_cast %get3A_461 : i32 to index
        %get3A_464 = arith.constant 0 : index
        %get3A_465 = tpu.vector_load %arg5[%get3A_462, %get3A_463, %get3A_464] {strides = array<i32>} : memref<79x2x128xi32, #tpu.memory_space<vmem>>, vector<16xi32>,
        tpu.vector_store_idx %arg7[%get3A_465], %gather3A_418 {add = true} : memref<10000xf32, #tpu.memory_space<vmem>>[vector<16xi32>], vector<16xf32>,
        %get3A_466 = arith.constant 1 : i32
        %get3A_467 = arith.index_cast %scan3A_412 : i32 to index
        %get3A_468 = arith.index_cast %get3A_466 : i32 to index
        %get3A_469 = arith.constant 16 : index
        %get3A_470 = tpu.vector_load %arg5[%get3A_467, %get3A_468, %get3A_469] {strides = array<i32>} : memref<79x2x128xi32, #tpu.memory_space<vmem>>, vector<16xi32>,
        tpu.vector_store_idx %arg7[%get3A_470], %gather3A_424 {add = true} : memref<10000xf32, #tpu.memory_space<vmem>>[vector<16xi32>], vector<16xf32>,
        %get3A_471 = arith.constant 1 : i32
        %get3A_472 = arith.index_cast %scan3A_412 : i32 to index
        %get3A_473 = arith.index_cast %get3A_471 : i32 to index
        %get3A_474 = arith.constant 32 : index
        %get3A_475 = tpu.vector_load %arg5[%get3A_472, %get3A_473, %get3A_474] {strides = array<i32>} : memref<79x2x128xi32, #tpu.memory_space<vmem>>, vector<16xi32>,
        tpu.vector_store_idx %arg7[%get3A_475], %gather3A_430 {add = true} : memref<10000xf32, #tpu.memory_space<vmem>>[vector<16xi32>], vector<16xf32>,
        %get3A_476 = arith.constant 1 : i32
        %get3A_477 = arith.index_cast %scan3A_412 : i32 to index
        %get3A_478 = arith.index_cast %get3A_476 : i32 to index
        %get3A_479 = arith.constant 48 : index
        %get3A_480 = tpu.vector_load %arg5[%get3A_477, %get3A_478, %get3A_479] {strides = array<i32>} : memref<79x2x128xi32, #tpu.memory_space<vmem>>, vector<16xi32>,
        tpu.vector_store_idx %arg7[%get3A_480], %gather3A_436 {add = true} : memref<10000xf32, #tpu.memory_space<vmem>>[vector<16xi32>], vector<16xf32>,
        %get3A_481 = arith.constant 1 : i32
        %get3A_482 = arith.index_cast %scan3A_412 : i32 to index
        %get3A_483 = arith.index_cast %get3A_481 : i32 to index
        %get3A_484 = arith.constant 64 : index
        %get3A_485 = tpu.vector_load %arg5[%get3A_482, %get3A_483, %get3A_484] {strides = array<i32>} : memref<79x2x128xi32, #tpu.memory_space<vmem>>, vector<16xi32>,
        tpu.vector_store_idx %arg7[%get3A_485], %gather3A_442 {add = true} : memref<10000xf32, #tpu.memory_space<vmem>>[vector<16xi32>], vector<16xf32>,
        %get3A_486 = arith.constant 1 : i32
        %get3A_487 = arith.index_cast %scan3A_412 : i32 to index
        %get3A_488 = arith.index_cast %get3A_486 : i32 to index
        %get3A_489 = arith.constant 80 : index
        %get3A_490 = tpu.vector_load %arg5[%get3A_487, %get3A_488, %get3A_489] {strides = array<i32>} : memref<79x2x128xi32, #tpu.memory_space<vmem>>, vector<16xi32>,
        tpu.vector_store_idx %arg7[%get3A_490], %gather3A_448 {add = true} : memref<10000xf32, #tpu.memory_space<vmem>>[vector<16xi32>], vector<16xf32>,
        %get3A_491 = arith.constant 1 : i32
        %get3A_492 = arith.index_cast %scan3A_412 : i32 to index
        %get3A_493 = arith.index_cast %get3A_491 : i32 to index
        %get3A_494 = arith.constant 96 : index
        %get3A_495 = tpu.vector_load %arg5[%get3A_492, %get3A_493, %get3A_494] {strides = array<i32>} : memref<79x2x128xi32, #tpu.memory_space<vmem>>, vector<16xi32>,
        tpu.vector_store_idx %arg7[%get3A_495], %gather3A_454 {add = true} : memref<10000xf32, #tpu.memory_space<vmem>>[vector<16xi32>], vector<16xf32>,
        %get3A_496 = arith.constant 1 : i32
        %get3A_497 = arith.index_cast %scan3A_412 : i32 to index
        %get3A_498 = arith.index_cast %get3A_496 : i32 to index
        %get3A_499 = arith.constant 112 : index
        %get3A_500 = tpu.vector_load %arg5[%get3A_497, %get3A_498, %get3A_499] {strides = array<i32>} : memref<79x2x128xi32, #tpu.memory_space<vmem>>, vector<16xi32>,
        tpu.vector_store_idx %arg7[%get3A_500], %gather3A_460 {add = true} : memref<10000xf32, #tpu.memory_space<vmem>>[vector<16xi32>], vector<16xf32>,
        %scan3A_501 = arith.constant 2 : i32
        %scan3A_502 = arith.addi %scan3A_322, %scan3A_501 : i32
        %get3A_503 = arith.constant 0 : i32
        %get3A_504 = arith.index_cast %scan3A_502 : i32 to index
        %get3A_505 = arith.index_cast %get3A_503 : i32 to index
        %get3A_506 = arith.constant 0 : index
        %get3A_507 = tpu.vector_load %arg5[%get3A_504, %get3A_505, %get3A_506] {strides = array<i32>} : memref<79x2x128xi32, #tpu.memory_space<vmem>>, vector<16xi32>,
        %gather3A_508 = tpu.vector_load_idx %arg6[%get3A_507] : memref<10000xf32, #tpu.memory_space<vmem>>[vector<16xi32>], vector<16xf32>,
        %get3A_509 = arith.constant 0 : i32
        %get3A_510 = arith.index_cast %scan3A_502 : i32 to index
        %get3A_511 = arith.index_cast %get3A_509 : i32 to index
        %get3A_512 = arith.constant 16 : index
        %get3A_513 = tpu.vector_load %arg5[%get3A_510, %get3A_511, %get3A_512] {strides = array<i32>} : memref<79x2x128xi32, #tpu.memory_space<vmem>>, vector<16xi32>,
        %gather3A_514 = tpu.vector_load_idx %arg6[%get3A_513] : memref<10000xf32, #tpu.memory_space<vmem>>[vector<16xi32>], vector<16xf32>,
        %get3A_515 = arith.constant 0 : i32
        %get3A_516 = arith.index_cast %scan3A_502 : i32 to index
        %get3A_517 = arith.index_cast %get3A_515 : i32 to index
        %get3A_518 = arith.constant 32 : index
        %get3A_519 = tpu.vector_load %arg5[%get3A_516, %get3A_517, %get3A_518] {strides = array<i32>} : memref<79x2x128xi32, #tpu.memory_space<vmem>>, vector<16xi32>,
        %gather3A_520 = tpu.vector_load_idx %arg6[%get3A_519] : memref<10000xf32, #tpu.memory_space<vmem>>[vector<16xi32>], vector<16xf32>,
        %get3A_521 = arith.constant 0 : i32
        %get3A_522 = arith.index_cast %scan3A_502 : i32 to index
        %get3A_523 = arith.index_cast %get3A_521 : i32 to index
        %get3A_524 = arith.constant 48 : index
        %get3A_525 = tpu.vector_load %arg5[%get3A_522, %get3A_523, %get3A_524] {strides = array<i32>} : memref<79x2x128xi32, #tpu.memory_space<vmem>>, vector<16xi32>,
        %gather3A_526 = tpu.vector_load_idx %arg6[%get3A_525] : memref<10000xf32, #tpu.memory_space<vmem>>[vector<16xi32>], vector<16xf32>,
        %get3A_527 = arith.constant 0 : i32
        %get3A_528 = arith.index_cast %scan3A_502 : i32 to index
        %get3A_529 = arith.index_cast %get3A_527 : i32 to index
        %get3A_530 = arith.constant 64 : index
        %get3A_531 = tpu.vector_load %arg5[%get3A_528, %get3A_529, %get3A_530] {strides = array<i32>} : memref<79x2x128xi32, #tpu.memory_space<vmem>>, vector<16xi32>,
        %gather3A_532 = tpu.vector_load_idx %arg6[%get3A_531] : memref<10000xf32, #tpu.memory_space<vmem>>[vector<16xi32>], vector<16xf32>,
        %get3A_533 = arith.constant 0 : i32
        %get3A_534 = arith.index_cast %scan3A_502 : i32 to index
        %get3A_535 = arith.index_cast %get3A_533 : i32 to index
        %get3A_536 = arith.constant 80 : index
        %get3A_537 = tpu.vector_load %arg5[%get3A_534, %get3A_535, %get3A_536] {strides = array<i32>} : memref<79x2x128xi32, #tpu.memory_space<vmem>>, vector<16xi32>,
        %gather3A_538 = tpu.vector_load_idx %arg6[%get3A_537] : memref<10000xf32, #tpu.memory_space<vmem>>[vector<16xi32>], vector<16xf32>,
        %get3A_539 = arith.constant 0 : i32
        %get3A_540 = arith.index_cast %scan3A_502 : i32 to index
        %get3A_541 = arith.index_cast %get3A_539 : i32 to index
        %get3A_542 = arith.constant 96 : index
        %get3A_543 = tpu.vector_load %arg5[%get3A_540, %get3A_541, %get3A_542] {strides = array<i32>} : memref<79x2x128xi32, #tpu.memory_space<vmem>>, vector<16xi32>,
        %gather3A_544 = tpu.vector_load_idx %arg6[%get3A_543] : memref<10000xf32, #tpu.memory_space<vmem>>[vector<16xi32>], vector<16xf32>,
        %get3A_545 = arith.constant 0 : i32
        %get3A_546 = arith.index_cast %scan3A_502 : i32 to index
        %get3A_547 = arith.index_cast %get3A_545 : i32 to index
        %get3A_548 = arith.constant 112 : index
        %get3A_549 = tpu.vector_load %arg5[%get3A_546, %get3A_547, %get3A_548] {strides = array<i32>} : memref<79x2x128xi32, #tpu.memory_space<vmem>>, vector<16xi32>,
        %gather3A_550 = tpu.vector_load_idx %arg6[%get3A_549] : memref<10000xf32, #tpu.memory_space<vmem>>[vector<16xi32>], vector<16xf32>,
        %get3A_551 = arith.constant 1 : i32
        %get3A_552 = arith.index_cast %scan3A_502 : i32 to index
        %get3A_553 = arith.index_cast %get3A_551 : i32 to index
        %get3A_554 = arith.constant 0 : index
        %get3A_555 = tpu.vector_load %arg5[%get3A_552, %get3A_553, %get3A_554] {strides = array<i32>} : memref<79x2x128xi32, #tpu.memory_space<vmem>>, vector<16xi32>,
        tpu.vector_store_idx %arg7[%get3A_555], %gather3A_508 {add = true} : memref<10000xf32, #tpu.memory_space<vmem>>[vector<16xi32>], vector<16xf32>,
        %get3A_556 = arith.constant 1 : i32
        %get3A_557 = arith.index_cast %scan3A_502 : i32 to index
        %get3A_558 = arith.index_cast %get3A_556 : i32 to index
        %get3A_559 = arith.constant 16 : index
        %get3A_560 = tpu.vector_load %arg5[%get3A_557, %get3A_558, %get3A_559] {strides = array<i32>} : memref<79x2x128xi32, #tpu.memory_space<vmem>>, vector<16xi32>,
        tpu.vector_store_idx %arg7[%get3A_560], %gather3A_514 {add = true} : memref<10000xf32, #tpu.memory_space<vmem>>[vector<16xi32>], vector<16xf32>,
        %get3A_561 = arith.constant 1 : i32
        %get3A_562 = arith.index_cast %scan3A_502 : i32 to index
        %get3A_563 = arith.index_cast %get3A_561 : i32 to index
        %get3A_564 = arith.constant 32 : index
        %get3A_565 = tpu.vector_load %arg5[%get3A_562, %get3A_563, %get3A_564] {strides = array<i32>} : memref<79x2x128xi32, #tpu.memory_space<vmem>>, vector<16xi32>,
        tpu.vector_store_idx %arg7[%get3A_565], %gather3A_520 {add = true} : memref<10000xf32, #tpu.memory_space<vmem>>[vector<16xi32>], vector<16xf32>,
        %get3A_566 = arith.constant 1 : i32
        %get3A_567 = arith.index_cast %scan3A_502 : i32 to index
        %get3A_568 = arith.index_cast %get3A_566 : i32 to index
        %get3A_569 = arith.constant 48 : index
        %get3A_570 = tpu.vector_load %arg5[%get3A_567, %get3A_568, %get3A_569] {strides = array<i32>} : memref<79x2x128xi32, #tpu.memory_space<vmem>>, vector<16xi32>,
        tpu.vector_store_idx %arg7[%get3A_570], %gather3A_526 {add = true} : memref<10000xf32, #tpu.memory_space<vmem>>[vector<16xi32>], vector<16xf32>,
        %get3A_571 = arith.constant 1 : i32
        %get3A_572 = arith.index_cast %scan3A_502 : i32 to index
        %get3A_573 = arith.index_cast %get3A_571 : i32 to index
        %get3A_574 = arith.constant 64 : index
        %get3A_575 = tpu.vector_load %arg5[%get3A_572, %get3A_573, %get3A_574] {strides = array<i32>} : memref<79x2x128xi32, #tpu.memory_space<vmem>>, vector<16xi32>,
        tpu.vector_store_idx %arg7[%get3A_575], %gather3A_532 {add = true} : memref<10000xf32, #tpu.memory_space<vmem>>[vector<16xi32>], vector<16xf32>,
        %get3A_576 = arith.constant 1 : i32
        %get3A_577 = arith.index_cast %scan3A_502 : i32 to index
        %get3A_578 = arith.index_cast %get3A_576 : i32 to index
        %get3A_579 = arith.constant 80 : index
        %get3A_580 = tpu.vector_load %arg5[%get3A_577, %get3A_578, %get3A_579] {strides = array<i32>} : memref<79x2x128xi32, #tpu.memory_space<vmem>>, vector<16xi32>,
        tpu.vector_store_idx %arg7[%get3A_580], %gather3A_538 {add = true} : memref<10000xf32, #tpu.memory_space<vmem>>[vector<16xi32>], vector<16xf32>,
        %get3A_581 = arith.constant 1 : i32
        %get3A_582 = arith.index_cast %scan3A_502 : i32 to index
        %get3A_583 = arith.index_cast %get3A_581 : i32 to index
        %get3A_584 = arith.constant 96 : index
        %get3A_585 = tpu.vector_load %arg5[%get3A_582, %get3A_583, %get3A_584] {strides = array<i32>} : memref<79x2x128xi32, #tpu.memory_space<vmem>>, vector<16xi32>,
        tpu.vector_store_idx %arg7[%get3A_585], %gather3A_544 {add = true} : memref<10000xf32, #tpu.memory_space<vmem>>[vector<16xi32>], vector<16xf32>,
        %get3A_586 = arith.constant 1 : i32
        %get3A_587 = arith.index_cast %scan3A_502 : i32 to index
        %get3A_588 = arith.index_cast %get3A_586 : i32 to index
        %get3A_589 = arith.constant 112 : index
        %get3A_590 = tpu.vector_load %arg5[%get3A_587, %get3A_588, %get3A_589] {strides = array<i32>} : memref<79x2x128xi32, #tpu.memory_space<vmem>>, vector<16xi32>,
        tpu.vector_store_idx %arg7[%get3A_590], %gather3A_550 {add = true} : memref<10000xf32, #tpu.memory_space<vmem>>[vector<16xi32>], vector<16xf32>,
        %scan3A_591 = arith.constant 3 : i32
        %scan3A_592 = arith.addi %scan3A_322, %scan3A_591 : i32
        %get3A_593 = arith.constant 0 : i32
        %get3A_594 = arith.index_cast %scan3A_592 : i32 to index
        %get3A_595 = arith.index_cast %get3A_593 : i32 to index
        %get3A_596 = arith.constant 0 : index
        %get3A_597 = tpu.vector_load %arg5[%get3A_594, %get3A_595, %get3A_596] {strides = array<i32>} : memref<79x2x128xi32, #tpu.memory_space<vmem>>, vector<16xi32>,
        %gather3A_598 = tpu.vector_load_idx %arg6[%get3A_597] : memref<10000xf32, #tpu.memory_space<vmem>>[vector<16xi32>], vector<16xf32>,
        %get3A_599 = arith.constant 0 : i32
        %get3A_600 = arith.index_cast %scan3A_592 : i32 to index
        %get3A_601 = arith.index_cast %get3A_599 : i32 to index
        %get3A_602 = arith.constant 16 : index
        %get3A_603 = tpu.vector_load %arg5[%get3A_600, %get3A_601, %get3A_602] {strides = array<i32>} : memref<79x2x128xi32, #tpu.memory_space<vmem>>, vector<16xi32>,
        %gather3A_604 = tpu.vector_load_idx %arg6[%get3A_603] : memref<10000xf32, #tpu.memory_space<vmem>>[vector<16xi32>], vector<16xf32>,
        %get3A_605 = arith.constant 0 : i32
        %get3A_606 = arith.index_cast %scan3A_592 : i32 to index
        %get3A_607 = arith.index_cast %get3A_605 : i32 to index
        %get3A_608 = arith.constant 32 : index
        %get3A_609 = tpu.vector_load %arg5[%get3A_606, %get3A_607, %get3A_608] {strides = array<i32>} : memref<79x2x128xi32, #tpu.memory_space<vmem>>, vector<16xi32>,
        %gather3A_610 = tpu.vector_load_idx %arg6[%get3A_609] : memref<10000xf32, #tpu.memory_space<vmem>>[vector<16xi32>], vector<16xf32>,
        %get3A_611 = arith.constant 0 : i32
        %get3A_612 = arith.index_cast %scan3A_592 : i32 to index
        %get3A_613 = arith.index_cast %get3A_611 : i32 to index
        %get3A_614 = arith.constant 48 : index
        %get3A_615 = tpu.vector_load %arg5[%get3A_612, %get3A_613, %get3A_614] {strides = array<i32>} : memref<79x2x128xi32, #tpu.memory_space<vmem>>, vector<16xi32>,
        %gather3A_616 = tpu.vector_load_idx %arg6[%get3A_615] : memref<10000xf32, #tpu.memory_space<vmem>>[vector<16xi32>], vector<16xf32>,
        %get3A_617 = arith.constant 0 : i32
        %get3A_618 = arith.index_cast %scan3A_592 : i32 to index
        %get3A_619 = arith.index_cast %get3A_617 : i32 to index
        %get3A_620 = arith.constant 64 : index
        %get3A_621 = tpu.vector_load %arg5[%get3A_618, %get3A_619, %get3A_620] {strides = array<i32>} : memref<79x2x128xi32, #tpu.memory_space<vmem>>, vector<16xi32>,
        %gather3A_622 = tpu.vector_load_idx %arg6[%get3A_621] : memref<10000xf32, #tpu.memory_space<vmem>>[vector<16xi32>], vector<16xf32>,
        %get3A_623 = arith.constant 0 : i32
        %get3A_624 = arith.index_cast %scan3A_592 : i32 to index
        %get3A_625 = arith.index_cast %get3A_623 : i32 to index
        %get3A_626 = arith.constant 80 : index
        %get3A_627 = tpu.vector_load %arg5[%get3A_624, %get3A_625, %get3A_626] {strides = array<i32>} : memref<79x2x128xi32, #tpu.memory_space<vmem>>, vector<16xi32>,
        %gather3A_628 = tpu.vector_load_idx %arg6[%get3A_627] : memref<10000xf32, #tpu.memory_space<vmem>>[vector<16xi32>], vector<16xf32>,
        %get3A_629 = arith.constant 0 : i32
        %get3A_630 = arith.index_cast %scan3A_592 : i32 to index
        %get3A_631 = arith.index_cast %get3A_629 : i32 to index
        %get3A_632 = arith.constant 96 : index
        %get3A_633 = tpu.vector_load %arg5[%get3A_630, %get3A_631, %get3A_632] {strides = array<i32>} : memref<79x2x128xi32, #tpu.memory_space<vmem>>, vector<16xi32>,
        %gather3A_634 = tpu.vector_load_idx %arg6[%get3A_633] : memref<10000xf32, #tpu.memory_space<vmem>>[vector<16xi32>], vector<16xf32>,
        %get3A_635 = arith.constant 0 : i32
        %get3A_636 = arith.index_cast %scan3A_592 : i32 to index
        %get3A_637 = arith.index_cast %get3A_635 : i32 to index
        %get3A_638 = arith.constant 112 : index
        %get3A_639 = tpu.vector_load %arg5[%get3A_636, %get3A_637, %get3A_638] {strides = array<i32>} : memref<79x2x128xi32, #tpu.memory_space<vmem>>, vector<16xi32>,
        %gather3A_640 = tpu.vector_load_idx %arg6[%get3A_639] : memref<10000xf32, #tpu.memory_space<vmem>>[vector<16xi32>], vector<16xf32>,
        %get3A_641 = arith.constant 1 : i32
        %get3A_642 = arith.index_cast %scan3A_592 : i32 to index
        %get3A_643 = arith.index_cast %get3A_641 : i32 to index
        %get3A_644 = arith.constant 0 : index
        %get3A_645 = tpu.vector_load %arg5[%get3A_642, %get3A_643, %get3A_644] {strides = array<i32>} : memref<79x2x128xi32, #tpu.memory_space<vmem>>, vector<16xi32>,
        tpu.vector_store_idx %arg7[%get3A_645], %gather3A_598 {add = true} : memref<10000xf32, #tpu.memory_space<vmem>>[vector<16xi32>], vector<16xf32>,
        %get3A_646 = arith.constant 1 : i32
        %get3A_647 = arith.index_cast %scan3A_592 : i32 to index
        %get3A_648 = arith.index_cast %get3A_646 : i32 to index
        %get3A_649 = arith.constant 16 : index
        %get3A_650 = tpu.vector_load %arg5[%get3A_647, %get3A_648, %get3A_649] {strides = array<i32>} : memref<79x2x128xi32, #tpu.memory_space<vmem>>, vector<16xi32>,
        tpu.vector_store_idx %arg7[%get3A_650], %gather3A_604 {add = true} : memref<10000xf32, #tpu.memory_space<vmem>>[vector<16xi32>], vector<16xf32>,
        %get3A_651 = arith.constant 1 : i32
        %get3A_652 = arith.index_cast %scan3A_592 : i32 to index
        %get3A_653 = arith.index_cast %get3A_651 : i32 to index
        %get3A_654 = arith.constant 32 : index
        %get3A_655 = tpu.vector_load %arg5[%get3A_652, %get3A_653, %get3A_654] {strides = array<i32>} : memref<79x2x128xi32, #tpu.memory_space<vmem>>, vector<16xi32>,
        tpu.vector_store_idx %arg7[%get3A_655], %gather3A_610 {add = true} : memref<10000xf32, #tpu.memory_space<vmem>>[vector<16xi32>], vector<16xf32>,
        %get3A_656 = arith.constant 1 : i32
        %get3A_657 = arith.index_cast %scan3A_592 : i32 to index
        %get3A_658 = arith.index_cast %get3A_656 : i32 to index
        %get3A_659 = arith.constant 48 : index
        %get3A_660 = tpu.vector_load %arg5[%get3A_657, %get3A_658, %get3A_659] {strides = array<i32>} : memref<79x2x128xi32, #tpu.memory_space<vmem>>, vector<16xi32>,
        tpu.vector_store_idx %arg7[%get3A_660], %gather3A_616 {add = true} : memref<10000xf32, #tpu.memory_space<vmem>>[vector<16xi32>], vector<16xf32>,
        %get3A_661 = arith.constant 1 : i32
        %get3A_662 = arith.index_cast %scan3A_592 : i32 to index
        %get3A_663 = arith.index_cast %get3A_661 : i32 to index
        %get3A_664 = arith.constant 64 : index
        %get3A_665 = tpu.vector_load %arg5[%get3A_662, %get3A_663, %get3A_664] {strides = array<i32>} : memref<79x2x128xi32, #tpu.memory_space<vmem>>, vector<16xi32>,
        tpu.vector_store_idx %arg7[%get3A_665], %gather3A_622 {add = true} : memref<10000xf32, #tpu.memory_space<vmem>>[vector<16xi32>], vector<16xf32>,
        %get3A_666 = arith.constant 1 : i32
        %get3A_667 = arith.index_cast %scan3A_592 : i32 to index
        %get3A_668 = arith.index_cast %get3A_666 : i32 to index
        %get3A_669 = arith.constant 80 : index
        %get3A_670 = tpu.vector_load %arg5[%get3A_667, %get3A_668, %get3A_669] {strides = array<i32>} : memref<79x2x128xi32, #tpu.memory_space<vmem>>, vector<16xi32>,
        tpu.vector_store_idx %arg7[%get3A_670], %gather3A_628 {add = true} : memref<10000xf32, #tpu.memory_space<vmem>>[vector<16xi32>], vector<16xf32>,
        %get3A_671 = arith.constant 1 : i32
        %get3A_672 = arith.index_cast %scan3A_592 : i32 to index
        %get3A_673 = arith.index_cast %get3A_671 : i32 to index
        %get3A_674 = arith.constant 96 : index
        %get3A_675 = tpu.vector_load %arg5[%get3A_672, %get3A_673, %get3A_674] {strides = array<i32>} : memref<79x2x128xi32, #tpu.memory_space<vmem>>, vector<16xi32>,
        tpu.vector_store_idx %arg7[%get3A_675], %gather3A_634 {add = true} : memref<10000xf32, #tpu.memory_space<vmem>>[vector<16xi32>], vector<16xf32>,
        %get3A_676 = arith.constant 1 : i32
        %get3A_677 = arith.index_cast %scan3A_592 : i32 to index
        %get3A_678 = arith.index_cast %get3A_676 : i32 to index
        %get3A_679 = arith.constant 112 : index
        %get3A_680 = tpu.vector_load %arg5[%get3A_677, %get3A_678, %get3A_679] {strides = array<i32>} : memref<79x2x128xi32, #tpu.memory_space<vmem>>, vector<16xi32>,
        tpu.vector_store_idx %arg7[%get3A_680], %gather3A_640 {add = true} : memref<10000xf32, #tpu.memory_space<vmem>>[vector<16xi32>], vector<16xf32>,
      }
      %scan3A_53 = arith.constant 76 : i32
      %scan3A_54 = arith.addi %scan3A_49, %scan3A_53 : i32
      %get3A = arith.constant 0 : i32
      %get3A_55 = arith.index_cast %scan3A_54 : i32 to index
      %get3A_56 = arith.index_cast %get3A : i32 to index
      %get3A_57 = arith.constant 0 : index
      %get3A_58 = tpu.vector_load %arg5[%get3A_55, %get3A_56, %get3A_57] {strides = array<i32>} : memref<79x2x128xi32, #tpu.memory_space<vmem>>, vector<16xi32>,
      %gather3A = tpu.vector_load_idx %arg6[%get3A_58] : memref<10000xf32, #tpu.memory_space<vmem>>[vector<16xi32>], vector<16xf32>,
      %get3A_59 = arith.constant 0 : i32
      %get3A_60 = arith.index_cast %scan3A_54 : i32 to index
      %get3A_61 = arith.index_cast %get3A_59 : i32 to index
      %get3A_62 = arith.constant 16 : index
      %get3A_63 = tpu.vector_load %arg5[%get3A_60, %get3A_61, %get3A_62] {strides = array<i32>} : memref<79x2x128xi32, #tpu.memory_space<vmem>>, vector<16xi32>,
      %gather3A_64 = tpu.vector_load_idx %arg6[%get3A_63] : memref<10000xf32, #tpu.memory_space<vmem>>[vector<16xi32>], vector<16xf32>,
      %get3A_65 = arith.constant 0 : i32
      %get3A_66 = arith.index_cast %scan3A_54 : i32 to index
      %get3A_67 = arith.index_cast %get3A_65 : i32 to index
      %get3A_68 = arith.constant 32 : index
      %get3A_69 = tpu.vector_load %arg5[%get3A_66, %get3A_67, %get3A_68] {strides = array<i32>} : memref<79x2x128xi32, #tpu.memory_space<vmem>>, vector<16xi32>,
      %gather3A_70 = tpu.vector_load_idx %arg6[%get3A_69] : memref<10000xf32, #tpu.memory_space<vmem>>[vector<16xi32>], vector<16xf32>,
      %get3A_71 = arith.constant 0 : i32
      %get3A_72 = arith.index_cast %scan3A_54 : i32 to index
      %get3A_73 = arith.index_cast %get3A_71 : i32 to index
      %get3A_74 = arith.constant 48 : index
      %get3A_75 = tpu.vector_load %arg5[%get3A_72, %get3A_73, %get3A_74] {strides = array<i32>} : memref<79x2x128xi32, #tpu.memory_space<vmem>>, vector<16xi32>,
      %gather3A_76 = tpu.vector_load_idx %arg6[%get3A_75] : memref<10000xf32, #tpu.memory_space<vmem>>[vector<16xi32>], vector<16xf32>,
      %get3A_77 = arith.constant 0 : i32
      %get3A_78 = arith.index_cast %scan3A_54 : i32 to index
      %get3A_79 = arith.index_cast %get3A_77 : i32 to index
      %get3A_80 = arith.constant 64 : index
      %get3A_81 = tpu.vector_load %arg5[%get3A_78, %get3A_79, %get3A_80] {strides = array<i32>} : memref<79x2x128xi32, #tpu.memory_space<vmem>>, vector<16xi32>,
      %gather3A_82 = tpu.vector_load_idx %arg6[%get3A_81] : memref<10000xf32, #tpu.memory_space<vmem>>[vector<16xi32>], vector<16xf32>,
      %get3A_83 = arith.constant 0 : i32
      %get3A_84 = arith.index_cast %scan3A_54 : i32 to index
      %get3A_85 = arith.index_cast %get3A_83 : i32 to index
      %get3A_86 = arith.constant 80 : index
      %get3A_87 = tpu.vector_load %arg5[%get3A_84, %get3A_85, %get3A_86] {strides = array<i32>} : memref<79x2x128xi32, #tpu.memory_space<vmem>>, vector<16xi32>,
      %gather3A_88 = tpu.vector_load_idx %arg6[%get3A_87] : memref<10000xf32, #tpu.memory_space<vmem>>[vector<16xi32>], vector<16xf32>,
      %get3A_89 = arith.constant 0 : i32
      %get3A_90 = arith.index_cast %scan3A_54 : i32 to index
      %get3A_91 = arith.index_cast %get3A_89 : i32 to index
      %get3A_92 = arith.constant 96 : index
      %get3A_93 = tpu.vector_load %arg5[%get3A_90, %get3A_91, %get3A_92] {strides = array<i32>} : memref<79x2x128xi32, #tpu.memory_space<vmem>>, vector<16xi32>,
      %gather3A_94 = tpu.vector_load_idx %arg6[%get3A_93] : memref<10000xf32, #tpu.memory_space<vmem>>[vector<16xi32>], vector<16xf32>,
      %get3A_95 = arith.constant 0 : i32
      %get3A_96 = arith.index_cast %scan3A_54 : i32 to index
      %get3A_97 = arith.index_cast %get3A_95 : i32 to index
      %get3A_98 = arith.constant 112 : index
      %get3A_99 = tpu.vector_load %arg5[%get3A_96, %get3A_97, %get3A_98] {strides = array<i32>} : memref<79x2x128xi32, #tpu.memory_space<vmem>>, vector<16xi32>,
      %gather3A_100 = tpu.vector_load_idx %arg6[%get3A_99] : memref<10000xf32, #tpu.memory_space<vmem>>[vector<16xi32>], vector<16xf32>,
      %get3A_101 = arith.constant 1 : i32
      %get3A_102 = arith.index_cast %scan3A_54 : i32 to index
      %get3A_103 = arith.index_cast %get3A_101 : i32 to index
      %get3A_104 = arith.constant 0 : index
      %get3A_105 = tpu.vector_load %arg5[%get3A_102, %get3A_103, %get3A_104] {strides = array<i32>} : memref<79x2x128xi32, #tpu.memory_space<vmem>>, vector<16xi32>,
      tpu.vector_store_idx %arg7[%get3A_105], %gather3A {add = true} : memref<10000xf32, #tpu.memory_space<vmem>>[vector<16xi32>], vector<16xf32>,
      %get3A_106 = arith.constant 1 : i32
      %get3A_107 = arith.index_cast %scan3A_54 : i32 to index
      %get3A_108 = arith.index_cast %get3A_106 : i32 to index
      %get3A_109 = arith.constant 16 : index
      %get3A_110 = tpu.vector_load %arg5[%get3A_107, %get3A_108, %get3A_109] {strides = array<i32>} : memref<79x2x128xi32, #tpu.memory_space<vmem>>, vector<16xi32>,
      tpu.vector_store_idx %arg7[%get3A_110], %gather3A_64 {add = true} : memref<10000xf32, #tpu.memory_space<vmem>>[vector<16xi32>], vector<16xf32>,
      %get3A_111 = arith.constant 1 : i32
      %get3A_112 = arith.index_cast %scan3A_54 : i32 to index
      %get3A_113 = arith.index_cast %get3A_111 : i32 to index
      %get3A_114 = arith.constant 32 : index
      %get3A_115 = tpu.vector_load %arg5[%get3A_112, %get3A_113, %get3A_114] {strides = array<i32>} : memref<79x2x128xi32, #tpu.memory_space<vmem>>, vector<16xi32>,
      tpu.vector_store_idx %arg7[%get3A_115], %gather3A_70 {add = true} : memref<10000xf32, #tpu.memory_space<vmem>>[vector<16xi32>], vector<16xf32>,
      %get3A_116 = arith.constant 1 : i32
      %get3A_117 = arith.index_cast %scan3A_54 : i32 to index
      %get3A_118 = arith.index_cast %get3A_116 : i32 to index
      %get3A_119 = arith.constant 48 : index
      %get3A_120 = tpu.vector_load %arg5[%get3A_117, %get3A_118, %get3A_119] {strides = array<i32>} : memref<79x2x128xi32, #tpu.memory_space<vmem>>, vector<16xi32>,
      tpu.vector_store_idx %arg7[%get3A_120], %gather3A_76 {add = true} : memref<10000xf32, #tpu.memory_space<vmem>>[vector<16xi32>], vector<16xf32>,
      %get3A_121 = arith.constant 1 : i32
      %get3A_122 = arith.index_cast %scan3A_54 : i32 to index
      %get3A_123 = arith.index_cast %get3A_121 : i32 to index
      %get3A_124 = arith.constant 64 : index
      %get3A_125 = tpu.vector_load %arg5[%get3A_122, %get3A_123, %get3A_124] {strides = array<i32>} : memref<79x2x128xi32, #tpu.memory_space<vmem>>, vector<16xi32>,
      tpu.vector_store_idx %arg7[%get3A_125], %gather3A_82 {add = true} : memref<10000xf32, #tpu.memory_space<vmem>>[vector<16xi32>], vector<16xf32>,
      %get3A_126 = arith.constant 1 : i32
      %get3A_127 = arith.index_cast %scan3A_54 : i32 to index
      %get3A_128 = arith.index_cast %get3A_126 : i32 to index
      %get3A_129 = arith.constant 80 : index
      %get3A_130 = tpu.vector_load %arg5[%get3A_127, %get3A_128, %get3A_129] {strides = array<i32>} : memref<79x2x128xi32, #tpu.memory_space<vmem>>, vector<16xi32>,
      tpu.vector_store_idx %arg7[%get3A_130], %gather3A_88 {add = true} : memref<10000xf32, #tpu.memory_space<vmem>>[vector<16xi32>], vector<16xf32>,
      %get3A_131 = arith.constant 1 : i32
      %get3A_132 = arith.index_cast %scan3A_54 : i32 to index
      %get3A_133 = arith.index_cast %get3A_131 : i32 to index
      %get3A_134 = arith.constant 96 : index
      %get3A_135 = tpu.vector_load %arg5[%get3A_132, %get3A_133, %get3A_134] {strides = array<i32>} : memref<79x2x128xi32, #tpu.memory_space<vmem>>, vector<16xi32>,
      tpu.vector_store_idx %arg7[%get3A_135], %gather3A_94 {add = true} : memref<10000xf32, #tpu.memory_space<vmem>>[vector<16xi32>], vector<16xf32>,
      %get3A_136 = arith.constant 1 : i32
      %get3A_137 = arith.index_cast %scan3A_54 : i32 to index
      %get3A_138 = arith.index_cast %get3A_136 : i32 to index
      %get3A_139 = arith.constant 112 : index
      %get3A_140 = tpu.vector_load %arg5[%get3A_137, %get3A_138, %get3A_139] {strides = array<i32>} : memref<79x2x128xi32, #tpu.memory_space<vmem>>, vector<16xi32>,
      tpu.vector_store_idx %arg7[%get3A_140], %gather3A_100 {add = true} : memref<10000xf32, #tpu.memory_space<vmem>>[vector<16xi32>], vector<16xf32>,
      %scan3A_141 = arith.constant 77 : i32
      %scan3A_142 = arith.addi %scan3A_49, %scan3A_141 : i32
      %get3A_143 = arith.constant 0 : i32
      %get3A_144 = arith.index_cast %scan3A_142 : i32 to index
      %get3A_145 = arith.index_cast %get3A_143 : i32 to index
      %get3A_146 = arith.constant 0 : index
      %get3A_147 = tpu.vector_load %arg5[%get3A_144, %get3A_145, %get3A_146] {strides = array<i32>} : memref<79x2x128xi32, #tpu.memory_space<vmem>>, vector<16xi32>,
      %gather3A_148 = tpu.vector_load_idx %arg6[%get3A_147] : memref<10000xf32, #tpu.memory_space<vmem>>[vector<16xi32>], vector<16xf32>,
      %get3A_149 = arith.constant 0 : i32
      %get3A_150 = arith.index_cast %scan3A_142 : i32 to index
      %get3A_151 = arith.index_cast %get3A_149 : i32 to index
      %get3A_152 = arith.constant 16 : index
      %get3A_153 = tpu.vector_load %arg5[%get3A_150, %get3A_151, %get3A_152] {strides = array<i32>} : memref<79x2x128xi32, #tpu.memory_space<vmem>>, vector<16xi32>,
      %gather3A_154 = tpu.vector_load_idx %arg6[%get3A_153] : memref<10000xf32, #tpu.memory_space<vmem>>[vector<16xi32>], vector<16xf32>,
      %get3A_155 = arith.constant 0 : i32
      %get3A_156 = arith.index_cast %scan3A_142 : i32 to index
      %get3A_157 = arith.index_cast %get3A_155 : i32 to index
      %get3A_158 = arith.constant 32 : index
      %get3A_159 = tpu.vector_load %arg5[%get3A_156, %get3A_157, %get3A_158] {strides = array<i32>} : memref<79x2x128xi32, #tpu.memory_space<vmem>>, vector<16xi32>,
      %gather3A_160 = tpu.vector_load_idx %arg6[%get3A_159] : memref<10000xf32, #tpu.memory_space<vmem>>[vector<16xi32>], vector<16xf32>,
      %get3A_161 = arith.constant 0 : i32
      %get3A_162 = arith.index_cast %scan3A_142 : i32 to index
      %get3A_163 = arith.index_cast %get3A_161 : i32 to index
      %get3A_164 = arith.constant 48 : index
      %get3A_165 = tpu.vector_load %arg5[%get3A_162, %get3A_163, %get3A_164] {strides = array<i32>} : memref<79x2x128xi32, #tpu.memory_space<vmem>>, vector<16xi32>,
      %gather3A_166 = tpu.vector_load_idx %arg6[%get3A_165] : memref<10000xf32, #tpu.memory_space<vmem>>[vector<16xi32>], vector<16xf32>,
      %get3A_167 = arith.constant 0 : i32
      %get3A_168 = arith.index_cast %scan3A_142 : i32 to index
      %get3A_169 = arith.index_cast %get3A_167 : i32 to index
      %get3A_170 = arith.constant 64 : index
      %get3A_171 = tpu.vector_load %arg5[%get3A_168, %get3A_169, %get3A_170] {strides = array<i32>} : memref<79x2x128xi32, #tpu.memory_space<vmem>>, vector<16xi32>,
      %gather3A_172 = tpu.vector_load_idx %arg6[%get3A_171] : memref<10000xf32, #tpu.memory_space<vmem>>[vector<16xi32>], vector<16xf32>,
      %get3A_173 = arith.constant 0 : i32
      %get3A_174 = arith.index_cast %scan3A_142 : i32 to index
      %get3A_175 = arith.index_cast %get3A_173 : i32 to index
      %get3A_176 = arith.constant 80 : index
      %get3A_177 = tpu.vector_load %arg5[%get3A_174, %get3A_175, %get3A_176] {strides = array<i32>} : memref<79x2x128xi32, #tpu.memory_space<vmem>>, vector<16xi32>,
      %gather3A_178 = tpu.vector_load_idx %arg6[%get3A_177] : memref<10000xf32, #tpu.memory_space<vmem>>[vector<16xi32>], vector<16xf32>,
      %get3A_179 = arith.constant 0 : i32
      %get3A_180 = arith.index_cast %scan3A_142 : i32 to index
      %get3A_181 = arith.index_cast %get3A_179 : i32 to index
      %get3A_182 = arith.constant 96 : index
      %get3A_183 = tpu.vector_load %arg5[%get3A_180, %get3A_181, %get3A_182] {strides = array<i32>} : memref<79x2x128xi32, #tpu.memory_space<vmem>>, vector<16xi32>,
      %gather3A_184 = tpu.vector_load_idx %arg6[%get3A_183] : memref<10000xf32, #tpu.memory_space<vmem>>[vector<16xi32>], vector<16xf32>,
      %get3A_185 = arith.constant 0 : i32
      %get3A_186 = arith.index_cast %scan3A_142 : i32 to index
      %get3A_187 = arith.index_cast %get3A_185 : i32 to index
      %get3A_188 = arith.constant 112 : index
      %get3A_189 = tpu.vector_load %arg5[%get3A_186, %get3A_187, %get3A_188] {strides = array<i32>} : memref<79x2x128xi32, #tpu.memory_space<vmem>>, vector<16xi32>,
      %gather3A_190 = tpu.vector_load_idx %arg6[%get3A_189] : memref<10000xf32, #tpu.memory_space<vmem>>[vector<16xi32>], vector<16xf32>,
      %get3A_191 = arith.constant 1 : i32
      %get3A_192 = arith.index_cast %scan3A_142 : i32 to index
      %get3A_193 = arith.index_cast %get3A_191 : i32 to index
      %get3A_194 = arith.constant 0 : index
      %get3A_195 = tpu.vector_load %arg5[%get3A_192, %get3A_193, %get3A_194] {strides = array<i32>} : memref<79x2x128xi32, #tpu.memory_space<vmem>>, vector<16xi32>,
      tpu.vector_store_idx %arg7[%get3A_195], %gather3A_148 {add = true} : memref<10000xf32, #tpu.memory_space<vmem>>[vector<16xi32>], vector<16xf32>,
      %get3A_196 = arith.constant 1 : i32
      %get3A_197 = arith.index_cast %scan3A_142 : i32 to index
      %get3A_198 = arith.index_cast %get3A_196 : i32 to index
      %get3A_199 = arith.constant 16 : index
      %get3A_200 = tpu.vector_load %arg5[%get3A_197, %get3A_198, %get3A_199] {strides = array<i32>} : memref<79x2x128xi32, #tpu.memory_space<vmem>>, vector<16xi32>,
      tpu.vector_store_idx %arg7[%get3A_200], %gather3A_154 {add = true} : memref<10000xf32, #tpu.memory_space<vmem>>[vector<16xi32>], vector<16xf32>,
      %get3A_201 = arith.constant 1 : i32
      %get3A_202 = arith.index_cast %scan3A_142 : i32 to index
      %get3A_203 = arith.index_cast %get3A_201 : i32 to index
      %get3A_204 = arith.constant 32 : index
      %get3A_205 = tpu.vector_load %arg5[%get3A_202, %get3A_203, %get3A_204] {strides = array<i32>} : memref<79x2x128xi32, #tpu.memory_space<vmem>>, vector<16xi32>,
      tpu.vector_store_idx %arg7[%get3A_205], %gather3A_160 {add = true} : memref<10000xf32, #tpu.memory_space<vmem>>[vector<16xi32>], vector<16xf32>,
      %get3A_206 = arith.constant 1 : i32
      %get3A_207 = arith.index_cast %scan3A_142 : i32 to index
      %get3A_208 = arith.index_cast %get3A_206 : i32 to index
      %get3A_209 = arith.constant 48 : index
      %get3A_210 = tpu.vector_load %arg5[%get3A_207, %get3A_208, %get3A_209] {strides = array<i32>} : memref<79x2x128xi32, #tpu.memory_space<vmem>>, vector<16xi32>,
      tpu.vector_store_idx %arg7[%get3A_210], %gather3A_166 {add = true} : memref<10000xf32, #tpu.memory_space<vmem>>[vector<16xi32>], vector<16xf32>,
      %get3A_211 = arith.constant 1 : i32
      %get3A_212 = arith.index_cast %scan3A_142 : i32 to index
      %get3A_213 = arith.index_cast %get3A_211 : i32 to index
      %get3A_214 = arith.constant 64 : index
      %get3A_215 = tpu.vector_load %arg5[%get3A_212, %get3A_213, %get3A_214] {strides = array<i32>} : memref<79x2x128xi32, #tpu.memory_space<vmem>>, vector<16xi32>,
      tpu.vector_store_idx %arg7[%get3A_215], %gather3A_172 {add = true} : memref<10000xf32, #tpu.memory_space<vmem>>[vector<16xi32>], vector<16xf32>,
      %get3A_216 = arith.constant 1 : i32
      %get3A_217 = arith.index_cast %scan3A_142 : i32 to index
      %get3A_218 = arith.index_cast %get3A_216 : i32 to index
      %get3A_219 = arith.constant 80 : index
      %get3A_220 = tpu.vector_load %arg5[%get3A_217, %get3A_218, %get3A_219] {strides = array<i32>} : memref<79x2x128xi32, #tpu.memory_space<vmem>>, vector<16xi32>,
      tpu.vector_store_idx %arg7[%get3A_220], %gather3A_178 {add = true} : memref<10000xf32, #tpu.memory_space<vmem>>[vector<16xi32>], vector<16xf32>,
      %get3A_221 = arith.constant 1 : i32
      %get3A_222 = arith.index_cast %scan3A_142 : i32 to index
      %get3A_223 = arith.index_cast %get3A_221 : i32 to index
      %get3A_224 = arith.constant 96 : index
      %get3A_225 = tpu.vector_load %arg5[%get3A_222, %get3A_223, %get3A_224] {strides = array<i32>} : memref<79x2x128xi32, #tpu.memory_space<vmem>>, vector<16xi32>,
      tpu.vector_store_idx %arg7[%get3A_225], %gather3A_184 {add = true} : memref<10000xf32, #tpu.memory_space<vmem>>[vector<16xi32>], vector<16xf32>,
      %get3A_226 = arith.constant 1 : i32
      %get3A_227 = arith.index_cast %scan3A_142 : i32 to index
      %get3A_228 = arith.index_cast %get3A_226 : i32 to index
      %get3A_229 = arith.constant 112 : index
      %get3A_230 = tpu.vector_load %arg5[%get3A_227, %get3A_228, %get3A_229] {strides = array<i32>} : memref<79x2x128xi32, #tpu.memory_space<vmem>>, vector<16xi32>,
      tpu.vector_store_idx %arg7[%get3A_230], %gather3A_190 {add = true} : memref<10000xf32, #tpu.memory_space<vmem>>[vector<16xi32>], vector<16xf32>,
      %scan3A_231 = arith.constant 78 : i32
      %scan3A_232 = arith.addi %scan3A_49, %scan3A_231 : i32
      %get3A_233 = arith.constant 0 : i32
      %get3A_234 = arith.index_cast %scan3A_232 : i32 to index
      %get3A_235 = arith.index_cast %get3A_233 : i32 to index
      %get3A_236 = arith.constant 0 : index
      %get3A_237 = tpu.vector_load %arg5[%get3A_234, %get3A_235, %get3A_236] {strides = array<i32>} : memref<79x2x128xi32, #tpu.memory_space<vmem>>, vector<16xi32>,
      %gather3A_238 = tpu.vector_load_idx %arg6[%get3A_237] : memref<10000xf32, #tpu.memory_space<vmem>>[vector<16xi32>], vector<16xf32>,
      %get3A_239 = arith.constant 0 : i32
      %get3A_240 = arith.index_cast %scan3A_232 : i32 to index
      %get3A_241 = arith.index_cast %get3A_239 : i32 to index
      %get3A_242 = arith.constant 16 : index
      %get3A_243 = tpu.vector_load %arg5[%get3A_240, %get3A_241, %get3A_242] {strides = array<i32>} : memref<79x2x128xi32, #tpu.memory_space<vmem>>, vector<16xi32>,
      %gather3A_244 = tpu.vector_load_idx %arg6[%get3A_243] : memref<10000xf32, #tpu.memory_space<vmem>>[vector<16xi32>], vector<16xf32>,
      %get3A_245 = arith.constant 0 : i32
      %get3A_246 = arith.index_cast %scan3A_232 : i32 to index
      %get3A_247 = arith.index_cast %get3A_245 : i32 to index
      %get3A_248 = arith.constant 32 : index
      %get3A_249 = tpu.vector_load %arg5[%get3A_246, %get3A_247, %get3A_248] {strides = array<i32>} : memref<79x2x128xi32, #tpu.memory_space<vmem>>, vector<16xi32>,
      %gather3A_250 = tpu.vector_load_idx %arg6[%get3A_249] : memref<10000xf32, #tpu.memory_space<vmem>>[vector<16xi32>], vector<16xf32>,
      %get3A_251 = arith.constant 0 : i32
      %get3A_252 = arith.index_cast %scan3A_232 : i32 to index
      %get3A_253 = arith.index_cast %get3A_251 : i32 to index
      %get3A_254 = arith.constant 48 : index
      %get3A_255 = tpu.vector_load %arg5[%get3A_252, %get3A_253, %get3A_254] {strides = array<i32>} : memref<79x2x128xi32, #tpu.memory_space<vmem>>, vector<16xi32>,
      %gather3A_256 = tpu.vector_load_idx %arg6[%get3A_255] : memref<10000xf32, #tpu.memory_space<vmem>>[vector<16xi32>], vector<16xf32>,
      %get3A_257 = arith.constant 0 : i32
      %get3A_258 = arith.index_cast %scan3A_232 : i32 to index
      %get3A_259 = arith.index_cast %get3A_257 : i32 to index
      %get3A_260 = arith.constant 64 : index
      %get3A_261 = tpu.vector_load %arg5[%get3A_258, %get3A_259, %get3A_260] {strides = array<i32>} : memref<79x2x128xi32, #tpu.memory_space<vmem>>, vector<16xi32>,
      %gather3A_262 = tpu.vector_load_idx %arg6[%get3A_261] : memref<10000xf32, #tpu.memory_space<vmem>>[vector<16xi32>], vector<16xf32>,
      %get3A_263 = arith.constant 0 : i32
      %get3A_264 = arith.index_cast %scan3A_232 : i32 to index
      %get3A_265 = arith.index_cast %get3A_263 : i32 to index
      %get3A_266 = arith.constant 80 : index
      %get3A_267 = tpu.vector_load %arg5[%get3A_264, %get3A_265, %get3A_266] {strides = array<i32>} : memref<79x2x128xi32, #tpu.memory_space<vmem>>, vector<16xi32>,
      %gather3A_268 = tpu.vector_load_idx %arg6[%get3A_267] : memref<10000xf32, #tpu.memory_space<vmem>>[vector<16xi32>], vector<16xf32>,
      %get3A_269 = arith.constant 0 : i32
      %get3A_270 = arith.index_cast %scan3A_232 : i32 to index
      %get3A_271 = arith.index_cast %get3A_269 : i32 to index
      %get3A_272 = arith.constant 96 : index
      %get3A_273 = tpu.vector_load %arg5[%get3A_270, %get3A_271, %get3A_272] {strides = array<i32>} : memref<79x2x128xi32, #tpu.memory_space<vmem>>, vector<16xi32>,
      %gather3A_274 = tpu.vector_load_idx %arg6[%get3A_273] : memref<10000xf32, #tpu.memory_space<vmem>>[vector<16xi32>], vector<16xf32>,
      %get3A_275 = arith.constant 0 : i32
      %get3A_276 = arith.index_cast %scan3A_232 : i32 to index
      %get3A_277 = arith.index_cast %get3A_275 : i32 to index
      %get3A_278 = arith.constant 112 : index
      %get3A_279 = tpu.vector_load %arg5[%get3A_276, %get3A_277, %get3A_278] {strides = array<i32>} : memref<79x2x128xi32, #tpu.memory_space<vmem>>, vector<16xi32>,
      %gather3A_280 = tpu.vector_load_idx %arg6[%get3A_279] : memref<10000xf32, #tpu.memory_space<vmem>>[vector<16xi32>], vector<16xf32>,
      %get3A_281 = arith.constant 1 : i32
      %get3A_282 = arith.index_cast %scan3A_232 : i32 to index
      %get3A_283 = arith.index_cast %get3A_281 : i32 to index
      %get3A_284 = arith.constant 0 : index
      %get3A_285 = tpu.vector_load %arg5[%get3A_282, %get3A_283, %get3A_284] {strides = array<i32>} : memref<79x2x128xi32, #tpu.memory_space<vmem>>, vector<16xi32>,
      tpu.vector_store_idx %arg7[%get3A_285], %gather3A_238 {add = true} : memref<10000xf32, #tpu.memory_space<vmem>>[vector<16xi32>], vector<16xf32>,
      %get3A_286 = arith.constant 1 : i32
      %get3A_287 = arith.index_cast %scan3A_232 : i32 to index
      %get3A_288 = arith.index_cast %get3A_286 : i32 to index
      %get3A_289 = arith.constant 16 : index
      %get3A_290 = tpu.vector_load %arg5[%get3A_287, %get3A_288, %get3A_289] {strides = array<i32>} : memref<79x2x128xi32, #tpu.memory_space<vmem>>, vector<16xi32>,
      tpu.vector_store_idx %arg7[%get3A_290], %gather3A_244 {add = true} : memref<10000xf32, #tpu.memory_space<vmem>>[vector<16xi32>], vector<16xf32>,
      %get3A_291 = arith.constant 1 : i32
      %get3A_292 = arith.index_cast %scan3A_232 : i32 to index
      %get3A_293 = arith.index_cast %get3A_291 : i32 to index
      %get3A_294 = arith.constant 32 : index
      %get3A_295 = tpu.vector_load %arg5[%get3A_292, %get3A_293, %get3A_294] {strides = array<i32>} : memref<79x2x128xi32, #tpu.memory_space<vmem>>, vector<16xi32>,
      tpu.vector_store_idx %arg7[%get3A_295], %gather3A_250 {add = true} : memref<10000xf32, #tpu.memory_space<vmem>>[vector<16xi32>], vector<16xf32>,
      %get3A_296 = arith.constant 1 : i32
      %get3A_297 = arith.index_cast %scan3A_232 : i32 to index
      %get3A_298 = arith.index_cast %get3A_296 : i32 to index
      %get3A_299 = arith.constant 48 : index
      %get3A_300 = tpu.vector_load %arg5[%get3A_297, %get3A_298, %get3A_299] {strides = array<i32>} : memref<79x2x128xi32, #tpu.memory_space<vmem>>, vector<16xi32>,
      tpu.vector_store_idx %arg7[%get3A_300], %gather3A_256 {add = true} : memref<10000xf32, #tpu.memory_space<vmem>>[vector<16xi32>], vector<16xf32>,
      %get3A_301 = arith.constant 1 : i32
      %get3A_302 = arith.index_cast %scan3A_232 : i32 to index
      %get3A_303 = arith.index_cast %get3A_301 : i32 to index
      %get3A_304 = arith.constant 64 : index
      %get3A_305 = tpu.vector_load %arg5[%get3A_302, %get3A_303, %get3A_304] {strides = array<i32>} : memref<79x2x128xi32, #tpu.memory_space<vmem>>, vector<16xi32>,
      tpu.vector_store_idx %arg7[%get3A_305], %gather3A_262 {add = true} : memref<10000xf32, #tpu.memory_space<vmem>>[vector<16xi32>], vector<16xf32>,
      %get3A_306 = arith.constant 1 : i32
      %get3A_307 = arith.index_cast %scan3A_232 : i32 to index
      %get3A_308 = arith.index_cast %get3A_306 : i32 to index
      %get3A_309 = arith.constant 80 : index
      %get3A_310 = tpu.vector_load %arg5[%get3A_307, %get3A_308, %get3A_309] {strides = array<i32>} : memref<79x2x128xi32, #tpu.memory_space<vmem>>, vector<16xi32>,
      tpu.vector_store_idx %arg7[%get3A_310], %gather3A_268 {add = true} : memref<10000xf32, #tpu.memory_space<vmem>>[vector<16xi32>], vector<16xf32>,
      %get3A_311 = arith.constant 1 : i32
      %get3A_312 = arith.index_cast %scan3A_232 : i32 to index
      %get3A_313 = arith.index_cast %get3A_311 : i32 to index
      %get3A_314 = arith.constant 96 : index
      %get3A_315 = tpu.vector_load %arg5[%get3A_312, %get3A_313, %get3A_314] {strides = array<i32>} : memref<79x2x128xi32, #tpu.memory_space<vmem>>, vector<16xi32>,
      tpu.vector_store_idx %arg7[%get3A_315], %gather3A_274 {add = true} : memref<10000xf32, #tpu.memory_space<vmem>>[vector<16xi32>], vector<16xf32>,
      %get3A_316 = arith.constant 1 : i32
      %get3A_317 = arith.index_cast %scan3A_232 : i32 to index
      %get3A_318 = arith.index_cast %get3A_316 : i32 to index
      %get3A_319 = arith.constant 112 : index
      %get3A_320 = tpu.vector_load %arg5[%get3A_317, %get3A_318, %get3A_319] {strides = array<i32>} : memref<79x2x128xi32, #tpu.memory_space<vmem>>, vector<16xi32>,
      tpu.vector_store_idx %arg7[%get3A_320], %gather3A_280 {add = true} : memref<10000xf32, #tpu.memory_space<vmem>>[vector<16xi32>], vector<16xf32>,
      %scan3A_321 = arith.constant 79 : i32
    } else {
    }
    %ge3A = arith.constant 4 : i32
    %ge3A_8 = arith.cmpi sge, %add3A, %ge3A : i32
    %convert_element_type3A_9 = arith.extui %ge3A_8 : i1 to i32
    %cond3A_10 = arith.constant 0 : i32
    %cond3A_11 = arith.cmpi ne, %convert_element_type3A_9, %cond3A_10 : i32
    scf.if %cond3A_11 {
      tpu.enqueue_dma source(%arg3 : memref<10000xf32, #tpu.memory_space<hbm>>) target(%arg6 : memref<10000xf32, #tpu.memory_space<vmem>>) target_semaphore(%arg8 : memref<!tpu.dma_semaphore, #tpu.memory_space<semaphore_mem>>)
      %dma_start3A = arith.constant 0 : i32
      %dma_start3A_12 = arith.constant 0 : i32
      %dma_start3A_13 = arith.constant 0 : i32
      %dma_start3A_14 = tpu.memref_slice %arg5[%dma_start3A, %dma_start3A_12, %dma_start3A_13] : memref<79x2x128xi32, #tpu.memory_space<vmem>> -> memref<78x2x128xi32, #tpu.memory_space<vmem>>
      %dma_start3A_15 = arith.constant 0 : i32
      %dma_start3A_16 = arith.constant 0 : i32
      %dma_start3A_17 = tpu.memref_slice %arg2[%add3A_4, %dma_start3A_15, %dma_start3A_16] : memref<2500x2x128xi32, #tpu.memory_space<hbm>> -> memref<78x2x128xi32, #tpu.memory_space<hbm>>
      %dma_start3A_18 = arith.constant 0 : i32
      %dma_start3A_19 = arith.constant 0 : i32
      %dma_start3A_20 = arith.constant 0 : i32
      %dma_start3A_21 = tpu.memref_slice %arg5[%dma_start3A_18, %dma_start3A_19, %dma_start3A_20] : memref<79x2x128xi32, #tpu.memory_space<vmem>> -> memref<78x2x128xi32, #tpu.memory_space<vmem>>
      %dma_start3A_22 = arith.constant 0 : i32
      %dma_start3A_23 = arith.constant 0 : i32
      %dma_start3A_24 = tpu.memref_slice %arg2[%add3A_4, %dma_start3A_22, %dma_start3A_23] : memref<2500x2x128xi32, #tpu.memory_space<hbm>> -> memref<78x2x128xi32, #tpu.memory_space<hbm>>
      tpu.enqueue_dma source(%dma_start3A_24 : memref<78x2x128xi32, #tpu.memory_space<hbm>>) target(%dma_start3A_21 : memref<78x2x128xi32, #tpu.memory_space<vmem>>) target_semaphore(%arg9 : memref<!tpu.dma_semaphore, #tpu.memory_space<semaphore_mem>>)
      %scan3A = arith.constant 0 : i32
      %scan3A_25 = arith.constant 0 : i32
      %scan3A_26 = arith.constant 624 : i32
      %scan3A_27 = arith.addi %scan3A_25, %scan3A_26 : i32
      %scan3A_28 = arith.constant 8 : i32
      scf.for %scan3A_232 = %scan3A_25 to %scan3A_27 step %scan3A_28  : i32 {
        %mul3A_233 = arith.constant 16 : i32
        %mul3A_234 = arith.muli %scan3A_232, %mul3A_233 : i32
        %swap3A_235 = arith.index_cast %mul3A_234 : i32 to index
        %swap3A_236 = tpu.vector_load %arg7[%swap3A_235] {strides = array<i32>} : memref<10000xf32, #tpu.memory_space<vmem>>, vector<16xf32>,
        tpu.vector_store %arg7[%swap3A_235], %broadcast_in_dim3A_5 {strides = array<i32>} : memref<10000xf32, #tpu.memory_space<vmem>>, vector<16xf32>,
        %scan3A_237 = arith.constant 1 : i32
        %scan3A_238 = arith.addi %scan3A_232, %scan3A_237 : i32
        %mul3A_239 = arith.constant 16 : i32
        %mul3A_240 = arith.muli %scan3A_238, %mul3A_239 : i32
        %swap3A_241 = arith.index_cast %mul3A_240 : i32 to index
        %swap3A_242 = tpu.vector_load %arg7[%swap3A_241] {strides = array<i32>} : memref<10000xf32, #tpu.memory_space<vmem>>, vector<16xf32>,
        tpu.vector_store %arg7[%swap3A_241], %broadcast_in_dim3A_5 {strides = array<i32>} : memref<10000xf32, #tpu.memory_space<vmem>>, vector<16xf32>,
        %scan3A_243 = arith.constant 2 : i32
        %scan3A_244 = arith.addi %scan3A_232, %scan3A_243 : i32
        %mul3A_245 = arith.constant 16 : i32
        %mul3A_246 = arith.muli %scan3A_244, %mul3A_245 : i32
        %swap3A_247 = arith.index_cast %mul3A_246 : i32 to index
        %swap3A_248 = tpu.vector_load %arg7[%swap3A_247] {strides = array<i32>} : memref<10000xf32, #tpu.memory_space<vmem>>, vector<16xf32>,
        tpu.vector_store %arg7[%swap3A_247], %broadcast_in_dim3A_5 {strides = array<i32>} : memref<10000xf32, #tpu.memory_space<vmem>>, vector<16xf32>,
        %scan3A_249 = arith.constant 3 : i32
        %scan3A_250 = arith.addi %scan3A_232, %scan3A_249 : i32
        %mul3A_251 = arith.constant 16 : i32
        %mul3A_252 = arith.muli %scan3A_250, %mul3A_251 : i32
        %swap3A_253 = arith.index_cast %mul3A_252 : i32 to index
        %swap3A_254 = tpu.vector_load %arg7[%swap3A_253] {strides = array<i32>} : memref<10000xf32, #tpu.memory_space<vmem>>, vector<16xf32>,
        tpu.vector_store %arg7[%swap3A_253], %broadcast_in_dim3A_5 {strides = array<i32>} : memref<10000xf32, #tpu.memory_space<vmem>>, vector<16xf32>,
        %scan3A_255 = arith.constant 4 : i32
        %scan3A_256 = arith.addi %scan3A_232, %scan3A_255 : i32
        %mul3A_257 = arith.constant 16 : i32
        %mul3A_258 = arith.muli %scan3A_256, %mul3A_257 : i32
        %swap3A_259 = arith.index_cast %mul3A_258 : i32 to index
        %swap3A_260 = tpu.vector_load %arg7[%swap3A_259] {strides = array<i32>} : memref<10000xf32, #tpu.memory_space<vmem>>, vector<16xf32>,
        tpu.vector_store %arg7[%swap3A_259], %broadcast_in_dim3A_5 {strides = array<i32>} : memref<10000xf32, #tpu.memory_space<vmem>>, vector<16xf32>,
        %scan3A_261 = arith.constant 5 : i32
        %scan3A_262 = arith.addi %scan3A_232, %scan3A_261 : i32
        %mul3A_263 = arith.constant 16 : i32
        %mul3A_264 = arith.muli %scan3A_262, %mul3A_263 : i32
        %swap3A_265 = arith.index_cast %mul3A_264 : i32 to index
        %swap3A_266 = tpu.vector_load %arg7[%swap3A_265] {strides = array<i32>} : memref<10000xf32, #tpu.memory_space<vmem>>, vector<16xf32>,
        tpu.vector_store %arg7[%swap3A_265], %broadcast_in_dim3A_5 {strides = array<i32>} : memref<10000xf32, #tpu.memory_space<vmem>>, vector<16xf32>,
        %scan3A_267 = arith.constant 6 : i32
        %scan3A_268 = arith.addi %scan3A_232, %scan3A_267 : i32
        %mul3A_269 = arith.constant 16 : i32
        %mul3A_270 = arith.muli %scan3A_268, %mul3A_269 : i32
        %swap3A_271 = arith.index_cast %mul3A_270 : i32 to index
        %swap3A_272 = tpu.vector_load %arg7[%swap3A_271] {strides = array<i32>} : memref<10000xf32, #tpu.memory_space<vmem>>, vector<16xf32>,
        tpu.vector_store %arg7[%swap3A_271], %broadcast_in_dim3A_5 {strides = array<i32>} : memref<10000xf32, #tpu.memory_space<vmem>>, vector<16xf32>,
        %scan3A_273 = arith.constant 7 : i32
        %scan3A_274 = arith.addi %scan3A_232, %scan3A_273 : i32
        %mul3A_275 = arith.constant 16 : i32
        %mul3A_276 = arith.muli %scan3A_274, %mul3A_275 : i32
        %swap3A_277 = arith.index_cast %mul3A_276 : i32 to index
        %swap3A_278 = tpu.vector_load %arg7[%swap3A_277] {strides = array<i32>} : memref<10000xf32, #tpu.memory_space<vmem>>, vector<16xf32>,
        tpu.vector_store %arg7[%swap3A_277], %broadcast_in_dim3A_5 {strides = array<i32>} : memref<10000xf32, #tpu.memory_space<vmem>>, vector<16xf32>,
      }
      %scan3A_29 = arith.constant 624 : i32
      %scan3A_30 = arith.addi %scan3A_25, %scan3A_29 : i32
      %mul3A_31 = arith.constant 16 : i32
      %mul3A_32 = arith.muli %scan3A_30, %mul3A_31 : i32
      %swap3A = arith.index_cast %mul3A_32 : i32 to index
      %swap3A_33 = tpu.vector_load %arg7[%swap3A] {strides = array<i32>} : memref<10000xf32, #tpu.memory_space<vmem>>, vector<16xf32>,
      tpu.vector_store %arg7[%swap3A], %broadcast_in_dim3A_5 {strides = array<i32>} : memref<10000xf32, #tpu.memory_space<vmem>>, vector<16xf32>,
      %scan3A_34 = arith.constant 625 : i32
      tpu.wait_dma2 semaphore(%arg8 : memref<!tpu.dma_semaphore, #tpu.memory_space<semaphore_mem>>) src(%arg3 : memref<10000xf32, #tpu.memory_space<hbm>>) dst(%arg6 : memref<10000xf32, #tpu.memory_space<vmem>>)
      %dma_wait3A = arith.constant 0 : i32
      %dma_wait3A_35 = arith.constant 0 : i32
      %dma_wait3A_36 = arith.constant 0 : i32
      %dma_wait3A_37 = tpu.memref_slice %arg5[%dma_wait3A, %dma_wait3A_35, %dma_wait3A_36] : memref<79x2x128xi32, #tpu.memory_space<vmem>> -> memref<78x2x128xi32, #tpu.memory_space<vmem>>
      %dma_wait3A_38 = arith.constant 0 : i32
      %dma_wait3A_39 = arith.constant 0 : i32
      %dma_wait3A_40 = tpu.memref_slice %arg2[%add3A_4, %dma_wait3A_38, %dma_wait3A_39] : memref<2500x2x128xi32, #tpu.memory_space<hbm>> -> memref<78x2x128xi32, #tpu.memory_space<hbm>>
      %dma_wait3A_41 = arith.constant 0 : i32
      %dma_wait3A_42 = arith.constant 0 : i32
      %dma_wait3A_43 = arith.constant 0 : i32
      %dma_wait3A_44 = tpu.memref_slice %arg5[%dma_wait3A_41, %dma_wait3A_42, %dma_wait3A_43] : memref<79x2x128xi32, #tpu.memory_space<vmem>> -> memref<78x2x128xi32, #tpu.memory_space<vmem>>
      %dma_wait3A_45 = arith.constant 0 : i32
      %dma_wait3A_46 = arith.constant 0 : i32
      %dma_wait3A_47 = tpu.memref_slice %arg2[%add3A_4, %dma_wait3A_45, %dma_wait3A_46] : memref<2500x2x128xi32, #tpu.memory_space<hbm>> -> memref<78x2x128xi32, #tpu.memory_space<hbm>>
      tpu.wait_dma2 semaphore(%arg9 : memref<!tpu.dma_semaphore, #tpu.memory_space<semaphore_mem>>) src(%dma_wait3A_47 : memref<78x2x128xi32, #tpu.memory_space<hbm>>) dst(%dma_wait3A_44 : memref<78x2x128xi32, #tpu.memory_space<vmem>>)
      %scan3A_48 = arith.constant 0 : i32
      %scan3A_49 = arith.constant 0 : i32
      %scan3A_50 = arith.constant 76 : i32
      %scan3A_51 = arith.addi %scan3A_49, %scan3A_50 : i32
      %scan3A_52 = arith.constant 4 : i32
      scf.for %scan3A_232 = %scan3A_49 to %scan3A_51 step %scan3A_52  : i32 {
        %get3A_233 = arith.constant 0 : i32
        %get3A_234 = arith.index_cast %scan3A_232 : i32 to index
        %get3A_235 = arith.index_cast %get3A_233 : i32 to index
        %get3A_236 = arith.constant 0 : index
        %get3A_237 = tpu.vector_load %arg5[%get3A_234, %get3A_235, %get3A_236] {strides = array<i32>} : memref<79x2x128xi32, #tpu.memory_space<vmem>>, vector<16xi32>,
        %gather3A_238 = tpu.vector_load_idx %arg6[%get3A_237] : memref<10000xf32, #tpu.memory_space<vmem>>[vector<16xi32>], vector<16xf32>,
        %get3A_239 = arith.constant 0 : i32
        %get3A_240 = arith.index_cast %scan3A_232 : i32 to index
        %get3A_241 = arith.index_cast %get3A_239 : i32 to index
        %get3A_242 = arith.constant 16 : index
        %get3A_243 = tpu.vector_load %arg5[%get3A_240, %get3A_241, %get3A_242] {strides = array<i32>} : memref<79x2x128xi32, #tpu.memory_space<vmem>>, vector<16xi32>,
        %gather3A_244 = tpu.vector_load_idx %arg6[%get3A_243] : memref<10000xf32, #tpu.memory_space<vmem>>[vector<16xi32>], vector<16xf32>,
        %get3A_245 = arith.constant 0 : i32
        %get3A_246 = arith.index_cast %scan3A_232 : i32 to index
        %get3A_247 = arith.index_cast %get3A_245 : i32 to index
        %get3A_248 = arith.constant 32 : index
        %get3A_249 = tpu.vector_load %arg5[%get3A_246, %get3A_247, %get3A_248] {strides = array<i32>} : memref<79x2x128xi32, #tpu.memory_space<vmem>>, vector<16xi32>,
        %gather3A_250 = tpu.vector_load_idx %arg6[%get3A_249] : memref<10000xf32, #tpu.memory_space<vmem>>[vector<16xi32>], vector<16xf32>,
        %get3A_251 = arith.constant 0 : i32
        %get3A_252 = arith.index_cast %scan3A_232 : i32 to index
        %get3A_253 = arith.index_cast %get3A_251 : i32 to index
        %get3A_254 = arith.constant 48 : index
        %get3A_255 = tpu.vector_load %arg5[%get3A_252, %get3A_253, %get3A_254] {strides = array<i32>} : memref<79x2x128xi32, #tpu.memory_space<vmem>>, vector<16xi32>,
        %gather3A_256 = tpu.vector_load_idx %arg6[%get3A_255] : memref<10000xf32, #tpu.memory_space<vmem>>[vector<16xi32>], vector<16xf32>,
        %get3A_257 = arith.constant 0 : i32
        %get3A_258 = arith.index_cast %scan3A_232 : i32 to index
        %get3A_259 = arith.index_cast %get3A_257 : i32 to index
        %get3A_260 = arith.constant 64 : index
        %get3A_261 = tpu.vector_load %arg5[%get3A_258, %get3A_259, %get3A_260] {strides = array<i32>} : memref<79x2x128xi32, #tpu.memory_space<vmem>>, vector<16xi32>,
        %gather3A_262 = tpu.vector_load_idx %arg6[%get3A_261] : memref<10000xf32, #tpu.memory_space<vmem>>[vector<16xi32>], vector<16xf32>,
        %get3A_263 = arith.constant 0 : i32
        %get3A_264 = arith.index_cast %scan3A_232 : i32 to index
        %get3A_265 = arith.index_cast %get3A_263 : i32 to index
        %get3A_266 = arith.constant 80 : index
        %get3A_267 = tpu.vector_load %arg5[%get3A_264, %get3A_265, %get3A_266] {strides = array<i32>} : memref<79x2x128xi32, #tpu.memory_space<vmem>>, vector<16xi32>,
        %gather3A_268 = tpu.vector_load_idx %arg6[%get3A_267] : memref<10000xf32, #tpu.memory_space<vmem>>[vector<16xi32>], vector<16xf32>,
        %get3A_269 = arith.constant 0 : i32
        %get3A_270 = arith.index_cast %scan3A_232 : i32 to index
        %get3A_271 = arith.index_cast %get3A_269 : i32 to index
        %get3A_272 = arith.constant 96 : index
        %get3A_273 = tpu.vector_load %arg5[%get3A_270, %get3A_271, %get3A_272] {strides = array<i32>} : memref<79x2x128xi32, #tpu.memory_space<vmem>>, vector<16xi32>,
        %gather3A_274 = tpu.vector_load_idx %arg6[%get3A_273] : memref<10000xf32, #tpu.memory_space<vmem>>[vector<16xi32>], vector<16xf32>,
        %get3A_275 = arith.constant 0 : i32
        %get3A_276 = arith.index_cast %scan3A_232 : i32 to index
        %get3A_277 = arith.index_cast %get3A_275 : i32 to index
        %get3A_278 = arith.constant 112 : index
        %get3A_279 = tpu.vector_load %arg5[%get3A_276, %get3A_277, %get3A_278] {strides = array<i32>} : memref<79x2x128xi32, #tpu.memory_space<vmem>>, vector<16xi32>,
        %gather3A_280 = tpu.vector_load_idx %arg6[%get3A_279] : memref<10000xf32, #tpu.memory_space<vmem>>[vector<16xi32>], vector<16xf32>,
        %get3A_281 = arith.constant 1 : i32
        %get3A_282 = arith.index_cast %scan3A_232 : i32 to index
        %get3A_283 = arith.index_cast %get3A_281 : i32 to index
        %get3A_284 = arith.constant 0 : index
        %get3A_285 = tpu.vector_load %arg5[%get3A_282, %get3A_283, %get3A_284] {strides = array<i32>} : memref<79x2x128xi32, #tpu.memory_space<vmem>>, vector<16xi32>,
        tpu.vector_store_idx %arg7[%get3A_285], %gather3A_238 {add = true} : memref<10000xf32, #tpu.memory_space<vmem>>[vector<16xi32>], vector<16xf32>,
        %get3A_286 = arith.constant 1 : i32
        %get3A_287 = arith.index_cast %scan3A_232 : i32 to index
        %get3A_288 = arith.index_cast %get3A_286 : i32 to index
        %get3A_289 = arith.constant 16 : index
        %get3A_290 = tpu.vector_load %arg5[%get3A_287, %get3A_288, %get3A_289] {strides = array<i32>} : memref<79x2x128xi32, #tpu.memory_space<vmem>>, vector<16xi32>,
        tpu.vector_store_idx %arg7[%get3A_290], %gather3A_244 {add = true} : memref<10000xf32, #tpu.memory_space<vmem>>[vector<16xi32>], vector<16xf32>,
        %get3A_291 = arith.constant 1 : i32
        %get3A_292 = arith.index_cast %scan3A_232 : i32 to index
        %get3A_293 = arith.index_cast %get3A_291 : i32 to index
        %get3A_294 = arith.constant 32 : index
        %get3A_295 = tpu.vector_load %arg5[%get3A_292, %get3A_293, %get3A_294] {strides = array<i32>} : memref<79x2x128xi32, #tpu.memory_space<vmem>>, vector<16xi32>,
        tpu.vector_store_idx %arg7[%get3A_295], %gather3A_250 {add = true} : memref<10000xf32, #tpu.memory_space<vmem>>[vector<16xi32>], vector<16xf32>,
        %get3A_296 = arith.constant 1 : i32
        %get3A_297 = arith.index_cast %scan3A_232 : i32 to index
        %get3A_298 = arith.index_cast %get3A_296 : i32 to index
        %get3A_299 = arith.constant 48 : index
        %get3A_300 = tpu.vector_load %arg5[%get3A_297, %get3A_298, %get3A_299] {strides = array<i32>} : memref<79x2x128xi32, #tpu.memory_space<vmem>>, vector<16xi32>,
        tpu.vector_store_idx %arg7[%get3A_300], %gather3A_256 {add = true} : memref<10000xf32, #tpu.memory_space<vmem>>[vector<16xi32>], vector<16xf32>,
        %get3A_301 = arith.constant 1 : i32
        %get3A_302 = arith.index_cast %scan3A_232 : i32 to index
        %get3A_303 = arith.index_cast %get3A_301 : i32 to index
        %get3A_304 = arith.constant 64 : index
        %get3A_305 = tpu.vector_load %arg5[%get3A_302, %get3A_303, %get3A_304] {strides = array<i32>} : memref<79x2x128xi32, #tpu.memory_space<vmem>>, vector<16xi32>,
        tpu.vector_store_idx %arg7[%get3A_305], %gather3A_262 {add = true} : memref<10000xf32, #tpu.memory_space<vmem>>[vector<16xi32>], vector<16xf32>,
        %get3A_306 = arith.constant 1 : i32
        %get3A_307 = arith.index_cast %scan3A_232 : i32 to index
        %get3A_308 = arith.index_cast %get3A_306 : i32 to index
        %get3A_309 = arith.constant 80 : index
        %get3A_310 = tpu.vector_load %arg5[%get3A_307, %get3A_308, %get3A_309] {strides = array<i32>} : memref<79x2x128xi32, #tpu.memory_space<vmem>>, vector<16xi32>,
        tpu.vector_store_idx %arg7[%get3A_310], %gather3A_268 {add = true} : memref<10000xf32, #tpu.memory_space<vmem>>[vector<16xi32>], vector<16xf32>,
        %get3A_311 = arith.constant 1 : i32
        %get3A_312 = arith.index_cast %scan3A_232 : i32 to index
        %get3A_313 = arith.index_cast %get3A_311 : i32 to index
        %get3A_314 = arith.constant 96 : index
        %get3A_315 = tpu.vector_load %arg5[%get3A_312, %get3A_313, %get3A_314] {strides = array<i32>} : memref<79x2x128xi32, #tpu.memory_space<vmem>>, vector<16xi32>,
        tpu.vector_store_idx %arg7[%get3A_315], %gather3A_274 {add = true} : memref<10000xf32, #tpu.memory_space<vmem>>[vector<16xi32>], vector<16xf32>,
        %get3A_316 = arith.constant 1 : i32
        %get3A_317 = arith.index_cast %scan3A_232 : i32 to index
        %get3A_318 = arith.index_cast %get3A_316 : i32 to index
        %get3A_319 = arith.constant 112 : index
        %get3A_320 = tpu.vector_load %arg5[%get3A_317, %get3A_318, %get3A_319] {strides = array<i32>} : memref<79x2x128xi32, #tpu.memory_space<vmem>>, vector<16xi32>,
        tpu.vector_store_idx %arg7[%get3A_320], %gather3A_280 {add = true} : memref<10000xf32, #tpu.memory_space<vmem>>[vector<16xi32>], vector<16xf32>,
        %scan3A_321 = arith.constant 1 : i32
        %scan3A_322 = arith.addi %scan3A_232, %scan3A_321 : i32
        %get3A_323 = arith.constant 0 : i32
        %get3A_324 = arith.index_cast %scan3A_322 : i32 to index
        %get3A_325 = arith.index_cast %get3A_323 : i32 to index
        %get3A_326 = arith.constant 0 : index
        %get3A_327 = tpu.vector_load %arg5[%get3A_324, %get3A_325, %get3A_326] {strides = array<i32>} : memref<79x2x128xi32, #tpu.memory_space<vmem>>, vector<16xi32>,
        %gather3A_328 = tpu.vector_load_idx %arg6[%get3A_327] : memref<10000xf32, #tpu.memory_space<vmem>>[vector<16xi32>], vector<16xf32>,
        %get3A_329 = arith.constant 0 : i32
        %get3A_330 = arith.index_cast %scan3A_322 : i32 to index
        %get3A_331 = arith.index_cast %get3A_329 : i32 to index
        %get3A_332 = arith.constant 16 : index
        %get3A_333 = tpu.vector_load %arg5[%get3A_330, %get3A_331, %get3A_332] {strides = array<i32>} : memref<79x2x128xi32, #tpu.memory_space<vmem>>, vector<16xi32>,
        %gather3A_334 = tpu.vector_load_idx %arg6[%get3A_333] : memref<10000xf32, #tpu.memory_space<vmem>>[vector<16xi32>], vector<16xf32>,
        %get3A_335 = arith.constant 0 : i32
        %get3A_336 = arith.index_cast %scan3A_322 : i32 to index
        %get3A_337 = arith.index_cast %get3A_335 : i32 to index
        %get3A_338 = arith.constant 32 : index
        %get3A_339 = tpu.vector_load %arg5[%get3A_336, %get3A_337, %get3A_338] {strides = array<i32>} : memref<79x2x128xi32, #tpu.memory_space<vmem>>, vector<16xi32>,
        %gather3A_340 = tpu.vector_load_idx %arg6[%get3A_339] : memref<10000xf32, #tpu.memory_space<vmem>>[vector<16xi32>], vector<16xf32>,
        %get3A_341 = arith.constant 0 : i32
        %get3A_342 = arith.index_cast %scan3A_322 : i32 to index
        %get3A_343 = arith.index_cast %get3A_341 : i32 to index
        %get3A_344 = arith.constant 48 : index
        %get3A_345 = tpu.vector_load %arg5[%get3A_342, %get3A_343, %get3A_344] {strides = array<i32>} : memref<79x2x128xi32, #tpu.memory_space<vmem>>, vector<16xi32>,
        %gather3A_346 = tpu.vector_load_idx %arg6[%get3A_345] : memref<10000xf32, #tpu.memory_space<vmem>>[vector<16xi32>], vector<16xf32>,
        %get3A_347 = arith.constant 0 : i32
        %get3A_348 = arith.index_cast %scan3A_322 : i32 to index
        %get3A_349 = arith.index_cast %get3A_347 : i32 to index
        %get3A_350 = arith.constant 64 : index
        %get3A_351 = tpu.vector_load %arg5[%get3A_348, %get3A_349, %get3A_350] {strides = array<i32>} : memref<79x2x128xi32, #tpu.memory_space<vmem>>, vector<16xi32>,
        %gather3A_352 = tpu.vector_load_idx %arg6[%get3A_351] : memref<10000xf32, #tpu.memory_space<vmem>>[vector<16xi32>], vector<16xf32>,
        %get3A_353 = arith.constant 0 : i32
        %get3A_354 = arith.index_cast %scan3A_322 : i32 to index
        %get3A_355 = arith.index_cast %get3A_353 : i32 to index
        %get3A_356 = arith.constant 80 : index
        %get3A_357 = tpu.vector_load %arg5[%get3A_354, %get3A_355, %get3A_356] {strides = array<i32>} : memref<79x2x128xi32, #tpu.memory_space<vmem>>, vector<16xi32>,
        %gather3A_358 = tpu.vector_load_idx %arg6[%get3A_357] : memref<10000xf32, #tpu.memory_space<vmem>>[vector<16xi32>], vector<16xf32>,
        %get3A_359 = arith.constant 0 : i32
        %get3A_360 = arith.index_cast %scan3A_322 : i32 to index
        %get3A_361 = arith.index_cast %get3A_359 : i32 to index
        %get3A_362 = arith.constant 96 : index
        %get3A_363 = tpu.vector_load %arg5[%get3A_360, %get3A_361, %get3A_362] {strides = array<i32>} : memref<79x2x128xi32, #tpu.memory_space<vmem>>, vector<16xi32>,
        %gather3A_364 = tpu.vector_load_idx %arg6[%get3A_363] : memref<10000xf32, #tpu.memory_space<vmem>>[vector<16xi32>], vector<16xf32>,
        %get3A_365 = arith.constant 0 : i32
        %get3A_366 = arith.index_cast %scan3A_322 : i32 to index
        %get3A_367 = arith.index_cast %get3A_365 : i32 to index
        %get3A_368 = arith.constant 112 : index
        %get3A_369 = tpu.vector_load %arg5[%get3A_366, %get3A_367, %get3A_368] {strides = array<i32>} : memref<79x2x128xi32, #tpu.memory_space<vmem>>, vector<16xi32>,
        %gather3A_370 = tpu.vector_load_idx %arg6[%get3A_369] : memref<10000xf32, #tpu.memory_space<vmem>>[vector<16xi32>], vector<16xf32>,
        %get3A_371 = arith.constant 1 : i32
        %get3A_372 = arith.index_cast %scan3A_322 : i32 to index
        %get3A_373 = arith.index_cast %get3A_371 : i32 to index
        %get3A_374 = arith.constant 0 : index
        %get3A_375 = tpu.vector_load %arg5[%get3A_372, %get3A_373, %get3A_374] {strides = array<i32>} : memref<79x2x128xi32, #tpu.memory_space<vmem>>, vector<16xi32>,
        tpu.vector_store_idx %arg7[%get3A_375], %gather3A_328 {add = true} : memref<10000xf32, #tpu.memory_space<vmem>>[vector<16xi32>], vector<16xf32>,
        %get3A_376 = arith.constant 1 : i32
        %get3A_377 = arith.index_cast %scan3A_322 : i32 to index
        %get3A_378 = arith.index_cast %get3A_376 : i32 to index
        %get3A_379 = arith.constant 16 : index
        %get3A_380 = tpu.vector_load %arg5[%get3A_377, %get3A_378, %get3A_379] {strides = array<i32>} : memref<79x2x128xi32, #tpu.memory_space<vmem>>, vector<16xi32>,
        tpu.vector_store_idx %arg7[%get3A_380], %gather3A_334 {add = true} : memref<10000xf32, #tpu.memory_space<vmem>>[vector<16xi32>], vector<16xf32>,
        %get3A_381 = arith.constant 1 : i32
        %get3A_382 = arith.index_cast %scan3A_322 : i32 to index
        %get3A_383 = arith.index_cast %get3A_381 : i32 to index
        %get3A_384 = arith.constant 32 : index
        %get3A_385 = tpu.vector_load %arg5[%get3A_382, %get3A_383, %get3A_384] {strides = array<i32>} : memref<79x2x128xi32, #tpu.memory_space<vmem>>, vector<16xi32>,
        tpu.vector_store_idx %arg7[%get3A_385], %gather3A_340 {add = true} : memref<10000xf32, #tpu.memory_space<vmem>>[vector<16xi32>], vector<16xf32>,
        %get3A_386 = arith.constant 1 : i32
        %get3A_387 = arith.index_cast %scan3A_322 : i32 to index
        %get3A_388 = arith.index_cast %get3A_386 : i32 to index
        %get3A_389 = arith.constant 48 : index
        %get3A_390 = tpu.vector_load %arg5[%get3A_387, %get3A_388, %get3A_389] {strides = array<i32>} : memref<79x2x128xi32, #tpu.memory_space<vmem>>, vector<16xi32>,
        tpu.vector_store_idx %arg7[%get3A_390], %gather3A_346 {add = true} : memref<10000xf32, #tpu.memory_space<vmem>>[vector<16xi32>], vector<16xf32>,
        %get3A_391 = arith.constant 1 : i32
        %get3A_392 = arith.index_cast %scan3A_322 : i32 to index
        %get3A_393 = arith.index_cast %get3A_391 : i32 to index
        %get3A_394 = arith.constant 64 : index
        %get3A_395 = tpu.vector_load %arg5[%get3A_392, %get3A_393, %get3A_394] {strides = array<i32>} : memref<79x2x128xi32, #tpu.memory_space<vmem>>, vector<16xi32>,
        tpu.vector_store_idx %arg7[%get3A_395], %gather3A_352 {add = true} : memref<10000xf32, #tpu.memory_space<vmem>>[vector<16xi32>], vector<16xf32>,
        %get3A_396 = arith.constant 1 : i32
        %get3A_397 = arith.index_cast %scan3A_322 : i32 to index
        %get3A_398 = arith.index_cast %get3A_396 : i32 to index
        %get3A_399 = arith.constant 80 : index
        %get3A_400 = tpu.vector_load %arg5[%get3A_397, %get3A_398, %get3A_399] {strides = array<i32>} : memref<79x2x128xi32, #tpu.memory_space<vmem>>, vector<16xi32>,
        tpu.vector_store_idx %arg7[%get3A_400], %gather3A_358 {add = true} : memref<10000xf32, #tpu.memory_space<vmem>>[vector<16xi32>], vector<16xf32>,
        %get3A_401 = arith.constant 1 : i32
        %get3A_402 = arith.index_cast %scan3A_322 : i32 to index
        %get3A_403 = arith.index_cast %get3A_401 : i32 to index
        %get3A_404 = arith.constant 96 : index
        %get3A_405 = tpu.vector_load %arg5[%get3A_402, %get3A_403, %get3A_404] {strides = array<i32>} : memref<79x2x128xi32, #tpu.memory_space<vmem>>, vector<16xi32>,
        tpu.vector_store_idx %arg7[%get3A_405], %gather3A_364 {add = true} : memref<10000xf32, #tpu.memory_space<vmem>>[vector<16xi32>], vector<16xf32>,
        %get3A_406 = arith.constant 1 : i32
        %get3A_407 = arith.index_cast %scan3A_322 : i32 to index
        %get3A_408 = arith.index_cast %get3A_406 : i32 to index
        %get3A_409 = arith.constant 112 : index
        %get3A_410 = tpu.vector_load %arg5[%get3A_407, %get3A_408, %get3A_409] {strides = array<i32>} : memref<79x2x128xi32, #tpu.memory_space<vmem>>, vector<16xi32>,
        tpu.vector_store_idx %arg7[%get3A_410], %gather3A_370 {add = true} : memref<10000xf32, #tpu.memory_space<vmem>>[vector<16xi32>], vector<16xf32>,
        %scan3A_411 = arith.constant 2 : i32
        %scan3A_412 = arith.addi %scan3A_232, %scan3A_411 : i32
        %get3A_413 = arith.constant 0 : i32
        %get3A_414 = arith.index_cast %scan3A_412 : i32 to index
        %get3A_415 = arith.index_cast %get3A_413 : i32 to index
        %get3A_416 = arith.constant 0 : index
        %get3A_417 = tpu.vector_load %arg5[%get3A_414, %get3A_415, %get3A_416] {strides = array<i32>} : memref<79x2x128xi32, #tpu.memory_space<vmem>>, vector<16xi32>,
        %gather3A_418 = tpu.vector_load_idx %arg6[%get3A_417] : memref<10000xf32, #tpu.memory_space<vmem>>[vector<16xi32>], vector<16xf32>,
        %get3A_419 = arith.constant 0 : i32
        %get3A_420 = arith.index_cast %scan3A_412 : i32 to index
        %get3A_421 = arith.index_cast %get3A_419 : i32 to index
        %get3A_422 = arith.constant 16 : index
        %get3A_423 = tpu.vector_load %arg5[%get3A_420, %get3A_421, %get3A_422] {strides = array<i32>} : memref<79x2x128xi32, #tpu.memory_space<vmem>>, vector<16xi32>,
        %gather3A_424 = tpu.vector_load_idx %arg6[%get3A_423] : memref<10000xf32, #tpu.memory_space<vmem>>[vector<16xi32>], vector<16xf32>,
        %get3A_425 = arith.constant 0 : i32
        %get3A_426 = arith.index_cast %scan3A_412 : i32 to index
        %get3A_427 = arith.index_cast %get3A_425 : i32 to index
        %get3A_428 = arith.constant 32 : index
        %get3A_429 = tpu.vector_load %arg5[%get3A_426, %get3A_427, %get3A_428] {strides = array<i32>} : memref<79x2x128xi32, #tpu.memory_space<vmem>>, vector<16xi32>,
        %gather3A_430 = tpu.vector_load_idx %arg6[%get3A_429] : memref<10000xf32, #tpu.memory_space<vmem>>[vector<16xi32>], vector<16xf32>,
        %get3A_431 = arith.constant 0 : i32
        %get3A_432 = arith.index_cast %scan3A_412 : i32 to index
        %get3A_433 = arith.index_cast %get3A_431 : i32 to index
        %get3A_434 = arith.constant 48 : index
        %get3A_435 = tpu.vector_load %arg5[%get3A_432, %get3A_433, %get3A_434] {strides = array<i32>} : memref<79x2x128xi32, #tpu.memory_space<vmem>>, vector<16xi32>,
        %gather3A_436 = tpu.vector_load_idx %arg6[%get3A_435] : memref<10000xf32, #tpu.memory_space<vmem>>[vector<16xi32>], vector<16xf32>,
        %get3A_437 = arith.constant 0 : i32
        %get3A_438 = arith.index_cast %scan3A_412 : i32 to index
        %get3A_439 = arith.index_cast %get3A_437 : i32 to index
        %get3A_440 = arith.constant 64 : index
        %get3A_441 = tpu.vector_load %arg5[%get3A_438, %get3A_439, %get3A_440] {strides = array<i32>} : memref<79x2x128xi32, #tpu.memory_space<vmem>>, vector<16xi32>,
        %gather3A_442 = tpu.vector_load_idx %arg6[%get3A_441] : memref<10000xf32, #tpu.memory_space<vmem>>[vector<16xi32>], vector<16xf32>,
        %get3A_443 = arith.constant 0 : i32
        %get3A_444 = arith.index_cast %scan3A_412 : i32 to index
        %get3A_445 = arith.index_cast %get3A_443 : i32 to index
        %get3A_446 = arith.constant 80 : index
        %get3A_447 = tpu.vector_load %arg5[%get3A_444, %get3A_445, %get3A_446] {strides = array<i32>} : memref<79x2x128xi32, #tpu.memory_space<vmem>>, vector<16xi32>,
        %gather3A_448 = tpu.vector_load_idx %arg6[%get3A_447] : memref<10000xf32, #tpu.memory_space<vmem>>[vector<16xi32>], vector<16xf32>,
        %get3A_449 = arith.constant 0 : i32
        %get3A_450 = arith.index_cast %scan3A_412 : i32 to index
        %get3A_451 = arith.index_cast %get3A_449 : i32 to index
        %get3A_452 = arith.constant 96 : index
        %get3A_453 = tpu.vector_load %arg5[%get3A_450, %get3A_451, %get3A_452] {strides = array<i32>} : memref<79x2x128xi32, #tpu.memory_space<vmem>>, vector<16xi32>,
        %gather3A_454 = tpu.vector_load_idx %arg6[%get3A_453] : memref<10000xf32, #tpu.memory_space<vmem>>[vector<16xi32>], vector<16xf32>,
        %get3A_455 = arith.constant 0 : i32
        %get3A_456 = arith.index_cast %scan3A_412 : i32 to index
        %get3A_457 = arith.index_cast %get3A_455 : i32 to index
        %get3A_458 = arith.constant 112 : index
        %get3A_459 = tpu.vector_load %arg5[%get3A_456, %get3A_457, %get3A_458] {strides = array<i32>} : memref<79x2x128xi32, #tpu.memory_space<vmem>>, vector<16xi32>,
        %gather3A_460 = tpu.vector_load_idx %arg6[%get3A_459] : memref<10000xf32, #tpu.memory_space<vmem>>[vector<16xi32>], vector<16xf32>,
        %get3A_461 = arith.constant 1 : i32
        %get3A_462 = arith.index_cast %scan3A_412 : i32 to index
        %get3A_463 = arith.index_cast %get3A_461 : i32 to index
        %get3A_464 = arith.constant 0 : index
        %get3A_465 = tpu.vector_load %arg5[%get3A_462, %get3A_463, %get3A_464] {strides = array<i32>} : memref<79x2x128xi32, #tpu.memory_space<vmem>>, vector<16xi32>,
        tpu.vector_store_idx %arg7[%get3A_465], %gather3A_418 {add = true} : memref<10000xf32, #tpu.memory_space<vmem>>[vector<16xi32>], vector<16xf32>,
        %get3A_466 = arith.constant 1 : i32
        %get3A_467 = arith.index_cast %scan3A_412 : i32 to index
        %get3A_468 = arith.index_cast %get3A_466 : i32 to index
        %get3A_469 = arith.constant 16 : index
        %get3A_470 = tpu.vector_load %arg5[%get3A_467, %get3A_468, %get3A_469] {strides = array<i32>} : memref<79x2x128xi32, #tpu.memory_space<vmem>>, vector<16xi32>,
        tpu.vector_store_idx %arg7[%get3A_470], %gather3A_424 {add = true} : memref<10000xf32, #tpu.memory_space<vmem>>[vector<16xi32>], vector<16xf32>,
        %get3A_471 = arith.constant 1 : i32
        %get3A_472 = arith.index_cast %scan3A_412 : i32 to index
        %get3A_473 = arith.index_cast %get3A_471 : i32 to index
        %get3A_474 = arith.constant 32 : index
        %get3A_475 = tpu.vector_load %arg5[%get3A_472, %get3A_473, %get3A_474] {strides = array<i32>} : memref<79x2x128xi32, #tpu.memory_space<vmem>>, vector<16xi32>,
        tpu.vector_store_idx %arg7[%get3A_475], %gather3A_430 {add = true} : memref<10000xf32, #tpu.memory_space<vmem>>[vector<16xi32>], vector<16xf32>,
        %get3A_476 = arith.constant 1 : i32
        %get3A_477 = arith.index_cast %scan3A_412 : i32 to index
        %get3A_478 = arith.index_cast %get3A_476 : i32 to index
        %get3A_479 = arith.constant 48 : index
        %get3A_480 = tpu.vector_load %arg5[%get3A_477, %get3A_478, %get3A_479] {strides = array<i32>} : memref<79x2x128xi32, #tpu.memory_space<vmem>>, vector<16xi32>,
        tpu.vector_store_idx %arg7[%get3A_480], %gather3A_436 {add = true} : memref<10000xf32, #tpu.memory_space<vmem>>[vector<16xi32>], vector<16xf32>,
        %get3A_481 = arith.constant 1 : i32
        %get3A_482 = arith.index_cast %scan3A_412 : i32 to index
        %get3A_483 = arith.index_cast %get3A_481 : i32 to index
        %get3A_484 = arith.constant 64 : index
        %get3A_485 = tpu.vector_load %arg5[%get3A_482, %get3A_483, %get3A_484] {strides = array<i32>} : memref<79x2x128xi32, #tpu.memory_space<vmem>>, vector<16xi32>,
        tpu.vector_store_idx %arg7[%get3A_485], %gather3A_442 {add = true} : memref<10000xf32, #tpu.memory_space<vmem>>[vector<16xi32>], vector<16xf32>,
        %get3A_486 = arith.constant 1 : i32
        %get3A_487 = arith.index_cast %scan3A_412 : i32 to index
        %get3A_488 = arith.index_cast %get3A_486 : i32 to index
        %get3A_489 = arith.constant 80 : index
        %get3A_490 = tpu.vector_load %arg5[%get3A_487, %get3A_488, %get3A_489] {strides = array<i32>} : memref<79x2x128xi32, #tpu.memory_space<vmem>>, vector<16xi32>,
        tpu.vector_store_idx %arg7[%get3A_490], %gather3A_448 {add = true} : memref<10000xf32, #tpu.memory_space<vmem>>[vector<16xi32>], vector<16xf32>,
        %get3A_491 = arith.constant 1 : i32
        %get3A_492 = arith.index_cast %scan3A_412 : i32 to index
        %get3A_493 = arith.index_cast %get3A_491 : i32 to index
        %get3A_494 = arith.constant 96 : index
        %get3A_495 = tpu.vector_load %arg5[%get3A_492, %get3A_493, %get3A_494] {strides = array<i32>} : memref<79x2x128xi32, #tpu.memory_space<vmem>>, vector<16xi32>,
        tpu.vector_store_idx %arg7[%get3A_495], %gather3A_454 {add = true} : memref<10000xf32, #tpu.memory_space<vmem>>[vector<16xi32>], vector<16xf32>,
        %get3A_496 = arith.constant 1 : i32
        %get3A_497 = arith.index_cast %scan3A_412 : i32 to index
        %get3A_498 = arith.index_cast %get3A_496 : i32 to index
        %get3A_499 = arith.constant 112 : index
        %get3A_500 = tpu.vector_load %arg5[%get3A_497, %get3A_498, %get3A_499] {strides = array<i32>} : memref<79x2x128xi32, #tpu.memory_space<vmem>>, vector<16xi32>,
        tpu.vector_store_idx %arg7[%get3A_500], %gather3A_460 {add = true} : memref<10000xf32, #tpu.memory_space<vmem>>[vector<16xi32>], vector<16xf32>,
        %scan3A_501 = arith.constant 3 : i32
        %scan3A_502 = arith.addi %scan3A_232, %scan3A_501 : i32
        %get3A_503 = arith.constant 0 : i32
        %get3A_504 = arith.index_cast %scan3A_502 : i32 to index
        %get3A_505 = arith.index_cast %get3A_503 : i32 to index
        %get3A_506 = arith.constant 0 : index
        %get3A_507 = tpu.vector_load %arg5[%get3A_504, %get3A_505, %get3A_506] {strides = array<i32>} : memref<79x2x128xi32, #tpu.memory_space<vmem>>, vector<16xi32>,
        %gather3A_508 = tpu.vector_load_idx %arg6[%get3A_507] : memref<10000xf32, #tpu.memory_space<vmem>>[vector<16xi32>], vector<16xf32>,
        %get3A_509 = arith.constant 0 : i32
        %get3A_510 = arith.index_cast %scan3A_502 : i32 to index
        %get3A_511 = arith.index_cast %get3A_509 : i32 to index
        %get3A_512 = arith.constant 16 : index
        %get3A_513 = tpu.vector_load %arg5[%get3A_510, %get3A_511, %get3A_512] {strides = array<i32>} : memref<79x2x128xi32, #tpu.memory_space<vmem>>, vector<16xi32>,
        %gather3A_514 = tpu.vector_load_idx %arg6[%get3A_513] : memref<10000xf32, #tpu.memory_space<vmem>>[vector<16xi32>], vector<16xf32>,
        %get3A_515 = arith.constant 0 : i32
        %get3A_516 = arith.index_cast %scan3A_502 : i32 to index
        %get3A_517 = arith.index_cast %get3A_515 : i32 to index
        %get3A_518 = arith.constant 32 : index
        %get3A_519 = tpu.vector_load %arg5[%get3A_516, %get3A_517, %get3A_518] {strides = array<i32>} : memref<79x2x128xi32, #tpu.memory_space<vmem>>, vector<16xi32>,
        %gather3A_520 = tpu.vector_load_idx %arg6[%get3A_519] : memref<10000xf32, #tpu.memory_space<vmem>>[vector<16xi32>], vector<16xf32>,
        %get3A_521 = arith.constant 0 : i32
        %get3A_522 = arith.index_cast %scan3A_502 : i32 to index
        %get3A_523 = arith.index_cast %get3A_521 : i32 to index
        %get3A_524 = arith.constant 48 : index
        %get3A_525 = tpu.vector_load %arg5[%get3A_522, %get3A_523, %get3A_524] {strides = array<i32>} : memref<79x2x128xi32, #tpu.memory_space<vmem>>, vector<16xi32>,
        %gather3A_526 = tpu.vector_load_idx %arg6[%get3A_525] : memref<10000xf32, #tpu.memory_space<vmem>>[vector<16xi32>], vector<16xf32>,
        %get3A_527 = arith.constant 0 : i32
        %get3A_528 = arith.index_cast %scan3A_502 : i32 to index
        %get3A_529 = arith.index_cast %get3A_527 : i32 to index
        %get3A_530 = arith.constant 64 : index
        %get3A_531 = tpu.vector_load %arg5[%get3A_528, %get3A_529, %get3A_530] {strides = array<i32>} : memref<79x2x128xi32, #tpu.memory_space<vmem>>, vector<16xi32>,
        %gather3A_532 = tpu.vector_load_idx %arg6[%get3A_531] : memref<10000xf32, #tpu.memory_space<vmem>>[vector<16xi32>], vector<16xf32>,
        %get3A_533 = arith.constant 0 : i32
        %get3A_534 = arith.index_cast %scan3A_502 : i32 to index
        %get3A_535 = arith.index_cast %get3A_533 : i32 to index
        %get3A_536 = arith.constant 80 : index
        %get3A_537 = tpu.vector_load %arg5[%get3A_534, %get3A_535, %get3A_536] {strides = array<i32>} : memref<79x2x128xi32, #tpu.memory_space<vmem>>, vector<16xi32>,
        %gather3A_538 = tpu.vector_load_idx %arg6[%get3A_537] : memref<10000xf32, #tpu.memory_space<vmem>>[vector<16xi32>], vector<16xf32>,
        %get3A_539 = arith.constant 0 : i32
        %get3A_540 = arith.index_cast %scan3A_502 : i32 to index
        %get3A_541 = arith.index_cast %get3A_539 : i32 to index
        %get3A_542 = arith.constant 96 : index
        %get3A_543 = tpu.vector_load %arg5[%get3A_540, %get3A_541, %get3A_542] {strides = array<i32>} : memref<79x2x128xi32, #tpu.memory_space<vmem>>, vector<16xi32>,
        %gather3A_544 = tpu.vector_load_idx %arg6[%get3A_543] : memref<10000xf32, #tpu.memory_space<vmem>>[vector<16xi32>], vector<16xf32>,
        %get3A_545 = arith.constant 0 : i32
        %get3A_546 = arith.index_cast %scan3A_502 : i32 to index
        %get3A_547 = arith.index_cast %get3A_545 : i32 to index
        %get3A_548 = arith.constant 112 : index
        %get3A_549 = tpu.vector_load %arg5[%get3A_546, %get3A_547, %get3A_548] {strides = array<i32>} : memref<79x2x128xi32, #tpu.memory_space<vmem>>, vector<16xi32>,
        %gather3A_550 = tpu.vector_load_idx %arg6[%get3A_549] : memref<10000xf32, #tpu.memory_space<vmem>>[vector<16xi32>], vector<16xf32>,
        %get3A_551 = arith.constant 1 : i32
        %get3A_552 = arith.index_cast %scan3A_502 : i32 to index
        %get3A_553 = arith.index_cast %get3A_551 : i32 to index
        %get3A_554 = arith.constant 0 : index
        %get3A_555 = tpu.vector_load %arg5[%get3A_552, %get3A_553, %get3A_554] {strides = array<i32>} : memref<79x2x128xi32, #tpu.memory_space<vmem>>, vector<16xi32>,
        tpu.vector_store_idx %arg7[%get3A_555], %gather3A_508 {add = true} : memref<10000xf32, #tpu.memory_space<vmem>>[vector<16xi32>], vector<16xf32>,
        %get3A_556 = arith.constant 1 : i32
        %get3A_557 = arith.index_cast %scan3A_502 : i32 to index
        %get3A_558 = arith.index_cast %get3A_556 : i32 to index
        %get3A_559 = arith.constant 16 : index
        %get3A_560 = tpu.vector_load %arg5[%get3A_557, %get3A_558, %get3A_559] {strides = array<i32>} : memref<79x2x128xi32, #tpu.memory_space<vmem>>, vector<16xi32>,
        tpu.vector_store_idx %arg7[%get3A_560], %gather3A_514 {add = true} : memref<10000xf32, #tpu.memory_space<vmem>>[vector<16xi32>], vector<16xf32>,
        %get3A_561 = arith.constant 1 : i32
        %get3A_562 = arith.index_cast %scan3A_502 : i32 to index
        %get3A_563 = arith.index_cast %get3A_561 : i32 to index
        %get3A_564 = arith.constant 32 : index
        %get3A_565 = tpu.vector_load %arg5[%get3A_562, %get3A_563, %get3A_564] {strides = array<i32>} : memref<79x2x128xi32, #tpu.memory_space<vmem>>, vector<16xi32>,
        tpu.vector_store_idx %arg7[%get3A_565], %gather3A_520 {add = true} : memref<10000xf32, #tpu.memory_space<vmem>>[vector<16xi32>], vector<16xf32>,
        %get3A_566 = arith.constant 1 : i32
        %get3A_567 = arith.index_cast %scan3A_502 : i32 to index
        %get3A_568 = arith.index_cast %get3A_566 : i32 to index
        %get3A_569 = arith.constant 48 : index
        %get3A_570 = tpu.vector_load %arg5[%get3A_567, %get3A_568, %get3A_569] {strides = array<i32>} : memref<79x2x128xi32, #tpu.memory_space<vmem>>, vector<16xi32>,
        tpu.vector_store_idx %arg7[%get3A_570], %gather3A_526 {add = true} : memref<10000xf32, #tpu.memory_space<vmem>>[vector<16xi32>], vector<16xf32>,
        %get3A_571 = arith.constant 1 : i32
        %get3A_572 = arith.index_cast %scan3A_502 : i32 to index
        %get3A_573 = arith.index_cast %get3A_571 : i32 to index
        %get3A_574 = arith.constant 64 : index
        %get3A_575 = tpu.vector_load %arg5[%get3A_572, %get3A_573, %get3A_574] {strides = array<i32>} : memref<79x2x128xi32, #tpu.memory_space<vmem>>, vector<16xi32>,
        tpu.vector_store_idx %arg7[%get3A_575], %gather3A_532 {add = true} : memref<10000xf32, #tpu.memory_space<vmem>>[vector<16xi32>], vector<16xf32>,
        %get3A_576 = arith.constant 1 : i32
        %get3A_577 = arith.index_cast %scan3A_502 : i32 to index
        %get3A_578 = arith.index_cast %get3A_576 : i32 to index
        %get3A_579 = arith.constant 80 : index
        %get3A_580 = tpu.vector_load %arg5[%get3A_577, %get3A_578, %get3A_579] {strides = array<i32>} : memref<79x2x128xi32, #tpu.memory_space<vmem>>, vector<16xi32>,
        tpu.vector_store_idx %arg7[%get3A_580], %gather3A_538 {add = true} : memref<10000xf32, #tpu.memory_space<vmem>>[vector<16xi32>], vector<16xf32>,
        %get3A_581 = arith.constant 1 : i32
        %get3A_582 = arith.index_cast %scan3A_502 : i32 to index
        %get3A_583 = arith.index_cast %get3A_581 : i32 to index
        %get3A_584 = arith.constant 96 : index
        %get3A_585 = tpu.vector_load %arg5[%get3A_582, %get3A_583, %get3A_584] {strides = array<i32>} : memref<79x2x128xi32, #tpu.memory_space<vmem>>, vector<16xi32>,
        tpu.vector_store_idx %arg7[%get3A_585], %gather3A_544 {add = true} : memref<10000xf32, #tpu.memory_space<vmem>>[vector<16xi32>], vector<16xf32>,
        %get3A_586 = arith.constant 1 : i32
        %get3A_587 = arith.index_cast %scan3A_502 : i32 to index
        %get3A_588 = arith.index_cast %get3A_586 : i32 to index
        %get3A_589 = arith.constant 112 : index
        %get3A_590 = tpu.vector_load %arg5[%get3A_587, %get3A_588, %get3A_589] {strides = array<i32>} : memref<79x2x128xi32, #tpu.memory_space<vmem>>, vector<16xi32>,
        tpu.vector_store_idx %arg7[%get3A_590], %gather3A_550 {add = true} : memref<10000xf32, #tpu.memory_space<vmem>>[vector<16xi32>], vector<16xf32>,
      }
      %scan3A_53 = arith.constant 76 : i32
      %scan3A_54 = arith.addi %scan3A_49, %scan3A_53 : i32
      %get3A = arith.constant 0 : i32
      %get3A_55 = arith.index_cast %scan3A_54 : i32 to index
      %get3A_56 = arith.index_cast %get3A : i32 to index
      %get3A_57 = arith.constant 0 : index
      %get3A_58 = tpu.vector_load %arg5[%get3A_55, %get3A_56, %get3A_57] {strides = array<i32>} : memref<79x2x128xi32, #tpu.memory_space<vmem>>, vector<16xi32>,
      %gather3A = tpu.vector_load_idx %arg6[%get3A_58] : memref<10000xf32, #tpu.memory_space<vmem>>[vector<16xi32>], vector<16xf32>,
      %get3A_59 = arith.constant 0 : i32
      %get3A_60 = arith.index_cast %scan3A_54 : i32 to index
      %get3A_61 = arith.index_cast %get3A_59 : i32 to index
      %get3A_62 = arith.constant 16 : index
      %get3A_63 = tpu.vector_load %arg5[%get3A_60, %get3A_61, %get3A_62] {strides = array<i32>} : memref<79x2x128xi32, #tpu.memory_space<vmem>>, vector<16xi32>,
      %gather3A_64 = tpu.vector_load_idx %arg6[%get3A_63] : memref<10000xf32, #tpu.memory_space<vmem>>[vector<16xi32>], vector<16xf32>,
      %get3A_65 = arith.constant 0 : i32
      %get3A_66 = arith.index_cast %scan3A_54 : i32 to index
      %get3A_67 = arith.index_cast %get3A_65 : i32 to index
      %get3A_68 = arith.constant 32 : index
      %get3A_69 = tpu.vector_load %arg5[%get3A_66, %get3A_67, %get3A_68] {strides = array<i32>} : memref<79x2x128xi32, #tpu.memory_space<vmem>>, vector<16xi32>,
      %gather3A_70 = tpu.vector_load_idx %arg6[%get3A_69] : memref<10000xf32, #tpu.memory_space<vmem>>[vector<16xi32>], vector<16xf32>,
      %get3A_71 = arith.constant 0 : i32
      %get3A_72 = arith.index_cast %scan3A_54 : i32 to index
      %get3A_73 = arith.index_cast %get3A_71 : i32 to index
      %get3A_74 = arith.constant 48 : index
      %get3A_75 = tpu.vector_load %arg5[%get3A_72, %get3A_73, %get3A_74] {strides = array<i32>} : memref<79x2x128xi32, #tpu.memory_space<vmem>>, vector<16xi32>,
      %gather3A_76 = tpu.vector_load_idx %arg6[%get3A_75] : memref<10000xf32, #tpu.memory_space<vmem>>[vector<16xi32>], vector<16xf32>,
      %get3A_77 = arith.constant 0 : i32
      %get3A_78 = arith.index_cast %scan3A_54 : i32 to index
      %get3A_79 = arith.index_cast %get3A_77 : i32 to index
      %get3A_80 = arith.constant 64 : index
      %get3A_81 = tpu.vector_load %arg5[%get3A_78, %get3A_79, %get3A_80] {strides = array<i32>} : memref<79x2x128xi32, #tpu.memory_space<vmem>>, vector<16xi32>,
      %gather3A_82 = tpu.vector_load_idx %arg6[%get3A_81] : memref<10000xf32, #tpu.memory_space<vmem>>[vector<16xi32>], vector<16xf32>,
      %get3A_83 = arith.constant 0 : i32
      %get3A_84 = arith.index_cast %scan3A_54 : i32 to index
      %get3A_85 = arith.index_cast %get3A_83 : i32 to index
      %get3A_86 = arith.constant 80 : index
      %get3A_87 = tpu.vector_load %arg5[%get3A_84, %get3A_85, %get3A_86] {strides = array<i32>} : memref<79x2x128xi32, #tpu.memory_space<vmem>>, vector<16xi32>,
      %gather3A_88 = tpu.vector_load_idx %arg6[%get3A_87] : memref<10000xf32, #tpu.memory_space<vmem>>[vector<16xi32>], vector<16xf32>,
      %get3A_89 = arith.constant 0 : i32
      %get3A_90 = arith.index_cast %scan3A_54 : i32 to index
      %get3A_91 = arith.index_cast %get3A_89 : i32 to index
      %get3A_92 = arith.constant 96 : index
      %get3A_93 = tpu.vector_load %arg5[%get3A_90, %get3A_91, %get3A_92] {strides = array<i32>} : memref<79x2x128xi32, #tpu.memory_space<vmem>>, vector<16xi32>,
      %gather3A_94 = tpu.vector_load_idx %arg6[%get3A_93] : memref<10000xf32, #tpu.memory_space<vmem>>[vector<16xi32>], vector<16xf32>,
      %get3A_95 = arith.constant 0 : i32
      %get3A_96 = arith.index_cast %scan3A_54 : i32 to index
      %get3A_97 = arith.index_cast %get3A_95 : i32 to index
      %get3A_98 = arith.constant 112 : index
      %get3A_99 = tpu.vector_load %arg5[%get3A_96, %get3A_97, %get3A_98] {strides = array<i32>} : memref<79x2x128xi32, #tpu.memory_space<vmem>>, vector<16xi32>,
      %gather3A_100 = tpu.vector_load_idx %arg6[%get3A_99] : memref<10000xf32, #tpu.memory_space<vmem>>[vector<16xi32>], vector<16xf32>,
      %get3A_101 = arith.constant 1 : i32
      %get3A_102 = arith.index_cast %scan3A_54 : i32 to index
      %get3A_103 = arith.index_cast %get3A_101 : i32 to index
      %get3A_104 = arith.constant 0 : index
      %get3A_105 = tpu.vector_load %arg5[%get3A_102, %get3A_103, %get3A_104] {strides = array<i32>} : memref<79x2x128xi32, #tpu.memory_space<vmem>>, vector<16xi32>,
      tpu.vector_store_idx %arg7[%get3A_105], %gather3A {add = true} : memref<10000xf32, #tpu.memory_space<vmem>>[vector<16xi32>], vector<16xf32>,
      %get3A_106 = arith.constant 1 : i32
      %get3A_107 = arith.index_cast %scan3A_54 : i32 to index
      %get3A_108 = arith.index_cast %get3A_106 : i32 to index
      %get3A_109 = arith.constant 16 : index
      %get3A_110 = tpu.vector_load %arg5[%get3A_107, %get3A_108, %get3A_109] {strides = array<i32>} : memref<79x2x128xi32, #tpu.memory_space<vmem>>, vector<16xi32>,
      tpu.vector_store_idx %arg7[%get3A_110], %gather3A_64 {add = true} : memref<10000xf32, #tpu.memory_space<vmem>>[vector<16xi32>], vector<16xf32>,
      %get3A_111 = arith.constant 1 : i32
      %get3A_112 = arith.index_cast %scan3A_54 : i32 to index
      %get3A_113 = arith.index_cast %get3A_111 : i32 to index
      %get3A_114 = arith.constant 32 : index
      %get3A_115 = tpu.vector_load %arg5[%get3A_112, %get3A_113, %get3A_114] {strides = array<i32>} : memref<79x2x128xi32, #tpu.memory_space<vmem>>, vector<16xi32>,
      tpu.vector_store_idx %arg7[%get3A_115], %gather3A_70 {add = true} : memref<10000xf32, #tpu.memory_space<vmem>>[vector<16xi32>], vector<16xf32>,
      %get3A_116 = arith.constant 1 : i32
      %get3A_117 = arith.index_cast %scan3A_54 : i32 to index
      %get3A_118 = arith.index_cast %get3A_116 : i32 to index
      %get3A_119 = arith.constant 48 : index
      %get3A_120 = tpu.vector_load %arg5[%get3A_117, %get3A_118, %get3A_119] {strides = array<i32>} : memref<79x2x128xi32, #tpu.memory_space<vmem>>, vector<16xi32>,
      tpu.vector_store_idx %arg7[%get3A_120], %gather3A_76 {add = true} : memref<10000xf32, #tpu.memory_space<vmem>>[vector<16xi32>], vector<16xf32>,
      %get3A_121 = arith.constant 1 : i32
      %get3A_122 = arith.index_cast %scan3A_54 : i32 to index
      %get3A_123 = arith.index_cast %get3A_121 : i32 to index
      %get3A_124 = arith.constant 64 : index
      %get3A_125 = tpu.vector_load %arg5[%get3A_122, %get3A_123, %get3A_124] {strides = array<i32>} : memref<79x2x128xi32, #tpu.memory_space<vmem>>, vector<16xi32>,
      tpu.vector_store_idx %arg7[%get3A_125], %gather3A_82 {add = true} : memref<10000xf32, #tpu.memory_space<vmem>>[vector<16xi32>], vector<16xf32>,
      %get3A_126 = arith.constant 1 : i32
      %get3A_127 = arith.index_cast %scan3A_54 : i32 to index
      %get3A_128 = arith.index_cast %get3A_126 : i32 to index
      %get3A_129 = arith.constant 80 : index
      %get3A_130 = tpu.vector_load %arg5[%get3A_127, %get3A_128, %get3A_129] {strides = array<i32>} : memref<79x2x128xi32, #tpu.memory_space<vmem>>, vector<16xi32>,
      tpu.vector_store_idx %arg7[%get3A_130], %gather3A_88 {add = true} : memref<10000xf32, #tpu.memory_space<vmem>>[vector<16xi32>], vector<16xf32>,
      %get3A_131 = arith.constant 1 : i32
      %get3A_132 = arith.index_cast %scan3A_54 : i32 to index
      %get3A_133 = arith.index_cast %get3A_131 : i32 to index
      %get3A_134 = arith.constant 96 : index
      %get3A_135 = tpu.vector_load %arg5[%get3A_132, %get3A_133, %get3A_134] {strides = array<i32>} : memref<79x2x128xi32, #tpu.memory_space<vmem>>, vector<16xi32>,
      tpu.vector_store_idx %arg7[%get3A_135], %gather3A_94 {add = true} : memref<10000xf32, #tpu.memory_space<vmem>>[vector<16xi32>], vector<16xf32>,
      %get3A_136 = arith.constant 1 : i32
      %get3A_137 = arith.index_cast %scan3A_54 : i32 to index
      %get3A_138 = arith.index_cast %get3A_136 : i32 to index
      %get3A_139 = arith.constant 112 : index
      %get3A_140 = tpu.vector_load %arg5[%get3A_137, %get3A_138, %get3A_139] {strides = array<i32>} : memref<79x2x128xi32, #tpu.memory_space<vmem>>, vector<16xi32>,
      tpu.vector_store_idx %arg7[%get3A_140], %gather3A_100 {add = true} : memref<10000xf32, #tpu.memory_space<vmem>>[vector<16xi32>], vector<16xf32>,
      %scan3A_141 = arith.constant 77 : i32
      %scan3A_142 = arith.addi %scan3A_49, %scan3A_141 : i32
      %get3A_143 = arith.constant 0 : i32
      %get3A_144 = arith.index_cast %scan3A_142 : i32 to index
      %get3A_145 = arith.index_cast %get3A_143 : i32 to index
      %get3A_146 = arith.constant 0 : index
      %get3A_147 = tpu.vector_load %arg5[%get3A_144, %get3A_145, %get3A_146] {strides = array<i32>} : memref<79x2x128xi32, #tpu.memory_space<vmem>>, vector<16xi32>,
      %gather3A_148 = tpu.vector_load_idx %arg6[%get3A_147] : memref<10000xf32, #tpu.memory_space<vmem>>[vector<16xi32>], vector<16xf32>,
      %get3A_149 = arith.constant 0 : i32
      %get3A_150 = arith.index_cast %scan3A_142 : i32 to index
      %get3A_151 = arith.index_cast %get3A_149 : i32 to index
      %get3A_152 = arith.constant 16 : index
      %get3A_153 = tpu.vector_load %arg5[%get3A_150, %get3A_151, %get3A_152] {strides = array<i32>} : memref<79x2x128xi32, #tpu.memory_space<vmem>>, vector<16xi32>,
      %gather3A_154 = tpu.vector_load_idx %arg6[%get3A_153] : memref<10000xf32, #tpu.memory_space<vmem>>[vector<16xi32>], vector<16xf32>,
      %get3A_155 = arith.constant 0 : i32
      %get3A_156 = arith.index_cast %scan3A_142 : i32 to index
      %get3A_157 = arith.index_cast %get3A_155 : i32 to index
      %get3A_158 = arith.constant 32 : index
      %get3A_159 = tpu.vector_load %arg5[%get3A_156, %get3A_157, %get3A_158] {strides = array<i32>} : memref<79x2x128xi32, #tpu.memory_space<vmem>>, vector<16xi32>,
      %gather3A_160 = tpu.vector_load_idx %arg6[%get3A_159] : memref<10000xf32, #tpu.memory_space<vmem>>[vector<16xi32>], vector<16xf32>,
      %get3A_161 = arith.constant 0 : i32
      %get3A_162 = arith.index_cast %scan3A_142 : i32 to index
      %get3A_163 = arith.index_cast %get3A_161 : i32 to index
      %get3A_164 = arith.constant 48 : index
      %get3A_165 = tpu.vector_load %arg5[%get3A_162, %get3A_163, %get3A_164] {strides = array<i32>} : memref<79x2x128xi32, #tpu.memory_space<vmem>>, vector<16xi32>,
      %gather3A_166 = tpu.vector_load_idx %arg6[%get3A_165] : memref<10000xf32, #tpu.memory_space<vmem>>[vector<16xi32>], vector<16xf32>,
      %get3A_167 = arith.constant 0 : i32
      %get3A_168 = arith.index_cast %scan3A_142 : i32 to index
      %get3A_169 = arith.index_cast %get3A_167 : i32 to index
      %get3A_170 = arith.constant 64 : index
      %get3A_171 = tpu.vector_load %arg5[%get3A_168, %get3A_169, %get3A_170] {strides = array<i32>} : memref<79x2x128xi32, #tpu.memory_space<vmem>>, vector<16xi32>,
      %gather3A_172 = tpu.vector_load_idx %arg6[%get3A_171] : memref<10000xf32, #tpu.memory_space<vmem>>[vector<16xi32>], vector<16xf32>,
      %get3A_173 = arith.constant 0 : i32
      %get3A_174 = arith.index_cast %scan3A_142 : i32 to index
      %get3A_175 = arith.index_cast %get3A_173 : i32 to index
      %get3A_176 = arith.constant 80 : index
      %get3A_177 = tpu.vector_load %arg5[%get3A_174, %get3A_175, %get3A_176] {strides = array<i32>} : memref<79x2x128xi32, #tpu.memory_space<vmem>>, vector<16xi32>,
      %gather3A_178 = tpu.vector_load_idx %arg6[%get3A_177] : memref<10000xf32, #tpu.memory_space<vmem>>[vector<16xi32>], vector<16xf32>,
      %get3A_179 = arith.constant 0 : i32
      %get3A_180 = arith.index_cast %scan3A_142 : i32 to index
      %get3A_181 = arith.index_cast %get3A_179 : i32 to index
      %get3A_182 = arith.constant 96 : index
      %get3A_183 = tpu.vector_load %arg5[%get3A_180, %get3A_181, %get3A_182] {strides = array<i32>} : memref<79x2x128xi32, #tpu.memory_space<vmem>>, vector<16xi32>,
      %gather3A_184 = tpu.vector_load_idx %arg6[%get3A_183] : memref<10000xf32, #tpu.memory_space<vmem>>[vector<16xi32>], vector<16xf32>,
      %get3A_185 = arith.constant 0 : i32
      %get3A_186 = arith.index_cast %scan3A_142 : i32 to index
      %get3A_187 = arith.index_cast %get3A_185 : i32 to index
      %get3A_188 = arith.constant 112 : index
      %get3A_189 = tpu.vector_load %arg5[%get3A_186, %get3A_187, %get3A_188] {strides = array<i32>} : memref<79x2x128xi32, #tpu.memory_space<vmem>>, vector<16xi32>,
      %gather3A_190 = tpu.vector_load_idx %arg6[%get3A_189] : memref<10000xf32, #tpu.memory_space<vmem>>[vector<16xi32>], vector<16xf32>,
      %get3A_191 = arith.constant 1 : i32
      %get3A_192 = arith.index_cast %scan3A_142 : i32 to index
      %get3A_193 = arith.index_cast %get3A_191 : i32 to index
      %get3A_194 = arith.constant 0 : index
      %get3A_195 = tpu.vector_load %arg5[%get3A_192, %get3A_193, %get3A_194] {strides = array<i32>} : memref<79x2x128xi32, #tpu.memory_space<vmem>>, vector<16xi32>,
      tpu.vector_store_idx %arg7[%get3A_195], %gather3A_148 {add = true} : memref<10000xf32, #tpu.memory_space<vmem>>[vector<16xi32>], vector<16xf32>,
      %get3A_196 = arith.constant 1 : i32
      %get3A_197 = arith.index_cast %scan3A_142 : i32 to index
      %get3A_198 = arith.index_cast %get3A_196 : i32 to index
      %get3A_199 = arith.constant 16 : index
      %get3A_200 = tpu.vector_load %arg5[%get3A_197, %get3A_198, %get3A_199] {strides = array<i32>} : memref<79x2x128xi32, #tpu.memory_space<vmem>>, vector<16xi32>,
      tpu.vector_store_idx %arg7[%get3A_200], %gather3A_154 {add = true} : memref<10000xf32, #tpu.memory_space<vmem>>[vector<16xi32>], vector<16xf32>,
      %get3A_201 = arith.constant 1 : i32
      %get3A_202 = arith.index_cast %scan3A_142 : i32 to index
      %get3A_203 = arith.index_cast %get3A_201 : i32 to index
      %get3A_204 = arith.constant 32 : index
      %get3A_205 = tpu.vector_load %arg5[%get3A_202, %get3A_203, %get3A_204] {strides = array<i32>} : memref<79x2x128xi32, #tpu.memory_space<vmem>>, vector<16xi32>,
      tpu.vector_store_idx %arg7[%get3A_205], %gather3A_160 {add = true} : memref<10000xf32, #tpu.memory_space<vmem>>[vector<16xi32>], vector<16xf32>,
      %get3A_206 = arith.constant 1 : i32
      %get3A_207 = arith.index_cast %scan3A_142 : i32 to index
      %get3A_208 = arith.index_cast %get3A_206 : i32 to index
      %get3A_209 = arith.constant 48 : index
      %get3A_210 = tpu.vector_load %arg5[%get3A_207, %get3A_208, %get3A_209] {strides = array<i32>} : memref<79x2x128xi32, #tpu.memory_space<vmem>>, vector<16xi32>,
      tpu.vector_store_idx %arg7[%get3A_210], %gather3A_166 {add = true} : memref<10000xf32, #tpu.memory_space<vmem>>[vector<16xi32>], vector<16xf32>,
      %get3A_211 = arith.constant 1 : i32
      %get3A_212 = arith.index_cast %scan3A_142 : i32 to index
      %get3A_213 = arith.index_cast %get3A_211 : i32 to index
      %get3A_214 = arith.constant 64 : index
      %get3A_215 = tpu.vector_load %arg5[%get3A_212, %get3A_213, %get3A_214] {strides = array<i32>} : memref<79x2x128xi32, #tpu.memory_space<vmem>>, vector<16xi32>,
      tpu.vector_store_idx %arg7[%get3A_215], %gather3A_172 {add = true} : memref<10000xf32, #tpu.memory_space<vmem>>[vector<16xi32>], vector<16xf32>,
      %get3A_216 = arith.constant 1 : i32
      %get3A_217 = arith.index_cast %scan3A_142 : i32 to index
      %get3A_218 = arith.index_cast %get3A_216 : i32 to index
      %get3A_219 = arith.constant 80 : index
      %get3A_220 = tpu.vector_load %arg5[%get3A_217, %get3A_218, %get3A_219] {strides = array<i32>} : memref<79x2x128xi32, #tpu.memory_space<vmem>>, vector<16xi32>,
      tpu.vector_store_idx %arg7[%get3A_220], %gather3A_178 {add = true} : memref<10000xf32, #tpu.memory_space<vmem>>[vector<16xi32>], vector<16xf32>,
      %get3A_221 = arith.constant 1 : i32
      %get3A_222 = arith.index_cast %scan3A_142 : i32 to index
      %get3A_223 = arith.index_cast %get3A_221 : i32 to index
      %get3A_224 = arith.constant 96 : index
      %get3A_225 = tpu.vector_load %arg5[%get3A_222, %get3A_223, %get3A_224] {strides = array<i32>} : memref<79x2x128xi32, #tpu.memory_space<vmem>>, vector<16xi32>,
      tpu.vector_store_idx %arg7[%get3A_225], %gather3A_184 {add = true} : memref<10000xf32, #tpu.memory_space<vmem>>[vector<16xi32>], vector<16xf32>,
      %get3A_226 = arith.constant 1 : i32
      %get3A_227 = arith.index_cast %scan3A_142 : i32 to index
      %get3A_228 = arith.index_cast %get3A_226 : i32 to index
      %get3A_229 = arith.constant 112 : index
      %get3A_230 = tpu.vector_load %arg5[%get3A_227, %get3A_228, %get3A_229] {strides = array<i32>} : memref<79x2x128xi32, #tpu.memory_space<vmem>>, vector<16xi32>,
      tpu.vector_store_idx %arg7[%get3A_230], %gather3A_190 {add = true} : memref<10000xf32, #tpu.memory_space<vmem>>[vector<16xi32>], vector<16xf32>,
      %scan3A_231 = arith.constant 78 : i32
    } else {
    }
    "tpu.region"() ({
      %run_scoped3A = tpu.sem_alloc : memref<!tpu.dma_semaphore, #tpu.memory_space<semaphore_mem>>
      %dma_start3A = arith.constant 0 : i32
      %dma_start3A_12 = tpu.memref_slice %arg4[%add3A, %dma_start3A] : memref<32x10000xf32, #tpu.memory_space<hbm>> -> memref<1x10000xf32, #tpu.memory_space<hbm>>
      %dma_start3A_13 = tpu.memref_squeeze %dma_start3A_12 : memref<1x10000xf32, #tpu.memory_space<hbm>> -> memref<10000xf32, #tpu.memory_space<hbm>>
      %dma_start3A_14 = arith.constant 0 : i32
      %dma_start3A_15 = tpu.memref_slice %arg4[%add3A, %dma_start3A_14] : memref<32x10000xf32, #tpu.memory_space<hbm>> -> memref<1x10000xf32, #tpu.memory_space<hbm>>
      %dma_start3A_16 = tpu.memref_squeeze %dma_start3A_15 : memref<1x10000xf32, #tpu.memory_space<hbm>> -> memref<10000xf32, #tpu.memory_space<hbm>>
      tpu.enqueue_dma source(%arg7 : memref<10000xf32, #tpu.memory_space<vmem>>) target(%dma_start3A_16 : memref<10000xf32, #tpu.memory_space<hbm>>) target_semaphore(%run_scoped3A : memref<!tpu.dma_semaphore, #tpu.memory_space<semaphore_mem>>)
      %dma_wait3A = arith.constant 0 : i32
      %dma_wait3A_17 = tpu.memref_slice %arg4[%add3A, %dma_wait3A] : memref<32x10000xf32, #tpu.memory_space<hbm>> -> memref<1x10000xf32, #tpu.memory_space<hbm>>
      %dma_wait3A_18 = tpu.memref_squeeze %dma_wait3A_17 : memref<1x10000xf32, #tpu.memory_space<hbm>> -> memref<10000xf32, #tpu.memory_space<hbm>>
      %dma_wait3A_19 = arith.constant 0 : i32
      %dma_wait3A_20 = tpu.memref_slice %arg4[%add3A, %dma_wait3A_19] : memref<32x10000xf32, #tpu.memory_space<hbm>> -> memref<1x10000xf32, #tpu.memory_space<hbm>>
      %dma_wait3A_21 = tpu.memref_squeeze %dma_wait3A_20 : memref<1x10000xf32, #tpu.memory_space<hbm>> -> memref<10000xf32, #tpu.memory_space<hbm>>
      tpu.wait_dma2 semaphore(%run_scoped3A : memref<!tpu.dma_semaphore, #tpu.memory_space<semaphore_mem>>) src(%arg7 : memref<10000xf32, #tpu.memory_space<vmem>>) dst(%dma_wait3A_21 : memref<10000xf32, #tpu.memory_space<hbm>>)
      tpu.yield
    }) : () -> ()
    return
  }
}

#map = affine_map<(d0, d1) -> (0, 0, 0)>
#map1 = affine_map<(d0, d1) -> (0, 0)>
module attributes {stable_mosaic.version = 14 : i64} {
  func.func @_deg_kernel(%arg0: i32, %arg1: i32, %arg2: memref<2500x2x128xi32, #tpu.memory_space<hbm>>, %arg3: memref<32x10000xf32, #tpu.memory_space<hbm>>, %arg4: memref<79x2x128xi32, #tpu.memory_space<vmem>>, %arg5: memref<10000xf32, #tpu.memory_space<vmem>>, %arg6: memref<!tpu.dma_semaphore, #tpu.memory_space<semaphore_mem>>) attributes {dimension_semantics = [#tpu.dimension_semantics<core_parallel>, #tpu.dimension_semantics<subcore_parallel>], iteration_bounds = array<i64: 2, 16>, scalar_prefetch = 0 : i64, scratch_operands = 3 : i64, tpu.core_type = #tpu.core_type<sc_vector_subcore>, window_params = [{transform_indices = #map}, {transform_indices = #map1}]} {
    %mul3A = arith.constant 16 : i32
    %mul3A_0 = arith.muli %arg0, %mul3A : i32
    %add3A = arith.addi %mul3A_0, %arg1 : i32
    %mul3A_1 = arith.constant 78 : i32
    %mul3A_2 = arith.muli %mul3A_1, %add3A : i32
    %min3A = arith.constant 4 : i32
    %min3A_3 = arith.minsi %add3A, %min3A : i32
    %add3A_4 = arith.addi %mul3A_2, %min3A_3 : i32
    %broadcast_in_dim3A = arith.constant 0.000000e+00 : f32
    %broadcast_in_dim3A_5 = vector.broadcast %broadcast_in_dim3A : f32 to vector<16xf32>
    %broadcast_in_dim3A_6 = arith.constant 1.000000e+00 : f32
    %broadcast_in_dim3A_7 = vector.broadcast %broadcast_in_dim3A_6 : f32 to vector<16xf32>
    %lt3A = arith.constant 4 : i32
    %lt3A_8 = arith.cmpi slt, %add3A, %lt3A : i32
    %convert_element_type3A = arith.extui %lt3A_8 : i1 to i32
    %cond3A = arith.constant 0 : i32
    %cond3A_9 = arith.cmpi ne, %convert_element_type3A, %cond3A : i32
    scf.if %cond3A_9 {
      %dma_start3A = arith.constant 0 : i32
      %dma_start3A_14 = arith.constant 0 : i32
      %dma_start3A_15 = arith.constant 0 : i32
      %dma_start3A_16 = tpu.memref_slice %arg4[%dma_start3A, %dma_start3A_14, %dma_start3A_15] : memref<79x2x128xi32, #tpu.memory_space<vmem>> -> memref<79x2x128xi32, #tpu.memory_space<vmem>>
      %dma_start3A_17 = arith.constant 0 : i32
      %dma_start3A_18 = arith.constant 0 : i32
      %dma_start3A_19 = tpu.memref_slice %arg2[%add3A_4, %dma_start3A_17, %dma_start3A_18] : memref<2500x2x128xi32, #tpu.memory_space<hbm>> -> memref<79x2x128xi32, #tpu.memory_space<hbm>>
      %dma_start3A_20 = arith.constant 0 : i32
      %dma_start3A_21 = arith.constant 0 : i32
      %dma_start3A_22 = arith.constant 0 : i32
      %dma_start3A_23 = tpu.memref_slice %arg4[%dma_start3A_20, %dma_start3A_21, %dma_start3A_22] : memref<79x2x128xi32, #tpu.memory_space<vmem>> -> memref<79x2x128xi32, #tpu.memory_space<vmem>>
      %dma_start3A_24 = arith.constant 0 : i32
      %dma_start3A_25 = arith.constant 0 : i32
      %dma_start3A_26 = tpu.memref_slice %arg2[%add3A_4, %dma_start3A_24, %dma_start3A_25] : memref<2500x2x128xi32, #tpu.memory_space<hbm>> -> memref<79x2x128xi32, #tpu.memory_space<hbm>>
      tpu.enqueue_dma source(%dma_start3A_26 : memref<79x2x128xi32, #tpu.memory_space<hbm>>) target(%dma_start3A_23 : memref<79x2x128xi32, #tpu.memory_space<vmem>>) target_semaphore(%arg6 : memref<!tpu.dma_semaphore, #tpu.memory_space<semaphore_mem>>)
      %scan3A = arith.constant 0 : i32
      %scan3A_27 = arith.constant 0 : i32
      %scan3A_28 = arith.constant 624 : i32
      %scan3A_29 = arith.addi %scan3A_27, %scan3A_28 : i32
      %scan3A_30 = arith.constant 8 : i32
      scf.for %scan3A_97 = %scan3A_27 to %scan3A_29 step %scan3A_30  : i32 {
        %mul3A_98 = arith.constant 16 : i32
        %mul3A_99 = arith.muli %scan3A_97, %mul3A_98 : i32
        %swap3A_100 = arith.index_cast %mul3A_99 : i32 to index
        %swap3A_101 = tpu.vector_load %arg5[%swap3A_100] {strides = array<i32>} : memref<10000xf32, #tpu.memory_space<vmem>>, vector<16xf32>,
        tpu.vector_store %arg5[%swap3A_100], %broadcast_in_dim3A_5 {strides = array<i32>} : memref<10000xf32, #tpu.memory_space<vmem>>, vector<16xf32>,
        %scan3A_102 = arith.constant 1 : i32
        %scan3A_103 = arith.addi %scan3A_97, %scan3A_102 : i32
        %mul3A_104 = arith.constant 16 : i32
        %mul3A_105 = arith.muli %scan3A_103, %mul3A_104 : i32
        %swap3A_106 = arith.index_cast %mul3A_105 : i32 to index
        %swap3A_107 = tpu.vector_load %arg5[%swap3A_106] {strides = array<i32>} : memref<10000xf32, #tpu.memory_space<vmem>>, vector<16xf32>,
        tpu.vector_store %arg5[%swap3A_106], %broadcast_in_dim3A_5 {strides = array<i32>} : memref<10000xf32, #tpu.memory_space<vmem>>, vector<16xf32>,
        %scan3A_108 = arith.constant 2 : i32
        %scan3A_109 = arith.addi %scan3A_97, %scan3A_108 : i32
        %mul3A_110 = arith.constant 16 : i32
        %mul3A_111 = arith.muli %scan3A_109, %mul3A_110 : i32
        %swap3A_112 = arith.index_cast %mul3A_111 : i32 to index
        %swap3A_113 = tpu.vector_load %arg5[%swap3A_112] {strides = array<i32>} : memref<10000xf32, #tpu.memory_space<vmem>>, vector<16xf32>,
        tpu.vector_store %arg5[%swap3A_112], %broadcast_in_dim3A_5 {strides = array<i32>} : memref<10000xf32, #tpu.memory_space<vmem>>, vector<16xf32>,
        %scan3A_114 = arith.constant 3 : i32
        %scan3A_115 = arith.addi %scan3A_97, %scan3A_114 : i32
        %mul3A_116 = arith.constant 16 : i32
        %mul3A_117 = arith.muli %scan3A_115, %mul3A_116 : i32
        %swap3A_118 = arith.index_cast %mul3A_117 : i32 to index
        %swap3A_119 = tpu.vector_load %arg5[%swap3A_118] {strides = array<i32>} : memref<10000xf32, #tpu.memory_space<vmem>>, vector<16xf32>,
        tpu.vector_store %arg5[%swap3A_118], %broadcast_in_dim3A_5 {strides = array<i32>} : memref<10000xf32, #tpu.memory_space<vmem>>, vector<16xf32>,
        %scan3A_120 = arith.constant 4 : i32
        %scan3A_121 = arith.addi %scan3A_97, %scan3A_120 : i32
        %mul3A_122 = arith.constant 16 : i32
        %mul3A_123 = arith.muli %scan3A_121, %mul3A_122 : i32
        %swap3A_124 = arith.index_cast %mul3A_123 : i32 to index
        %swap3A_125 = tpu.vector_load %arg5[%swap3A_124] {strides = array<i32>} : memref<10000xf32, #tpu.memory_space<vmem>>, vector<16xf32>,
        tpu.vector_store %arg5[%swap3A_124], %broadcast_in_dim3A_5 {strides = array<i32>} : memref<10000xf32, #tpu.memory_space<vmem>>, vector<16xf32>,
        %scan3A_126 = arith.constant 5 : i32
        %scan3A_127 = arith.addi %scan3A_97, %scan3A_126 : i32
        %mul3A_128 = arith.constant 16 : i32
        %mul3A_129 = arith.muli %scan3A_127, %mul3A_128 : i32
        %swap3A_130 = arith.index_cast %mul3A_129 : i32 to index
        %swap3A_131 = tpu.vector_load %arg5[%swap3A_130] {strides = array<i32>} : memref<10000xf32, #tpu.memory_space<vmem>>, vector<16xf32>,
        tpu.vector_store %arg5[%swap3A_130], %broadcast_in_dim3A_5 {strides = array<i32>} : memref<10000xf32, #tpu.memory_space<vmem>>, vector<16xf32>,
        %scan3A_132 = arith.constant 6 : i32
        %scan3A_133 = arith.addi %scan3A_97, %scan3A_132 : i32
        %mul3A_134 = arith.constant 16 : i32
        %mul3A_135 = arith.muli %scan3A_133, %mul3A_134 : i32
        %swap3A_136 = arith.index_cast %mul3A_135 : i32 to index
        %swap3A_137 = tpu.vector_load %arg5[%swap3A_136] {strides = array<i32>} : memref<10000xf32, #tpu.memory_space<vmem>>, vector<16xf32>,
        tpu.vector_store %arg5[%swap3A_136], %broadcast_in_dim3A_5 {strides = array<i32>} : memref<10000xf32, #tpu.memory_space<vmem>>, vector<16xf32>,
        %scan3A_138 = arith.constant 7 : i32
        %scan3A_139 = arith.addi %scan3A_97, %scan3A_138 : i32
        %mul3A_140 = arith.constant 16 : i32
        %mul3A_141 = arith.muli %scan3A_139, %mul3A_140 : i32
        %swap3A_142 = arith.index_cast %mul3A_141 : i32 to index
        %swap3A_143 = tpu.vector_load %arg5[%swap3A_142] {strides = array<i32>} : memref<10000xf32, #tpu.memory_space<vmem>>, vector<16xf32>,
        tpu.vector_store %arg5[%swap3A_142], %broadcast_in_dim3A_5 {strides = array<i32>} : memref<10000xf32, #tpu.memory_space<vmem>>, vector<16xf32>,
      }
      %scan3A_31 = arith.constant 624 : i32
      %scan3A_32 = arith.addi %scan3A_27, %scan3A_31 : i32
      %mul3A_33 = arith.constant 16 : i32
      %mul3A_34 = arith.muli %scan3A_32, %mul3A_33 : i32
      %swap3A = arith.index_cast %mul3A_34 : i32 to index
      %swap3A_35 = tpu.vector_load %arg5[%swap3A] {strides = array<i32>} : memref<10000xf32, #tpu.memory_space<vmem>>, vector<16xf32>,
      tpu.vector_store %arg5[%swap3A], %broadcast_in_dim3A_5 {strides = array<i32>} : memref<10000xf32, #tpu.memory_space<vmem>>, vector<16xf32>,
      %scan3A_36 = arith.constant 625 : i32
      %dma_wait3A = arith.constant 0 : i32
      %dma_wait3A_37 = arith.constant 0 : i32
      %dma_wait3A_38 = arith.constant 0 : i32
      %dma_wait3A_39 = tpu.memref_slice %arg4[%dma_wait3A, %dma_wait3A_37, %dma_wait3A_38] : memref<79x2x128xi32, #tpu.memory_space<vmem>> -> memref<79x2x128xi32, #tpu.memory_space<vmem>>
      %dma_wait3A_40 = arith.constant 0 : i32
      %dma_wait3A_41 = arith.constant 0 : i32
      %dma_wait3A_42 = tpu.memref_slice %arg2[%add3A_4, %dma_wait3A_40, %dma_wait3A_41] : memref<2500x2x128xi32, #tpu.memory_space<hbm>> -> memref<79x2x128xi32, #tpu.memory_space<hbm>>
      %dma_wait3A_43 = arith.constant 0 : i32
      %dma_wait3A_44 = arith.constant 0 : i32
      %dma_wait3A_45 = arith.constant 0 : i32
      %dma_wait3A_46 = tpu.memref_slice %arg4[%dma_wait3A_43, %dma_wait3A_44, %dma_wait3A_45] : memref<79x2x128xi32, #tpu.memory_space<vmem>> -> memref<79x2x128xi32, #tpu.memory_space<vmem>>
      %dma_wait3A_47 = arith.constant 0 : i32
      %dma_wait3A_48 = arith.constant 0 : i32
      %dma_wait3A_49 = tpu.memref_slice %arg2[%add3A_4, %dma_wait3A_47, %dma_wait3A_48] : memref<2500x2x128xi32, #tpu.memory_space<hbm>> -> memref<79x2x128xi32, #tpu.memory_space<hbm>>
      tpu.wait_dma2 semaphore(%arg6 : memref<!tpu.dma_semaphore, #tpu.memory_space<semaphore_mem>>) src(%dma_wait3A_49 : memref<79x2x128xi32, #tpu.memory_space<hbm>>) dst(%dma_wait3A_46 : memref<79x2x128xi32, #tpu.memory_space<vmem>>)
      %scan3A_50 = arith.constant 0 : i32
      %scan3A_51 = arith.constant 0 : i32
      %scan3A_52 = arith.constant 78 : i32
      %scan3A_53 = arith.addi %scan3A_51, %scan3A_52 : i32
      %scan3A_54 = arith.constant 2 : i32
      scf.for %scan3A_97 = %scan3A_51 to %scan3A_53 step %scan3A_54  : i32 {
        %get3A_98 = arith.constant 1 : i32
        %get3A_99 = arith.index_cast %scan3A_97 : i32 to index
        %get3A_100 = arith.index_cast %get3A_98 : i32 to index
        %get3A_101 = arith.constant 0 : index
        %get3A_102 = tpu.vector_load %arg4[%get3A_99, %get3A_100, %get3A_101] {strides = array<i32>} : memref<79x2x128xi32, #tpu.memory_space<vmem>>, vector<16xi32>,
        %get3A_103 = arith.constant 1 : i32
        %get3A_104 = arith.index_cast %scan3A_97 : i32 to index
        %get3A_105 = arith.index_cast %get3A_103 : i32 to index
        %get3A_106 = arith.constant 16 : index
        %get3A_107 = tpu.vector_load %arg4[%get3A_104, %get3A_105, %get3A_106] {strides = array<i32>} : memref<79x2x128xi32, #tpu.memory_space<vmem>>, vector<16xi32>,
        %get3A_108 = arith.constant 1 : i32
        %get3A_109 = arith.index_cast %scan3A_97 : i32 to index
        %get3A_110 = arith.index_cast %get3A_108 : i32 to index
        %get3A_111 = arith.constant 32 : index
        %get3A_112 = tpu.vector_load %arg4[%get3A_109, %get3A_110, %get3A_111] {strides = array<i32>} : memref<79x2x128xi32, #tpu.memory_space<vmem>>, vector<16xi32>,
        %get3A_113 = arith.constant 1 : i32
        %get3A_114 = arith.index_cast %scan3A_97 : i32 to index
        %get3A_115 = arith.index_cast %get3A_113 : i32 to index
        %get3A_116 = arith.constant 48 : index
        %get3A_117 = tpu.vector_load %arg4[%get3A_114, %get3A_115, %get3A_116] {strides = array<i32>} : memref<79x2x128xi32, #tpu.memory_space<vmem>>, vector<16xi32>,
        %get3A_118 = arith.constant 1 : i32
        %get3A_119 = arith.index_cast %scan3A_97 : i32 to index
        %get3A_120 = arith.index_cast %get3A_118 : i32 to index
        %get3A_121 = arith.constant 64 : index
        %get3A_122 = tpu.vector_load %arg4[%get3A_119, %get3A_120, %get3A_121] {strides = array<i32>} : memref<79x2x128xi32, #tpu.memory_space<vmem>>, vector<16xi32>,
        %get3A_123 = arith.constant 1 : i32
        %get3A_124 = arith.index_cast %scan3A_97 : i32 to index
        %get3A_125 = arith.index_cast %get3A_123 : i32 to index
        %get3A_126 = arith.constant 80 : index
        %get3A_127 = tpu.vector_load %arg4[%get3A_124, %get3A_125, %get3A_126] {strides = array<i32>} : memref<79x2x128xi32, #tpu.memory_space<vmem>>, vector<16xi32>,
        %get3A_128 = arith.constant 1 : i32
        %get3A_129 = arith.index_cast %scan3A_97 : i32 to index
        %get3A_130 = arith.index_cast %get3A_128 : i32 to index
        %get3A_131 = arith.constant 96 : index
        %get3A_132 = tpu.vector_load %arg4[%get3A_129, %get3A_130, %get3A_131] {strides = array<i32>} : memref<79x2x128xi32, #tpu.memory_space<vmem>>, vector<16xi32>,
        %get3A_133 = arith.constant 1 : i32
        %get3A_134 = arith.index_cast %scan3A_97 : i32 to index
        %get3A_135 = arith.index_cast %get3A_133 : i32 to index
        %get3A_136 = arith.constant 112 : index
        %get3A_137 = tpu.vector_load %arg4[%get3A_134, %get3A_135, %get3A_136] {strides = array<i32>} : memref<79x2x128xi32, #tpu.memory_space<vmem>>, vector<16xi32>,
        tpu.vector_store_idx %arg5[%get3A_102], %broadcast_in_dim3A_7 {add = true} : memref<10000xf32, #tpu.memory_space<vmem>>[vector<16xi32>], vector<16xf32>,
        tpu.vector_store_idx %arg5[%get3A_107], %broadcast_in_dim3A_7 {add = true} : memref<10000xf32, #tpu.memory_space<vmem>>[vector<16xi32>], vector<16xf32>,
        tpu.vector_store_idx %arg5[%get3A_112], %broadcast_in_dim3A_7 {add = true} : memref<10000xf32, #tpu.memory_space<vmem>>[vector<16xi32>], vector<16xf32>,
        tpu.vector_store_idx %arg5[%get3A_117], %broadcast_in_dim3A_7 {add = true} : memref<10000xf32, #tpu.memory_space<vmem>>[vector<16xi32>], vector<16xf32>,
        tpu.vector_store_idx %arg5[%get3A_122], %broadcast_in_dim3A_7 {add = true} : memref<10000xf32, #tpu.memory_space<vmem>>[vector<16xi32>], vector<16xf32>,
        tpu.vector_store_idx %arg5[%get3A_127], %broadcast_in_dim3A_7 {add = true} : memref<10000xf32, #tpu.memory_space<vmem>>[vector<16xi32>], vector<16xf32>,
        tpu.vector_store_idx %arg5[%get3A_132], %broadcast_in_dim3A_7 {add = true} : memref<10000xf32, #tpu.memory_space<vmem>>[vector<16xi32>], vector<16xf32>,
        tpu.vector_store_idx %arg5[%get3A_137], %broadcast_in_dim3A_7 {add = true} : memref<10000xf32, #tpu.memory_space<vmem>>[vector<16xi32>], vector<16xf32>,
        %scan3A_138 = arith.constant 1 : i32
        %scan3A_139 = arith.addi %scan3A_97, %scan3A_138 : i32
        %get3A_140 = arith.constant 1 : i32
        %get3A_141 = arith.index_cast %scan3A_139 : i32 to index
        %get3A_142 = arith.index_cast %get3A_140 : i32 to index
        %get3A_143 = arith.constant 0 : index
        %get3A_144 = tpu.vector_load %arg4[%get3A_141, %get3A_142, %get3A_143] {strides = array<i32>} : memref<79x2x128xi32, #tpu.memory_space<vmem>>, vector<16xi32>,
        %get3A_145 = arith.constant 1 : i32
        %get3A_146 = arith.index_cast %scan3A_139 : i32 to index
        %get3A_147 = arith.index_cast %get3A_145 : i32 to index
        %get3A_148 = arith.constant 16 : index
        %get3A_149 = tpu.vector_load %arg4[%get3A_146, %get3A_147, %get3A_148] {strides = array<i32>} : memref<79x2x128xi32, #tpu.memory_space<vmem>>, vector<16xi32>,
        %get3A_150 = arith.constant 1 : i32
        %get3A_151 = arith.index_cast %scan3A_139 : i32 to index
        %get3A_152 = arith.index_cast %get3A_150 : i32 to index
        %get3A_153 = arith.constant 32 : index
        %get3A_154 = tpu.vector_load %arg4[%get3A_151, %get3A_152, %get3A_153] {strides = array<i32>} : memref<79x2x128xi32, #tpu.memory_space<vmem>>, vector<16xi32>,
        %get3A_155 = arith.constant 1 : i32
        %get3A_156 = arith.index_cast %scan3A_139 : i32 to index
        %get3A_157 = arith.index_cast %get3A_155 : i32 to index
        %get3A_158 = arith.constant 48 : index
        %get3A_159 = tpu.vector_load %arg4[%get3A_156, %get3A_157, %get3A_158] {strides = array<i32>} : memref<79x2x128xi32, #tpu.memory_space<vmem>>, vector<16xi32>,
        %get3A_160 = arith.constant 1 : i32
        %get3A_161 = arith.index_cast %scan3A_139 : i32 to index
        %get3A_162 = arith.index_cast %get3A_160 : i32 to index
        %get3A_163 = arith.constant 64 : index
        %get3A_164 = tpu.vector_load %arg4[%get3A_161, %get3A_162, %get3A_163] {strides = array<i32>} : memref<79x2x128xi32, #tpu.memory_space<vmem>>, vector<16xi32>,
        %get3A_165 = arith.constant 1 : i32
        %get3A_166 = arith.index_cast %scan3A_139 : i32 to index
        %get3A_167 = arith.index_cast %get3A_165 : i32 to index
        %get3A_168 = arith.constant 80 : index
        %get3A_169 = tpu.vector_load %arg4[%get3A_166, %get3A_167, %get3A_168] {strides = array<i32>} : memref<79x2x128xi32, #tpu.memory_space<vmem>>, vector<16xi32>,
        %get3A_170 = arith.constant 1 : i32
        %get3A_171 = arith.index_cast %scan3A_139 : i32 to index
        %get3A_172 = arith.index_cast %get3A_170 : i32 to index
        %get3A_173 = arith.constant 96 : index
        %get3A_174 = tpu.vector_load %arg4[%get3A_171, %get3A_172, %get3A_173] {strides = array<i32>} : memref<79x2x128xi32, #tpu.memory_space<vmem>>, vector<16xi32>,
        %get3A_175 = arith.constant 1 : i32
        %get3A_176 = arith.index_cast %scan3A_139 : i32 to index
        %get3A_177 = arith.index_cast %get3A_175 : i32 to index
        %get3A_178 = arith.constant 112 : index
        %get3A_179 = tpu.vector_load %arg4[%get3A_176, %get3A_177, %get3A_178] {strides = array<i32>} : memref<79x2x128xi32, #tpu.memory_space<vmem>>, vector<16xi32>,
        tpu.vector_store_idx %arg5[%get3A_144], %broadcast_in_dim3A_7 {add = true} : memref<10000xf32, #tpu.memory_space<vmem>>[vector<16xi32>], vector<16xf32>,
        tpu.vector_store_idx %arg5[%get3A_149], %broadcast_in_dim3A_7 {add = true} : memref<10000xf32, #tpu.memory_space<vmem>>[vector<16xi32>], vector<16xf32>,
        tpu.vector_store_idx %arg5[%get3A_154], %broadcast_in_dim3A_7 {add = true} : memref<10000xf32, #tpu.memory_space<vmem>>[vector<16xi32>], vector<16xf32>,
        tpu.vector_store_idx %arg5[%get3A_159], %broadcast_in_dim3A_7 {add = true} : memref<10000xf32, #tpu.memory_space<vmem>>[vector<16xi32>], vector<16xf32>,
        tpu.vector_store_idx %arg5[%get3A_164], %broadcast_in_dim3A_7 {add = true} : memref<10000xf32, #tpu.memory_space<vmem>>[vector<16xi32>], vector<16xf32>,
        tpu.vector_store_idx %arg5[%get3A_169], %broadcast_in_dim3A_7 {add = true} : memref<10000xf32, #tpu.memory_space<vmem>>[vector<16xi32>], vector<16xf32>,
        tpu.vector_store_idx %arg5[%get3A_174], %broadcast_in_dim3A_7 {add = true} : memref<10000xf32, #tpu.memory_space<vmem>>[vector<16xi32>], vector<16xf32>,
        tpu.vector_store_idx %arg5[%get3A_179], %broadcast_in_dim3A_7 {add = true} : memref<10000xf32, #tpu.memory_space<vmem>>[vector<16xi32>], vector<16xf32>,
      }
      %scan3A_55 = arith.constant 78 : i32
      %scan3A_56 = arith.addi %scan3A_51, %scan3A_55 : i32
      %get3A = arith.constant 1 : i32
      %get3A_57 = arith.index_cast %scan3A_56 : i32 to index
      %get3A_58 = arith.index_cast %get3A : i32 to index
      %get3A_59 = arith.constant 0 : index
      %get3A_60 = tpu.vector_load %arg4[%get3A_57, %get3A_58, %get3A_59] {strides = array<i32>} : memref<79x2x128xi32, #tpu.memory_space<vmem>>, vector<16xi32>,
      %get3A_61 = arith.constant 1 : i32
      %get3A_62 = arith.index_cast %scan3A_56 : i32 to index
      %get3A_63 = arith.index_cast %get3A_61 : i32 to index
      %get3A_64 = arith.constant 16 : index
      %get3A_65 = tpu.vector_load %arg4[%get3A_62, %get3A_63, %get3A_64] {strides = array<i32>} : memref<79x2x128xi32, #tpu.memory_space<vmem>>, vector<16xi32>,
      %get3A_66 = arith.constant 1 : i32
      %get3A_67 = arith.index_cast %scan3A_56 : i32 to index
      %get3A_68 = arith.index_cast %get3A_66 : i32 to index
      %get3A_69 = arith.constant 32 : index
      %get3A_70 = tpu.vector_load %arg4[%get3A_67, %get3A_68, %get3A_69] {strides = array<i32>} : memref<79x2x128xi32, #tpu.memory_space<vmem>>, vector<16xi32>,
      %get3A_71 = arith.constant 1 : i32
      %get3A_72 = arith.index_cast %scan3A_56 : i32 to index
      %get3A_73 = arith.index_cast %get3A_71 : i32 to index
      %get3A_74 = arith.constant 48 : index
      %get3A_75 = tpu.vector_load %arg4[%get3A_72, %get3A_73, %get3A_74] {strides = array<i32>} : memref<79x2x128xi32, #tpu.memory_space<vmem>>, vector<16xi32>,
      %get3A_76 = arith.constant 1 : i32
      %get3A_77 = arith.index_cast %scan3A_56 : i32 to index
      %get3A_78 = arith.index_cast %get3A_76 : i32 to index
      %get3A_79 = arith.constant 64 : index
      %get3A_80 = tpu.vector_load %arg4[%get3A_77, %get3A_78, %get3A_79] {strides = array<i32>} : memref<79x2x128xi32, #tpu.memory_space<vmem>>, vector<16xi32>,
      %get3A_81 = arith.constant 1 : i32
      %get3A_82 = arith.index_cast %scan3A_56 : i32 to index
      %get3A_83 = arith.index_cast %get3A_81 : i32 to index
      %get3A_84 = arith.constant 80 : index
      %get3A_85 = tpu.vector_load %arg4[%get3A_82, %get3A_83, %get3A_84] {strides = array<i32>} : memref<79x2x128xi32, #tpu.memory_space<vmem>>, vector<16xi32>,
      %get3A_86 = arith.constant 1 : i32
      %get3A_87 = arith.index_cast %scan3A_56 : i32 to index
      %get3A_88 = arith.index_cast %get3A_86 : i32 to index
      %get3A_89 = arith.constant 96 : index
      %get3A_90 = tpu.vector_load %arg4[%get3A_87, %get3A_88, %get3A_89] {strides = array<i32>} : memref<79x2x128xi32, #tpu.memory_space<vmem>>, vector<16xi32>,
      %get3A_91 = arith.constant 1 : i32
      %get3A_92 = arith.index_cast %scan3A_56 : i32 to index
      %get3A_93 = arith.index_cast %get3A_91 : i32 to index
      %get3A_94 = arith.constant 112 : index
      %get3A_95 = tpu.vector_load %arg4[%get3A_92, %get3A_93, %get3A_94] {strides = array<i32>} : memref<79x2x128xi32, #tpu.memory_space<vmem>>, vector<16xi32>,
      tpu.vector_store_idx %arg5[%get3A_60], %broadcast_in_dim3A_7 {add = true} : memref<10000xf32, #tpu.memory_space<vmem>>[vector<16xi32>], vector<16xf32>,
      tpu.vector_store_idx %arg5[%get3A_65], %broadcast_in_dim3A_7 {add = true} : memref<10000xf32, #tpu.memory_space<vmem>>[vector<16xi32>], vector<16xf32>,
      tpu.vector_store_idx %arg5[%get3A_70], %broadcast_in_dim3A_7 {add = true} : memref<10000xf32, #tpu.memory_space<vmem>>[vector<16xi32>], vector<16xf32>,
      tpu.vector_store_idx %arg5[%get3A_75], %broadcast_in_dim3A_7 {add = true} : memref<10000xf32, #tpu.memory_space<vmem>>[vector<16xi32>], vector<16xf32>,
      tpu.vector_store_idx %arg5[%get3A_80], %broadcast_in_dim3A_7 {add = true} : memref<10000xf32, #tpu.memory_space<vmem>>[vector<16xi32>], vector<16xf32>,
      tpu.vector_store_idx %arg5[%get3A_85], %broadcast_in_dim3A_7 {add = true} : memref<10000xf32, #tpu.memory_space<vmem>>[vector<16xi32>], vector<16xf32>,
      tpu.vector_store_idx %arg5[%get3A_90], %broadcast_in_dim3A_7 {add = true} : memref<10000xf32, #tpu.memory_space<vmem>>[vector<16xi32>], vector<16xf32>,
      tpu.vector_store_idx %arg5[%get3A_95], %broadcast_in_dim3A_7 {add = true} : memref<10000xf32, #tpu.memory_space<vmem>>[vector<16xi32>], vector<16xf32>,
      %scan3A_96 = arith.constant 79 : i32
    } else {
    }
    %ge3A = arith.constant 4 : i32
    %ge3A_10 = arith.cmpi sge, %add3A, %ge3A : i32
    %convert_element_type3A_11 = arith.extui %ge3A_10 : i1 to i32
    %cond3A_12 = arith.constant 0 : i32
    %cond3A_13 = arith.cmpi ne, %convert_element_type3A_11, %cond3A_12 : i32
    scf.if %cond3A_13 {
      %dma_start3A = arith.constant 0 : i32
      %dma_start3A_14 = arith.constant 0 : i32
      %dma_start3A_15 = arith.constant 0 : i32
      %dma_start3A_16 = tpu.memref_slice %arg4[%dma_start3A, %dma_start3A_14, %dma_start3A_15] : memref<79x2x128xi32, #tpu.memory_space<vmem>> -> memref<78x2x128xi32, #tpu.memory_space<vmem>>
      %dma_start3A_17 = arith.constant 0 : i32
      %dma_start3A_18 = arith.constant 0 : i32
      %dma_start3A_19 = tpu.memref_slice %arg2[%add3A_4, %dma_start3A_17, %dma_start3A_18] : memref<2500x2x128xi32, #tpu.memory_space<hbm>> -> memref<78x2x128xi32, #tpu.memory_space<hbm>>
      %dma_start3A_20 = arith.constant 0 : i32
      %dma_start3A_21 = arith.constant 0 : i32
      %dma_start3A_22 = arith.constant 0 : i32
      %dma_start3A_23 = tpu.memref_slice %arg4[%dma_start3A_20, %dma_start3A_21, %dma_start3A_22] : memref<79x2x128xi32, #tpu.memory_space<vmem>> -> memref<78x2x128xi32, #tpu.memory_space<vmem>>
      %dma_start3A_24 = arith.constant 0 : i32
      %dma_start3A_25 = arith.constant 0 : i32
      %dma_start3A_26 = tpu.memref_slice %arg2[%add3A_4, %dma_start3A_24, %dma_start3A_25] : memref<2500x2x128xi32, #tpu.memory_space<hbm>> -> memref<78x2x128xi32, #tpu.memory_space<hbm>>
      tpu.enqueue_dma source(%dma_start3A_26 : memref<78x2x128xi32, #tpu.memory_space<hbm>>) target(%dma_start3A_23 : memref<78x2x128xi32, #tpu.memory_space<vmem>>) target_semaphore(%arg6 : memref<!tpu.dma_semaphore, #tpu.memory_space<semaphore_mem>>)
      %scan3A = arith.constant 0 : i32
      %scan3A_27 = arith.constant 0 : i32
      %scan3A_28 = arith.constant 624 : i32
      %scan3A_29 = arith.addi %scan3A_27, %scan3A_28 : i32
      %scan3A_30 = arith.constant 8 : i32
      scf.for %scan3A_56 = %scan3A_27 to %scan3A_29 step %scan3A_30  : i32 {
        %mul3A_57 = arith.constant 16 : i32
        %mul3A_58 = arith.muli %scan3A_56, %mul3A_57 : i32
        %swap3A_59 = arith.index_cast %mul3A_58 : i32 to index
        %swap3A_60 = tpu.vector_load %arg5[%swap3A_59] {strides = array<i32>} : memref<10000xf32, #tpu.memory_space<vmem>>, vector<16xf32>,
        tpu.vector_store %arg5[%swap3A_59], %broadcast_in_dim3A_5 {strides = array<i32>} : memref<10000xf32, #tpu.memory_space<vmem>>, vector<16xf32>,
        %scan3A_61 = arith.constant 1 : i32
        %scan3A_62 = arith.addi %scan3A_56, %scan3A_61 : i32
        %mul3A_63 = arith.constant 16 : i32
        %mul3A_64 = arith.muli %scan3A_62, %mul3A_63 : i32
        %swap3A_65 = arith.index_cast %mul3A_64 : i32 to index
        %swap3A_66 = tpu.vector_load %arg5[%swap3A_65] {strides = array<i32>} : memref<10000xf32, #tpu.memory_space<vmem>>, vector<16xf32>,
        tpu.vector_store %arg5[%swap3A_65], %broadcast_in_dim3A_5 {strides = array<i32>} : memref<10000xf32, #tpu.memory_space<vmem>>, vector<16xf32>,
        %scan3A_67 = arith.constant 2 : i32
        %scan3A_68 = arith.addi %scan3A_56, %scan3A_67 : i32
        %mul3A_69 = arith.constant 16 : i32
        %mul3A_70 = arith.muli %scan3A_68, %mul3A_69 : i32
        %swap3A_71 = arith.index_cast %mul3A_70 : i32 to index
        %swap3A_72 = tpu.vector_load %arg5[%swap3A_71] {strides = array<i32>} : memref<10000xf32, #tpu.memory_space<vmem>>, vector<16xf32>,
        tpu.vector_store %arg5[%swap3A_71], %broadcast_in_dim3A_5 {strides = array<i32>} : memref<10000xf32, #tpu.memory_space<vmem>>, vector<16xf32>,
        %scan3A_73 = arith.constant 3 : i32
        %scan3A_74 = arith.addi %scan3A_56, %scan3A_73 : i32
        %mul3A_75 = arith.constant 16 : i32
        %mul3A_76 = arith.muli %scan3A_74, %mul3A_75 : i32
        %swap3A_77 = arith.index_cast %mul3A_76 : i32 to index
        %swap3A_78 = tpu.vector_load %arg5[%swap3A_77] {strides = array<i32>} : memref<10000xf32, #tpu.memory_space<vmem>>, vector<16xf32>,
        tpu.vector_store %arg5[%swap3A_77], %broadcast_in_dim3A_5 {strides = array<i32>} : memref<10000xf32, #tpu.memory_space<vmem>>, vector<16xf32>,
        %scan3A_79 = arith.constant 4 : i32
        %scan3A_80 = arith.addi %scan3A_56, %scan3A_79 : i32
        %mul3A_81 = arith.constant 16 : i32
        %mul3A_82 = arith.muli %scan3A_80, %mul3A_81 : i32
        %swap3A_83 = arith.index_cast %mul3A_82 : i32 to index
        %swap3A_84 = tpu.vector_load %arg5[%swap3A_83] {strides = array<i32>} : memref<10000xf32, #tpu.memory_space<vmem>>, vector<16xf32>,
        tpu.vector_store %arg5[%swap3A_83], %broadcast_in_dim3A_5 {strides = array<i32>} : memref<10000xf32, #tpu.memory_space<vmem>>, vector<16xf32>,
        %scan3A_85 = arith.constant 5 : i32
        %scan3A_86 = arith.addi %scan3A_56, %scan3A_85 : i32
        %mul3A_87 = arith.constant 16 : i32
        %mul3A_88 = arith.muli %scan3A_86, %mul3A_87 : i32
        %swap3A_89 = arith.index_cast %mul3A_88 : i32 to index
        %swap3A_90 = tpu.vector_load %arg5[%swap3A_89] {strides = array<i32>} : memref<10000xf32, #tpu.memory_space<vmem>>, vector<16xf32>,
        tpu.vector_store %arg5[%swap3A_89], %broadcast_in_dim3A_5 {strides = array<i32>} : memref<10000xf32, #tpu.memory_space<vmem>>, vector<16xf32>,
        %scan3A_91 = arith.constant 6 : i32
        %scan3A_92 = arith.addi %scan3A_56, %scan3A_91 : i32
        %mul3A_93 = arith.constant 16 : i32
        %mul3A_94 = arith.muli %scan3A_92, %mul3A_93 : i32
        %swap3A_95 = arith.index_cast %mul3A_94 : i32 to index
        %swap3A_96 = tpu.vector_load %arg5[%swap3A_95] {strides = array<i32>} : memref<10000xf32, #tpu.memory_space<vmem>>, vector<16xf32>,
        tpu.vector_store %arg5[%swap3A_95], %broadcast_in_dim3A_5 {strides = array<i32>} : memref<10000xf32, #tpu.memory_space<vmem>>, vector<16xf32>,
        %scan3A_97 = arith.constant 7 : i32
        %scan3A_98 = arith.addi %scan3A_56, %scan3A_97 : i32
        %mul3A_99 = arith.constant 16 : i32
        %mul3A_100 = arith.muli %scan3A_98, %mul3A_99 : i32
        %swap3A_101 = arith.index_cast %mul3A_100 : i32 to index
        %swap3A_102 = tpu.vector_load %arg5[%swap3A_101] {strides = array<i32>} : memref<10000xf32, #tpu.memory_space<vmem>>, vector<16xf32>,
        tpu.vector_store %arg5[%swap3A_101], %broadcast_in_dim3A_5 {strides = array<i32>} : memref<10000xf32, #tpu.memory_space<vmem>>, vector<16xf32>,
      }
      %scan3A_31 = arith.constant 624 : i32
      %scan3A_32 = arith.addi %scan3A_27, %scan3A_31 : i32
      %mul3A_33 = arith.constant 16 : i32
      %mul3A_34 = arith.muli %scan3A_32, %mul3A_33 : i32
      %swap3A = arith.index_cast %mul3A_34 : i32 to index
      %swap3A_35 = tpu.vector_load %arg5[%swap3A] {strides = array<i32>} : memref<10000xf32, #tpu.memory_space<vmem>>, vector<16xf32>,
      tpu.vector_store %arg5[%swap3A], %broadcast_in_dim3A_5 {strides = array<i32>} : memref<10000xf32, #tpu.memory_space<vmem>>, vector<16xf32>,
      %scan3A_36 = arith.constant 625 : i32
      %dma_wait3A = arith.constant 0 : i32
      %dma_wait3A_37 = arith.constant 0 : i32
      %dma_wait3A_38 = arith.constant 0 : i32
      %dma_wait3A_39 = tpu.memref_slice %arg4[%dma_wait3A, %dma_wait3A_37, %dma_wait3A_38] : memref<79x2x128xi32, #tpu.memory_space<vmem>> -> memref<78x2x128xi32, #tpu.memory_space<vmem>>
      %dma_wait3A_40 = arith.constant 0 : i32
      %dma_wait3A_41 = arith.constant 0 : i32
      %dma_wait3A_42 = tpu.memref_slice %arg2[%add3A_4, %dma_wait3A_40, %dma_wait3A_41] : memref<2500x2x128xi32, #tpu.memory_space<hbm>> -> memref<78x2x128xi32, #tpu.memory_space<hbm>>
      %dma_wait3A_43 = arith.constant 0 : i32
      %dma_wait3A_44 = arith.constant 0 : i32
      %dma_wait3A_45 = arith.constant 0 : i32
      %dma_wait3A_46 = tpu.memref_slice %arg4[%dma_wait3A_43, %dma_wait3A_44, %dma_wait3A_45] : memref<79x2x128xi32, #tpu.memory_space<vmem>> -> memref<78x2x128xi32, #tpu.memory_space<vmem>>
      %dma_wait3A_47 = arith.constant 0 : i32
      %dma_wait3A_48 = arith.constant 0 : i32
      %dma_wait3A_49 = tpu.memref_slice %arg2[%add3A_4, %dma_wait3A_47, %dma_wait3A_48] : memref<2500x2x128xi32, #tpu.memory_space<hbm>> -> memref<78x2x128xi32, #tpu.memory_space<hbm>>
      tpu.wait_dma2 semaphore(%arg6 : memref<!tpu.dma_semaphore, #tpu.memory_space<semaphore_mem>>) src(%dma_wait3A_49 : memref<78x2x128xi32, #tpu.memory_space<hbm>>) dst(%dma_wait3A_46 : memref<78x2x128xi32, #tpu.memory_space<vmem>>)
      %scan3A_50 = arith.constant 0 : i32
      %scan3A_51 = arith.constant 0 : i32
      %scan3A_52 = arith.constant 78 : i32
      %scan3A_53 = arith.addi %scan3A_51, %scan3A_52 : i32
      %scan3A_54 = arith.constant 2 : i32
      scf.for %scan3A_56 = %scan3A_51 to %scan3A_53 step %scan3A_54  : i32 {
        %get3A = arith.constant 1 : i32
        %get3A_57 = arith.index_cast %scan3A_56 : i32 to index
        %get3A_58 = arith.index_cast %get3A : i32 to index
        %get3A_59 = arith.constant 0 : index
        %get3A_60 = tpu.vector_load %arg4[%get3A_57, %get3A_58, %get3A_59] {strides = array<i32>} : memref<79x2x128xi32, #tpu.memory_space<vmem>>, vector<16xi32>,
        %get3A_61 = arith.constant 1 : i32
        %get3A_62 = arith.index_cast %scan3A_56 : i32 to index
        %get3A_63 = arith.index_cast %get3A_61 : i32 to index
        %get3A_64 = arith.constant 16 : index
        %get3A_65 = tpu.vector_load %arg4[%get3A_62, %get3A_63, %get3A_64] {strides = array<i32>} : memref<79x2x128xi32, #tpu.memory_space<vmem>>, vector<16xi32>,
        %get3A_66 = arith.constant 1 : i32
        %get3A_67 = arith.index_cast %scan3A_56 : i32 to index
        %get3A_68 = arith.index_cast %get3A_66 : i32 to index
        %get3A_69 = arith.constant 32 : index
        %get3A_70 = tpu.vector_load %arg4[%get3A_67, %get3A_68, %get3A_69] {strides = array<i32>} : memref<79x2x128xi32, #tpu.memory_space<vmem>>, vector<16xi32>,
        %get3A_71 = arith.constant 1 : i32
        %get3A_72 = arith.index_cast %scan3A_56 : i32 to index
        %get3A_73 = arith.index_cast %get3A_71 : i32 to index
        %get3A_74 = arith.constant 48 : index
        %get3A_75 = tpu.vector_load %arg4[%get3A_72, %get3A_73, %get3A_74] {strides = array<i32>} : memref<79x2x128xi32, #tpu.memory_space<vmem>>, vector<16xi32>,
        %get3A_76 = arith.constant 1 : i32
        %get3A_77 = arith.index_cast %scan3A_56 : i32 to index
        %get3A_78 = arith.index_cast %get3A_76 : i32 to index
        %get3A_79 = arith.constant 64 : index
        %get3A_80 = tpu.vector_load %arg4[%get3A_77, %get3A_78, %get3A_79] {strides = array<i32>} : memref<79x2x128xi32, #tpu.memory_space<vmem>>, vector<16xi32>,
        %get3A_81 = arith.constant 1 : i32
        %get3A_82 = arith.index_cast %scan3A_56 : i32 to index
        %get3A_83 = arith.index_cast %get3A_81 : i32 to index
        %get3A_84 = arith.constant 80 : index
        %get3A_85 = tpu.vector_load %arg4[%get3A_82, %get3A_83, %get3A_84] {strides = array<i32>} : memref<79x2x128xi32, #tpu.memory_space<vmem>>, vector<16xi32>,
        %get3A_86 = arith.constant 1 : i32
        %get3A_87 = arith.index_cast %scan3A_56 : i32 to index
        %get3A_88 = arith.index_cast %get3A_86 : i32 to index
        %get3A_89 = arith.constant 96 : index
        %get3A_90 = tpu.vector_load %arg4[%get3A_87, %get3A_88, %get3A_89] {strides = array<i32>} : memref<79x2x128xi32, #tpu.memory_space<vmem>>, vector<16xi32>,
        %get3A_91 = arith.constant 1 : i32
        %get3A_92 = arith.index_cast %scan3A_56 : i32 to index
        %get3A_93 = arith.index_cast %get3A_91 : i32 to index
        %get3A_94 = arith.constant 112 : index
        %get3A_95 = tpu.vector_load %arg4[%get3A_92, %get3A_93, %get3A_94] {strides = array<i32>} : memref<79x2x128xi32, #tpu.memory_space<vmem>>, vector<16xi32>,
        tpu.vector_store_idx %arg5[%get3A_60], %broadcast_in_dim3A_7 {add = true} : memref<10000xf32, #tpu.memory_space<vmem>>[vector<16xi32>], vector<16xf32>,
        tpu.vector_store_idx %arg5[%get3A_65], %broadcast_in_dim3A_7 {add = true} : memref<10000xf32, #tpu.memory_space<vmem>>[vector<16xi32>], vector<16xf32>,
        tpu.vector_store_idx %arg5[%get3A_70], %broadcast_in_dim3A_7 {add = true} : memref<10000xf32, #tpu.memory_space<vmem>>[vector<16xi32>], vector<16xf32>,
        tpu.vector_store_idx %arg5[%get3A_75], %broadcast_in_dim3A_7 {add = true} : memref<10000xf32, #tpu.memory_space<vmem>>[vector<16xi32>], vector<16xf32>,
        tpu.vector_store_idx %arg5[%get3A_80], %broadcast_in_dim3A_7 {add = true} : memref<10000xf32, #tpu.memory_space<vmem>>[vector<16xi32>], vector<16xf32>,
        tpu.vector_store_idx %arg5[%get3A_85], %broadcast_in_dim3A_7 {add = true} : memref<10000xf32, #tpu.memory_space<vmem>>[vector<16xi32>], vector<16xf32>,
        tpu.vector_store_idx %arg5[%get3A_90], %broadcast_in_dim3A_7 {add = true} : memref<10000xf32, #tpu.memory_space<vmem>>[vector<16xi32>], vector<16xf32>,
        tpu.vector_store_idx %arg5[%get3A_95], %broadcast_in_dim3A_7 {add = true} : memref<10000xf32, #tpu.memory_space<vmem>>[vector<16xi32>], vector<16xf32>,
        %scan3A_96 = arith.constant 1 : i32
        %scan3A_97 = arith.addi %scan3A_56, %scan3A_96 : i32
        %get3A_98 = arith.constant 1 : i32
        %get3A_99 = arith.index_cast %scan3A_97 : i32 to index
        %get3A_100 = arith.index_cast %get3A_98 : i32 to index
        %get3A_101 = arith.constant 0 : index
        %get3A_102 = tpu.vector_load %arg4[%get3A_99, %get3A_100, %get3A_101] {strides = array<i32>} : memref<79x2x128xi32, #tpu.memory_space<vmem>>, vector<16xi32>,
        %get3A_103 = arith.constant 1 : i32
        %get3A_104 = arith.index_cast %scan3A_97 : i32 to index
        %get3A_105 = arith.index_cast %get3A_103 : i32 to index
        %get3A_106 = arith.constant 16 : index
        %get3A_107 = tpu.vector_load %arg4[%get3A_104, %get3A_105, %get3A_106] {strides = array<i32>} : memref<79x2x128xi32, #tpu.memory_space<vmem>>, vector<16xi32>,
        %get3A_108 = arith.constant 1 : i32
        %get3A_109 = arith.index_cast %scan3A_97 : i32 to index
        %get3A_110 = arith.index_cast %get3A_108 : i32 to index
        %get3A_111 = arith.constant 32 : index
        %get3A_112 = tpu.vector_load %arg4[%get3A_109, %get3A_110, %get3A_111] {strides = array<i32>} : memref<79x2x128xi32, #tpu.memory_space<vmem>>, vector<16xi32>,
        %get3A_113 = arith.constant 1 : i32
        %get3A_114 = arith.index_cast %scan3A_97 : i32 to index
        %get3A_115 = arith.index_cast %get3A_113 : i32 to index
        %get3A_116 = arith.constant 48 : index
        %get3A_117 = tpu.vector_load %arg4[%get3A_114, %get3A_115, %get3A_116] {strides = array<i32>} : memref<79x2x128xi32, #tpu.memory_space<vmem>>, vector<16xi32>,
        %get3A_118 = arith.constant 1 : i32
        %get3A_119 = arith.index_cast %scan3A_97 : i32 to index
        %get3A_120 = arith.index_cast %get3A_118 : i32 to index
        %get3A_121 = arith.constant 64 : index
        %get3A_122 = tpu.vector_load %arg4[%get3A_119, %get3A_120, %get3A_121] {strides = array<i32>} : memref<79x2x128xi32, #tpu.memory_space<vmem>>, vector<16xi32>,
        %get3A_123 = arith.constant 1 : i32
        %get3A_124 = arith.index_cast %scan3A_97 : i32 to index
        %get3A_125 = arith.index_cast %get3A_123 : i32 to index
        %get3A_126 = arith.constant 80 : index
        %get3A_127 = tpu.vector_load %arg4[%get3A_124, %get3A_125, %get3A_126] {strides = array<i32>} : memref<79x2x128xi32, #tpu.memory_space<vmem>>, vector<16xi32>,
        %get3A_128 = arith.constant 1 : i32
        %get3A_129 = arith.index_cast %scan3A_97 : i32 to index
        %get3A_130 = arith.index_cast %get3A_128 : i32 to index
        %get3A_131 = arith.constant 96 : index
        %get3A_132 = tpu.vector_load %arg4[%get3A_129, %get3A_130, %get3A_131] {strides = array<i32>} : memref<79x2x128xi32, #tpu.memory_space<vmem>>, vector<16xi32>,
        %get3A_133 = arith.constant 1 : i32
        %get3A_134 = arith.index_cast %scan3A_97 : i32 to index
        %get3A_135 = arith.index_cast %get3A_133 : i32 to index
        %get3A_136 = arith.constant 112 : index
        %get3A_137 = tpu.vector_load %arg4[%get3A_134, %get3A_135, %get3A_136] {strides = array<i32>} : memref<79x2x128xi32, #tpu.memory_space<vmem>>, vector<16xi32>,
        tpu.vector_store_idx %arg5[%get3A_102], %broadcast_in_dim3A_7 {add = true} : memref<10000xf32, #tpu.memory_space<vmem>>[vector<16xi32>], vector<16xf32>,
        tpu.vector_store_idx %arg5[%get3A_107], %broadcast_in_dim3A_7 {add = true} : memref<10000xf32, #tpu.memory_space<vmem>>[vector<16xi32>], vector<16xf32>,
        tpu.vector_store_idx %arg5[%get3A_112], %broadcast_in_dim3A_7 {add = true} : memref<10000xf32, #tpu.memory_space<vmem>>[vector<16xi32>], vector<16xf32>,
        tpu.vector_store_idx %arg5[%get3A_117], %broadcast_in_dim3A_7 {add = true} : memref<10000xf32, #tpu.memory_space<vmem>>[vector<16xi32>], vector<16xf32>,
        tpu.vector_store_idx %arg5[%get3A_122], %broadcast_in_dim3A_7 {add = true} : memref<10000xf32, #tpu.memory_space<vmem>>[vector<16xi32>], vector<16xf32>,
        tpu.vector_store_idx %arg5[%get3A_127], %broadcast_in_dim3A_7 {add = true} : memref<10000xf32, #tpu.memory_space<vmem>>[vector<16xi32>], vector<16xf32>,
        tpu.vector_store_idx %arg5[%get3A_132], %broadcast_in_dim3A_7 {add = true} : memref<10000xf32, #tpu.memory_space<vmem>>[vector<16xi32>], vector<16xf32>,
        tpu.vector_store_idx %arg5[%get3A_137], %broadcast_in_dim3A_7 {add = true} : memref<10000xf32, #tpu.memory_space<vmem>>[vector<16xi32>], vector<16xf32>,
      }
      %scan3A_55 = arith.constant 78 : i32
    } else {
    }
    "tpu.region"() ({
      %run_scoped3A = tpu.sem_alloc : memref<!tpu.dma_semaphore, #tpu.memory_space<semaphore_mem>>
      %dma_start3A = arith.constant 0 : i32
      %dma_start3A_14 = tpu.memref_slice %arg3[%add3A, %dma_start3A] : memref<32x10000xf32, #tpu.memory_space<hbm>> -> memref<1x10000xf32, #tpu.memory_space<hbm>>
      %dma_start3A_15 = tpu.memref_squeeze %dma_start3A_14 : memref<1x10000xf32, #tpu.memory_space<hbm>> -> memref<10000xf32, #tpu.memory_space<hbm>>
      %dma_start3A_16 = arith.constant 0 : i32
      %dma_start3A_17 = tpu.memref_slice %arg3[%add3A, %dma_start3A_16] : memref<32x10000xf32, #tpu.memory_space<hbm>> -> memref<1x10000xf32, #tpu.memory_space<hbm>>
      %dma_start3A_18 = tpu.memref_squeeze %dma_start3A_17 : memref<1x10000xf32, #tpu.memory_space<hbm>> -> memref<10000xf32, #tpu.memory_space<hbm>>
      tpu.enqueue_dma source(%arg5 : memref<10000xf32, #tpu.memory_space<vmem>>) target(%dma_start3A_18 : memref<10000xf32, #tpu.memory_space<hbm>>) target_semaphore(%run_scoped3A : memref<!tpu.dma_semaphore, #tpu.memory_space<semaphore_mem>>)
      %dma_wait3A = arith.constant 0 : i32
      %dma_wait3A_19 = tpu.memref_slice %arg3[%add3A, %dma_wait3A] : memref<32x10000xf32, #tpu.memory_space<hbm>> -> memref<1x10000xf32, #tpu.memory_space<hbm>>
      %dma_wait3A_20 = tpu.memref_squeeze %dma_wait3A_19 : memref<1x10000xf32, #tpu.memory_space<hbm>> -> memref<10000xf32, #tpu.memory_space<hbm>>
      %dma_wait3A_21 = arith.constant 0 : i32
      %dma_wait3A_22 = tpu.memref_slice %arg3[%add3A, %dma_wait3A_21] : memref<32x10000xf32, #tpu.memory_space<hbm>> -> memref<1x10000xf32, #tpu.memory_space<hbm>>
      %dma_wait3A_23 = tpu.memref_squeeze %dma_wait3A_22 : memref<1x10000xf32, #tpu.memory_space<hbm>> -> memref<10000xf32, #tpu.memory_space<hbm>>
      tpu.wait_dma2 semaphore(%run_scoped3A : memref<!tpu.dma_semaphore, #tpu.memory_space<semaphore_mem>>) src(%arg5 : memref<10000xf32, #tpu.memory_space<vmem>>) dst(%dma_wait3A_23 : memref<10000xf32, #tpu.memory_space<hbm>>)
      tpu.yield
    }) : () -> ()
    return
  }
}

module attributes {stable_mosaic.version = 14 : i64} {
  func.func @_tc1_body(%arg0: memref<1x10000xf32, #tpu.memory_space<vmem>>, %arg1: memref<32x10000xf32, #tpu.memory_space<vmem>>, %arg2: memref<1x10000xf32, #tpu.memory_space<vmem>>, %arg3: memref<1x10000xf32, #tpu.memory_space<vmem>>, %arg4: memref<10000xf32, #tpu.memory_space<vmem>>) attributes {dimension_semantics = [], scalar_prefetch = 0 : i64, scratch_operands = 0 : i64, tpu.core_type = #tpu.core_type<tc>} {
    %get3A = arith.constant 0 : index
    %get3A_0 = arith.constant 0 : index
    %get3A_1 = vector.load %arg1[%get3A, %get3A_0] : memref<32x10000xf32, #tpu.memory_space<vmem>>, vector<32x10000xf32>
    %reduce_sum3A = arith.constant dense<0.000000e+00> : vector<10000xf32>
    %reduce_sum3A_2 = vector.multi_reduction <add>, %get3A_1, %reduce_sum3A [0] : vector<32x10000xf32> to vector<10000xf32>
    %broadcast_in_dim3A = vector.shape_cast %reduce_sum3A_2 : vector<10000xf32> to vector<1x10000xf32>
    %add3A = arith.constant 1.000000e+00 : f32
    %add3A_3 = vector.broadcast %add3A : f32 to vector<1x10000xf32>
    %add3A_4 = arith.addf %broadcast_in_dim3A, %add3A_3 : vector<1x10000xf32>
    %rsqrt3A = math.rsqrt %add3A_4 : vector<1x10000xf32>
    %swap3A = arith.constant 0 : index
    %swap3A_5 = arith.constant 0 : index
    %swap3A_6 = vector.load %arg3[%swap3A, %swap3A_5] : memref<1x10000xf32, #tpu.memory_space<vmem>>, vector<1x10000xf32>
    tpu.vector_store %arg3[%swap3A, %swap3A_5], %rsqrt3A {strides = array<i32>} : memref<1x10000xf32, #tpu.memory_space<vmem>>, vector<1x10000xf32>,
    %get3A_7 = arith.constant 0 : index
    %get3A_8 = arith.constant 0 : index
    %get3A_9 = vector.load %arg0[%get3A_7, %get3A_8] : memref<1x10000xf32, #tpu.memory_space<vmem>>, vector<1x10000xf32>
    %mul3A = arith.mulf %get3A_9, %rsqrt3A : vector<1x10000xf32>
    %swap3A_10 = arith.constant 0 : index
    %swap3A_11 = arith.constant 0 : index
    %swap3A_12 = vector.load %arg2[%swap3A_10, %swap3A_11] : memref<1x10000xf32, #tpu.memory_space<vmem>>, vector<1x10000xf32>
    tpu.vector_store %arg2[%swap3A_10, %swap3A_11], %mul3A {strides = array<i32>} : memref<1x10000xf32, #tpu.memory_space<vmem>>, vector<1x10000xf32>,
    %reshape3A = vector.shape_cast %mul3A : vector<1x10000xf32> to vector<10000xf32>
    %swap3A_13 = arith.constant 0 : index
    %swap3A_14 = vector.load %arg4[%swap3A_13] : memref<10000xf32, #tpu.memory_space<vmem>>, vector<10000xf32>
    tpu.vector_store %arg4[%swap3A_13], %reshape3A {strides = array<i32>} : memref<10000xf32, #tpu.memory_space<vmem>>, vector<10000xf32>,
    return
  }
}

module attributes {stable_mosaic.version = 14 : i64} {
  func.func @_tc2_body(%arg0: memref<32x10000xf32, #tpu.memory_space<vmem>>, %arg1: memref<1x10000xf32, #tpu.memory_space<vmem>>, %arg2: memref<1x10000xf32, #tpu.memory_space<vmem>>, %arg3: memref<1x1xf32, #tpu.memory_space<vmem>>, %arg4: memref<1x10000xf32, #tpu.memory_space<vmem>>) attributes {dimension_semantics = [], scalar_prefetch = 0 : i64, scratch_operands = 0 : i64, tpu.core_type = #tpu.core_type<tc>} {
    %get3A = arith.constant 0 : index
    %get3A_0 = arith.constant 0 : index
    %get3A_1 = vector.load %arg0[%get3A, %get3A_0] : memref<32x10000xf32, #tpu.memory_space<vmem>>, vector<32x10000xf32>
    %reduce_sum3A = arith.constant dense<0.000000e+00> : vector<10000xf32>
    %reduce_sum3A_2 = vector.multi_reduction <add>, %get3A_1, %reduce_sum3A [0] : vector<32x10000xf32> to vector<10000xf32>
    %broadcast_in_dim3A = vector.shape_cast %reduce_sum3A_2 : vector<10000xf32> to vector<1x10000xf32>
    %get3A_3 = arith.constant 0 : index
    %get3A_4 = arith.constant 0 : index
    %get3A_5 = vector.load %arg1[%get3A_3, %get3A_4] : memref<1x10000xf32, #tpu.memory_space<vmem>>, vector<1x10000xf32>
    %add3A = arith.addf %broadcast_in_dim3A, %get3A_5 : vector<1x10000xf32>
    %get3A_6 = arith.constant 0 : index
    %get3A_7 = arith.constant 0 : index
    %get3A_8 = vector.load %arg2[%get3A_6, %get3A_7] : memref<1x10000xf32, #tpu.memory_space<vmem>>, vector<1x10000xf32>
    %mul3A = arith.mulf %get3A_8, %add3A : vector<1x10000xf32>
    %get3A_9 = arith.constant 0 : index
    %get3A_10 = arith.constant 0 : index
    %get3A_11 = vector.load %arg3[%get3A_9, %get3A_10] : memref<1x1xf32, #tpu.memory_space<vmem>>, vector<1x1xf32>
    %add3A_12 = vector.broadcast %get3A_11 : vector<1x1xf32> to vector<1x10000xf32>
    %add3A_13 = arith.addf %mul3A, %add3A_12 : vector<1x10000xf32>
    %max3A = arith.constant 0.000000e+00 : f32
    %max3A_14 = vector.broadcast %max3A : f32 to vector<1x10000xf32>
    %max3A_15 = arith.maximumf %add3A_13, %max3A_14 : vector<1x10000xf32>
    %swap3A = arith.constant 0 : index
    %swap3A_16 = arith.constant 0 : index
    %swap3A_17 = vector.load %arg4[%swap3A, %swap3A_16] : memref<1x10000xf32, #tpu.memory_space<vmem>>, vector<1x10000xf32>
    tpu.vector_store %arg4[%swap3A, %swap3A_16], %max3A_15 {strides = array<i32>} : memref<1x10000xf32, #tpu.memory_space<vmem>>, vector<1x10000xf32>,
    return
  }
}

module attributes {stable_mosaic.version = 14 : i64} {
  func.func @_tc0_body(%arg0: memref<10000x128xf32, #tpu.memory_space<vmem>>, %arg1: memref<1x128xf32, #tpu.memory_space<vmem>>, %arg2: memref<1x10000xf32, #tpu.memory_space<vmem>>) attributes {dimension_semantics = [], scalar_prefetch = 0 : i64, scratch_operands = 0 : i64, tpu.core_type = #tpu.core_type<tc>} {
    %get3A = arith.constant 0 : index
    %get3A_0 = arith.constant 0 : index
    %get3A_1 = vector.load %arg1[%get3A, %get3A_0] : memref<1x128xf32, #tpu.memory_space<vmem>>, vector<1x128xf32>
    %get3A_2 = arith.constant 0 : index
    %get3A_3 = arith.constant 0 : index
    %get3A_4 = vector.load %arg0[%get3A_2, %get3A_3] : memref<10000x128xf32, #tpu.memory_space<vmem>>, vector<10000x128xf32>
    %dot_general3A = arith.constant dense<0.000000e+00> : vector<1x10000xf32>
    %dot_general3A_5 = tpu.matmul %get3A_1, %get3A_4, %dot_general3A {dimension_numbers = #tpu.dot_dimension_numbers<[1], [1], [0], [0], [0, 0, 1, 0], [], []>, transpose_lhs_hint = false} : vector<1x128xf32>, vector<10000x128xf32>, vector<1x10000xf32> -> vector<1x10000xf32>
    %swap3A = arith.constant 0 : index
    %swap3A_6 = arith.constant 0 : index
    %swap3A_7 = vector.load %arg2[%swap3A, %swap3A_6] : memref<1x10000xf32, #tpu.memory_space<vmem>>, vector<1x10000xf32>
    tpu.vector_store %arg2[%swap3A, %swap3A_6], %dot_general3A_5 {strides = array<i32>} : memref<1x10000xf32, #tpu.memory_space<vmem>>, vector<1x10000xf32>,
    return
  }
}

</mosaic_0001>

<sc_bundles>
// kernel: kernel.10.cloned.1.call-start
scs
__scs_entry_jumppad:
0x0: {  	(pc) =	sbr.rel $0x88, $3  }
0x1: {  	(tag) =	ssettag $0x0;
	lr =	simm.s32 $0x1  }
0x2: {  	[smem:$0x3F9D] =	sst lr;
	_ =	strace $0xD0000000  }
0x3: {  	_ = 	snop  }
0x4: {  	_ = 	snop  }
0x5: {  	_ = 	snop  }
0x6: {  	_ = 	snop  }
0x7: {  	_ = 	snop  }
__scs_overlays_trampoline_lowered:
0x8: {  	[smem:$0x3FAC] =	sst s0  }
0x9: {  	[smem:$0x3FAD] =	sst s1  }
0xa: {  	[smem:$0x3FAE] =	sst s2  }
0xb: {  	[smem:$0x3FAF] =	sst s3  }
0xc: {  	[smem:$0x3FB0] =	sst s4  }
0xd: {  	[smem:$0x3FB1] =	sst s5  }
0xe: {  	[smem:$0x3FB2] =	sst s6  }
0xf: {  	[smem:$0x3FB3] =	sst s7  }
0x10: {  	[smem:$0x3FB4] =	sst s8  }
0x11: {  	[smem:$0x3FB5] =	sst s9;
	s0 =	simm.s32 @!p0 $0x0  }
0x12: {  	s1 =	sld [smem:$0x3F9B];
	s0 =	simm.s32 @p0 $0x1  }
0x13: {  	[smem:$0x3FB6] =	sst s0;
	s0 =	simm.s32 @!p1 $0x0  }
0x14: {  	s2 =	sld [smem:$0x3F9A];
	s0 =	simm.s32 @p1 $0x1  }
0x15: {  	[smem:$0x3FB7] =	sst s0;
	s0 =	simm.s32 @!p2 $0x0  }
0x16: {  	s3 =	sld [smem:$0x3FDB];
	s0 =	simm.s32 @p2 $0x1  }
0x17: {  	s4 =	simm.s32 $0x1BF5;
	[smem:$0x3FB9] =	sst s0  }
0x18: {  	s0 =	sld [smem:$0x3F9C];
	_ =	swait.ge [sflag:s4], $0x0  }
0x19: {  	s7 =	sld [smem:$0x3F9D]  }
0x1a: {  	s8 =	sadd.s32 $0xFFFFE003, lr  }
0x1b: {  	s9 =	sadd.s32 $0xFFFFFEF7, lr;
	s5 =	simm.s32 $0xFFFFFFFF;
	p2 =	slt.u32 s8, $0xFFFFF086  }
0x1c: {  	p1 =	slt.u32 s9, $0xF7A;
	s5 =	simm.s32 @!p2 $0x0  }
0x1d: {  	s5 =	simm.s32 @p1 $0x1;
	p0 =	seq.s32 s7, s2  }
0x1e: {  	s7 =	smul.u32 @!p0 $0xF7A, s2;
	p2 =	seq.s32 @!p0 s5, $0x0  }
0x1f: {  	s9 =	smul.u32 $0xF7A, s1;
	s8 =	simm.s32 @!p0 $0x1BF5;
	p2 =	por !p2, p0  }
0x20: {  	[sflag:s8] =	ssyncset.s32 @!p0 $0xFFFFF086;
	s6 =	sadd.s32 @!p0 s3, s7;
	s7 =	simm.s32 @!p0 $0x108  }
0x21: {  	s3 =	sadd.s32 s3, s9;
	s6 =	sadd.s32 @!p0 $0x88, s6;
	s7 =	simm.s32 @p2 $0x1082  }
0x22: {  	[simem:s7], [sflag:s8] =	dma.local @!p0 [hbm:s6], $0xF7A  }
0x23: {  	s9 =	sor.u32 $0xD0000000, s2;
	s6 =	simm.s32 $0x108;
	_ =	swait.ge @!p0 [sflag:s8], $0x0  }
0x24: {  	s3 =	sadd.s32 $0x88, s3;
	s6 =	simm.s32 @!p1 $0x1082;
	[sflag:s4] =	ssyncset.s32 $0xFFFFF086  }
0x25: {  	[simem:s6], [sflag:s4] =	dma.local [hbm:s3], $0xF7A  }
0x26: {  	[smem:$0x3F9D] =	sst s1;
	(tag) =	ssettag s2;
	_ =	strace s9  }
0x27: {  	s1 =	sld [smem:$0x3FAD]  }
0x28: {  	s2 =	sld [smem:$0x3FAE]  }
0x29: {  	s4 =	sld [smem:$0x3FB0]  }
0x2a: {  	p0 =	seq.s32 s5, $0x0;
	s5 =	sld [smem:$0x3FB1]  }
0x2b: {  	s6 =	sld [smem:$0x3FB2]  }
0x2c: {  	s7 =	sld [smem:$0x3FB3]  }
0x2d: {  	s3 =	simm.s32 $0x108;
	s8 =	sld [smem:$0x3FB4]  }
0x2e: {  	s3 =	simm.s32 @!p0 $0x1082;
	s9 =	sld [smem:$0x3FB5]  }
0x2f: {  	lr =	sadd.s32 s0, s3;
	s0 =	sld [smem:$0x3FAC]  }
0x30: {  	s3 =	sld [smem:$0x3FAF]  }
0x31: {  	[smem:$0x3FB8] =	sst s10  }
0x32: {  	s10 =	sld [smem:$0x3FB6];
	_ =	sdelay $0x3  }
0x33: {  	p0 =	seq.s32 s10, $0x1;
	s10 =	sld [smem:$0x3FB8];
	_ =	sdelay $0x3  }
0x34: {  	[smem:$0x3FB8] =	sst s10  }
0x35: {  	s10 =	sld [smem:$0x3FB7];
	_ =	sdelay $0x3  }
0x36: {  	p1 =	seq.s32 s10, $0x1;
	s10 =	sld [smem:$0x3FB8];
	_ =	sdelay $0x3  }
0x37: {  	[smem:$0x3FB8] =	sst s10  }
0x38: {  	s10 =	sld [smem:$0x3FB9]  }
0x39: {  	_ = 	snop;
	(pc) =	sbr.ind lr, $3  }
0x3a: {  	_ = 	snop  }
0x3b: {  	_ = 	snop  }
0x3c: {  	p2 =	seq.s32 s10, $0x1;
	s10 =	sld [smem:$0x3FB8]  }
0x3d: {  	_ =	shalt  }
0x3e: {  	_ =	shalt  }
0x3f: {  	_ =	shalt  }
0x40: {  	_ =	shalt  }
0x41: {  	_ =	shalt  }
0x42: {  	_ =	shalt  }
0x43: {  	_ =	shalt  }
0x44: {  	_ =	shalt  }
0x45: {  	_ =	shalt  }
0x46: {  	_ =	shalt  }
0x47: {  	_ =	shalt  }
0x48: {  	_ =	shalt  }
0x49: {  	_ =	shalt  }
0x4a: {  	_ =	shalt  }
0x4b: {  	_ =	shalt  }
0x4c: {  	_ =	shalt  }
0x4d: {  	_ =	shalt  }
0x4e: {  	_ =	shalt  }
0x4f: {  	_ =	shalt  }
0x50: {  	_ =	shalt  }
0x51: {  	_ =	shalt  }
0x52: {  	_ =	shalt  }
0x53: {  	_ =	shalt  }
0x54: {  	_ =	shalt  }
0x55: {  	_ =	shalt  }
0x56: {  	_ =	shalt  }
0x57: {  	_ =	shalt  }
0x58: {  	_ =	shalt  }
0x59: {  	_ =	shalt  }
0x5a: {  	_ =	shalt  }
0x5b: {  	_ =	shalt  }
0x5c: {  	_ =	shalt  }
0x5d: {  	_ =	shalt  }
0x5e: {  	_ =	shalt  }
0x5f: {  	_ =	shalt  }
0x60: {  	_ =	shalt  }
0x61: {  	_ =	shalt  }
0x62: {  	_ =	shalt  }
0x63: {  	_ =	shalt  }
0x64: {  	_ =	shalt  }
0x65: {  	_ =	shalt  }
0x66: {  	_ =	shalt  }
0x67: {  	_ =	shalt  }
0x68: {  	_ =	shalt  }
0x69: {  	_ =	shalt  }
0x6a: {  	_ =	shalt  }
0x6b: {  	_ =	shalt  }
0x6c: {  	_ =	shalt  }
0x6d: {  	_ =	shalt  }
0x6e: {  	_ =	shalt  }
0x6f: {  	_ =	shalt  }
0x70: {  	_ =	shalt  }
0x71: {  	_ =	shalt  }
0x72: {  	_ =	shalt  }
0x73: {  	_ =	shalt  }
0x74: {  	_ =	shalt  }
0x75: {  	_ =	shalt  }
0x76: {  	_ =	shalt  }
0x77: {  	_ =	shalt  }
0x78: {  	_ =	shalt  }
0x79: {  	_ =	shalt  }
0x7a: {  	_ =	shalt  }
0x7b: {  	_ =	shalt  }
0x7c: {  	_ =	shalt  }
0x7d: {  	_ =	shalt  }
0x7e: {  	_ =	shalt  }
0x7f: {  	_ =	shalt  }
0x80: {  	_ =	shalt  }
0x81: {  	_ =	shalt  }
0x82: {  	_ =	shalt  }
0x83: {  	_ =	shalt  }
0x84: {  	_ =	shalt  }
0x85: {  	_ =	shalt  }
0x86: {  	_ =	shalt  }
0x87: {  	_ =	shalt  }
.Lfunc_end0:
.L_simem_size_0:
called_computation.1_lowered:
.L_overlay_start_0:
0x88: {  	s2 =	sld [smem:$0x3FD9]  }
0x89: {  	s3 =	sld [smem:$0x3FFE];
	_ =	sdelay $0x1  }
0x8a: {  	s1 =	srdreg.scid  }
0x8b: {  	s0 =	sand.u32 $0x1, s1  }
0x8c: {  	s17 =	sshll.u32 s0, $0xA;
	s2 =	sadd.s32 s3, s2  }
0x8d: {  	s2 =	sadd.s32 s2, s17  }
0x8e: {  	[smem:$0x3FC4] =	sst s2  }
0x8f: {  	_ = 	snop  }
0x90: {  	s2 =	sld [smem:$0x3FC8];
	(tm) =	ssettm $0x1  }
0x91: {  	s18 =	sld [smem:$0x3FFB];
	_ =	sdelay $0x3  }
0x92: {  	_ =	strace s18  }
0x93: {  	s3 =	sld [smem:$0x3FFC];
	_ =	sdelay $0x3  }
0x94: {  	_ =	strace s3  }
0x95: {  	s3 =	sld [smem:$0x3FFD];
	_ =	sdelay $0x3  }
0x96: {  	_ =	strace s3  }
0x97: {  	_ =	strace $0x8FFFFFFF  }
0x98: {  	s19 =	sld [smem:$0x3FDB];
	_ =	sdelay $0x1  }
0x99: {  	s4 =	simm.s32 $_scs_section_size  }
0x9a: {  	s5 =	simm.s32 $_size__tile_overlayer_lowered;
	s6 =	simm.s32 $_tile_overlayer_lowered  }
0x9b: {  	s22 =	simm.s32 $0x1BFF;
	s21 =	sshll.u32 s6, $0x1;
	s3 =	sadd.s32 s4, s19  }
0x9c: {  	s7 =	simm.s32 $0x0;
	s20 =	sshll.u32 s5, $0x1;
	s5 =	sadd.s32 s21, s3  }
0x9d: {  	[timem:s7], [sflag:s22] =	dma.local [hbm:s5], s20  }
0x9e: {  	_ =	swait.ge [sflag:s22], s20  }
0x9f: {  	s4 =	ssub.s32 $0x0, s20;
	[sflag:s22] =	ssyncset.done $0x0  }
0xa0: {  	[sflag:s22] =	ssyncadd.s32 s4;
	_ =	sdelay $0x1  }
0xa1: {  	s23 =	simm.s32 $0x1B8B  }
0xa2: {  	_ =	swait.ge [sflag:s23], $0x1  }
0xa3: {  	[sflag:s23] =	ssyncset.done $0x0  }
0xa4: {  	s25 =	simm.s32 $0x1B8E;
	s24 =	sld [smem:$0x3FFE];
	[sflag:s23] =	ssyncadd.s32 $0xFFFFFFFF  }
0xa5: {  	s26 =	simm.s32 $execute0_lowered;
	[smem:$0x3FD2] =	sst s25  }
0xa6: {  	s5 =	sshll.u32 s26, $0x1;
	_ =	strace $0x80000049;
	[dreg:$0x1] =	wrdreg $0xFFFFFFFF  }
0xa7: {  	s28 =	simm.s32 $_size_execute0_lowered;
	s3 =	sadd.s32 s3, s5;
	[dreg:$0x0] =	wrdreg $0x0  }
0xa8: {  	s5 =	sshll.u32 s28, $0x1;
	[dreg:$0x2] =	wrdreg s3  }
0xa9: {  	[dreg:$0x3] =	wrdreg s5  }
0xaa: {  	[dreg:$0x4] =	wrdreg $0xC0  }
0xab: {  	_ =	task [dreg:s7], $0x5FFFF  }
0xac: {  	[dreg:$0x1] =	wrdreg $0xFFFFFFFF  }
0xad: {  	[dreg:$0x0] =	wrdreg $0x60  }
0xae: {  	[dreg:$0x2] =	wrdreg s2  }
0xaf: {  	[dreg:$0x3] =	wrdreg s24  }
0xb0: {  	[dreg:$0x4] =	wrdreg $0x9  }
0xb1: {  	_ =	task.clear_ibuf [dreg:s7], $0x5FFFF;
	_ =	strace $0x90000049  }
0xb2: {  	s29 =	simm.s32 $0x9;
	_ =	strace $0x8000004B  }
0xb3: {  	_ =	swait.ge [sflag:s29], $0x1  }
0xb4: {  	[sflag:s29] =	ssyncadd.s32 $0xFFFFFFFF  }
0xb5: {  	_ =	strace $0x9000004B  }
0xb6: {  	_ =	sfence  }
0xb7: {  	s30 =	sld [smem:$0x0];
	_ =	sdelay $0x2  }
0xb8: {  	s31 =	sshll.u32 s1, $0xD;
	s1 =	sshrl.u32 s1, $0x2  }
0xb9: {  	s3 =	sand.u32 $0x4000, s31;
	s1 =	sadd.s32 s1, s30  }
0xba: {  	s0 =	sor.u32 s3, s0;
	s1 =	sshll.u32 s1, $0x11  }
0xbb: {  	s0 =	sor.u32 s1, s0  }
0xbc: {  	s0 =	sadd.s32 $0x8F2B, s0  }
0xbd: {  	[sflag:s0] =	ssyncadd.remote.s32 $0x1  }
0xbe: {  	_ =	sfence.sel $0xFFFF  }
0xbf: {  	[dreg:$0x0] =	wrdreg $0xFFFFFFFF;
	(pc) =	sbr.abs _section_cstart, $3  }
0xc0: {  	[dreg:$0x1] =	wrdreg $0xFFFFFFFF  }
0xc1: {  	_ =	task.clear_ibuf [dreg:s7], $0x2FFFF;
	_ =	strace $0x9FFFFFFF  }
0xc2: {  	(tm) =	ssettm $0x7FFFFFFF  }
0xc3: {  	_ =	shalt  }
tec
execute0_lowered:
.L_overlay_start_1:
0x0: {  	(tag) =	ssettag $0x1  }
0x1: {  	s4 =	rddreg [dreg:$0x0]  }
0x2: {  	s0 =	srdreg.scid;
	s6 =	rddreg [dreg:$0x1]  }
0x3: {  	s1 =	stileid.u32;
	s2 =	simm.s32 $0x0;
	s12 =	simm.s32 $0x400  }
0x4: {  	s13 =	simm.s32 $0x3;
	s5 =	sand.u32 $0x1, s0;
	s0 =	rddreg [dreg:$0x2]  }
0x5: {  	s14 =	simm.s32 $0x0;
	[smem:$0x7FF] =	sst s2;
	s9 =	sshll.u32 s1, $0x7  }
0x6: {  	s3 =	sshll.u32 s5, $0x4;
	_ =	strace $0x8000004A;
	s5 =	ssub.s32 $0x2, s5  }
0x7: {  	s9 =	sand.u32 $0x380, s9;
	s7 =	sor.u32 s1, s3;
	s11 =	sshrl.u32 s5, $0x1  }
0x8: {  	s3 =	sshrl.u32 s7, $0x3;
	s10 =	smul.u32 $0x4E, s7;
	s29 =	smin.u32 s7, $0x4  }
0x9: {  	s30 =	ssub.s32 s5, s11;
	p0 =	sgt.u32 s7, $0x3;
	s8 =	smul.u32 $0x13C00, s3  }
.Ltmp0:
0xa: {  	s7 =	simm.s32 $0x4F00;
	s11 =	simm.s32 $0x80;
	(pc) =	sbr.rel .LBB2_1-.Ltmp0, $4  }
0xb: {  	s3 =	sadd.s32 $0x1A00, s6;
	s8 =	sor.u32 s9, s8;
	s9 =	sadd.s32 s29, s10  }
0xc: {  	s10 =	simm.s32 $0x7680;
	s8 =	sshrl.u32 s8, $0x3;
	s31 =	sshll.u32 s9, $0x5  }
0xd: {  	s9 =	simm.s32 $0x2;
	s6 =	sadd.s32 s8, s6;
	s4 =	sadd.s32 s4, s31  }
0xe: {  	v0 =	vimm.f32 $0.0e+00;
	s8 =	simm.s32 $0x1;
	s5 =	sadd.s32 $0x2000, s6;
	s6 =	smax.u32 s30, $0x1  }
.LBB2_12:
0xf: {  	s14 =	sadd.s32 $0x1, s14  }
0x10: {  	p1 =	sne.s32 s14, s6  }
.Ltmp1:
0x11: {  	_ = 	snop;
	(pc) =	sbr.rel @!p1 .LBB2_13-.Ltmp1, $4  }
0x12: {  	[hbm4b:s5+s11] =	stream.strided.scatter [tilespmem:s10], [sflag:$0x3], $0x2780, s12, s11, $0x38;
	[tilespmem:$0x9E00] =	vst v63  }
0x13: {  	_ =	swait.ge [sflag:s13], $0x2780  }
0x14: {  	[sflag:s13] =	ssyncset.done $0x0  }
0x15: {  	[sflag:s13] =	ssyncadd.s32 $0xFFFFD880  }
.LBB2_1:
.Ltmp2:
0x16: {  	(pc) =	sbr.rel @p0 .LBB2_7-.Ltmp2, $2  }
0x17: {  	_ =	sdelay $0x2  }
0x18: {  	[tilespmem:s7], [sflag:$0x1] =	stream.linear.gather [hbm4b:s3+s2], $0x2780, $0x38;
	[tilespmem:$0x9E00] =	vst v63  }
0x19: {  	[tilespmem:s2], [sflag:$0x2] =	stream.linear.gather [hbm4b:s4+s2], $0x4F00, $0x38;
	[tilespmem:$0x9E00] =	vst v63  }
0x1a: {  	s15 =	simm.s32 $0x76C0  }
0x1b: {  	[tilespmem:s15+$0xFFFFFFC0] =	vst v0  }
0x1c: {  	[tilespmem:s15+$0x30] =	vst v0  }
0x1d: {  	[tilespmem:s15+$0x20] =	vst v0  }
0x1e: {  	[tilespmem:s15+$0x10] =	vst v0  }
0x1f: {  	[tilespmem:s15+$0x0] =	vst v0  }
0x20: {  	[tilespmem:s15+$0xFFFFFFF0] =	vst v0  }
0x21: {  	s16 =	simm.s32 $0x0;
	[tilespmem:s15+$0xFFFFFFE0] =	vst v0  }
.LBB2_3:
0x22: {  	s16 =	sadd.s32 $0x8, s16;
	[tilespmem:s15+$0xFFFFFFD0] =	vst v0;
	s15 =	sadd.s32 $0x80, s15  }
0x23: {  	[tilespmem:s15+$0xFFFFFFC0] =	vst v0;
	p1 =	slt.u32 s16, $0x268  }
0x24: {  	[tilespmem:s15+$0x30] =	vst v0  }
.Ltmp3:
0x25: {  	[tilespmem:s15+$0x20] =	vst v0;
	(pc) =	sbr.rel @p1 .LBB2_3-.Ltmp3, $4  }
0x26: {  	[tilespmem:s15+$0x10] =	vst v0  }
0x27: {  	[tilespmem:s15+$0x0] =	vst v0  }
0x28: {  	[tilespmem:s15+$0xFFFFFFF0] =	vst v0  }
0x29: {  	[tilespmem:s15+$0xFFFFFFE0] =	vst v0  }
0x2a: {  	[tilespmem:s15+$0xFFFFFFD0] =	vst v0  }
0x2b: {  	[tilespmem:$0x9D80] =	vst v0  }
0x2c: {  	_ =	swait.ge [sflag:s8], $0x2780  }
0x2d: {  	[sflag:s8] =	ssyncset.done $0x0  }
0x2e: {  	[sflag:s8] =	ssyncadd.s32 $0xFFFFD880  }
0x2f: {  	_ =	swait.ge [sflag:s9], $0x4F00  }
0x30: {  	[sflag:s9] =	ssyncset.done $0x0  }
0x31: {  	s15 =	simm.s32 $0xFFFFFFFC;
	s16 =	simm.s32 $0x200;
	[sflag:s9] =	ssyncadd.s32 $0xFFFFB100  }
.LBB2_5:
0x32: {  	v1 =	vld [tilespmem:s16+$0xFFFFFE00]  }
0x33: {  	v2 =	vld [tilespmem:s16+$0xFFFFFE10]  }
0x34: {  	v3 =	vld [tilespmem:s16+$0xFFFFFE20]  }
0x35: {  	v4 =	vld [tilespmem:s16+$0xFFFFFE30]  }
0x36: {  	v5 =	vld [tilespmem:s16+$0xFFFFFE40]  }
0x37: {  	v6 =	vld [tilespmem:s16+$0xFFFFFE50]  }
0x38: {  	v7 =	vld [tilespmem:s16+$0xFFFFFE60]  }
0x39: {  	v8 =	vld [tilespmem:s16+$0xFFFFFE70]  }
0x3a: {  	v9 =	vld [tilespmem:s16+$0xFFFFFE80]  }
0x3b: {  	v1 =	vld.idx.msk [tilespmem:v1+s7+$0x0], $0xffff  }
0x3c: {  	v2 =	vld.idx.msk [tilespmem:v2+s7+$0x0], $0xffff  }
0x3d: {  	v3 =	vld.idx.msk [tilespmem:v3+s7+$0x0], $0xffff  }
0x3e: {  	v4 =	vld.idx.msk [tilespmem:v4+s7+$0x0], $0xffff  }
0x3f: {  	v5 =	vld.idx.msk [tilespmem:v5+s7+$0x0], $0xffff  }
0x40: {  	v6 =	vld.idx.msk [tilespmem:v6+s7+$0x0], $0xffff  }
0x41: {  	v7 =	vld.idx.msk [tilespmem:v7+s7+$0x0], $0xffff  }
0x42: {  	v8 =	vld.idx.msk [tilespmem:v8+s7+$0x0], $0xffff  }
0x43: {  	[tilespmem:v9+s10+$0x0] =	vst.idx.add.f32.msk $0xffff, v1  }
0x44: {  	v1 =	vld [tilespmem:s16+$0xFFFFFE90];
	_ =	sdelay $0x7  }
0x45: {  	[tilespmem:v1+s10+$0x0] =	vst.idx.add.f32.msk $0xffff, v2  }
0x46: {  	v1 =	vld [tilespmem:s16+$0xFFFFFEA0];
	_ =	sdelay $0x7  }
0x47: {  	[tilespmem:v1+s10+$0x0] =	vst.idx.add.f32.msk $0xffff, v3  }
0x48: {  	v1 =	vld [tilespmem:s16+$0xFFFFFEB0];
	_ =	sdelay $0x7  }
0x49: {  	[tilespmem:v1+s10+$0x0] =	vst.idx.add.f32.msk $0xffff, v4  }
0x4a: {  	v1 =	vld [tilespmem:s16+$0xFFFFFEC0];
	_ =	sdelay $0x7  }
0x4b: {  	[tilespmem:v1+s10+$0x0] =	vst.idx.add.f32.msk $0xffff, v5  }
0x4c: {  	v1 =	vld [tilespmem:s16+$0xFFFFFED0];
	_ =	sdelay $0x7  }
0x4d: {  	[tilespmem:v1+s10+$0x0] =	vst.idx.add.f32.msk $0xffff, v6  }
0x4e: {  	v1 =	vld [tilespmem:s16+$0xFFFFFEE0];
	_ =	sdelay $0x7  }
0x4f: {  	[tilespmem:v1+s10+$0x0] =	vst.idx.add.f32.msk $0xffff, v7  }
0x50: {  	v1 =	vld [tilespmem:s16+$0xFFFFFEF0];
	_ =	sdelay $0x7  }
0x51: {  	[tilespmem:v1+s10+$0x0] =	vst.idx.add.f32.msk $0xffff, v8  }
0x52: {  	v1 =	vld [tilespmem:s16+$0xFFFFFF00]  }
0x53: {  	v2 =	vld [tilespmem:s16+$0xFFFFFF10]  }
0x54: {  	v3 =	vld [tilespmem:s16+$0xFFFFFF20]  }
0x55: {  	v4 =	vld [tilespmem:s16+$0xFFFFFF30]  }
0x56: {  	v5 =	vld [tilespmem:s16+$0xFFFFFF40]  }
0x57: {  	v6 =	vld [tilespmem:s16+$0xFFFFFF50]  }
0x58: {  	v7 =	vld [tilespmem:s16+$0xFFFFFF60]  }
0x59: {  	v8 =	vld [tilespmem:s16+$0xFFFFFF70]  }
0x5a: {  	v9 =	vld [tilespmem:s16+$0xFFFFFF80]  }
0x5b: {  	v1 =	vld.idx.msk [tilespmem:v1+s7+$0x0], $0xffff  }
0x5c: {  	v2 =	vld.idx.msk [tilespmem:v2+s7+$0x0], $0xffff  }
0x5d: {  	v3 =	vld.idx.msk [tilespmem:v3+s7+$0x0], $0xffff  }
0x5e: {  	v4 =	vld.idx.msk [tilespmem:v4+s7+$0x0], $0xffff  }
0x5f: {  	v5 =	vld.idx.msk [tilespmem:v5+s7+$0x0], $0xffff  }
0x60: {  	v6 =	vld.idx.msk [tilespmem:v6+s7+$0x0], $0xffff  }
0x61: {  	v7 =	vld.idx.msk [tilespmem:v7+s7+$0x0], $0xffff  }
0x62: {  	v8 =	vld.idx.msk [tilespmem:v8+s7+$0x0], $0xffff  }
0x63: {  	[tilespmem:v9+s10+$0x0] =	vst.idx.add.f32.msk $0xffff, v1  }
0x64: {  	v1 =	vld [tilespmem:s16+$0xFFFFFF90];
	_ =	sdelay $0x7  }
0x65: {  	[tilespmem:v1+s10+$0x0] =	vst.idx.add.f32.msk $0xffff, v2  }
0x66: {  	v1 =	vld [tilespmem:s16+$0xFFFFFFA0];
	_ =	sdelay $0x7  }
0x67: {  	[tilespmem:v1+s10+$0x0] =	vst.idx.add.f32.msk $0xffff, v3  }
0x68: {  	v1 =	vld [tilespmem:s16+$0xFFFFFFB0];
	_ =	sdelay $0x7  }
0x69: {  	[tilespmem:v1+s10+$0x0] =	vst.idx.add.f32.msk $0xffff, v4  }
0x6a: {  	v1 =	vld [tilespmem:s16+$0xFFFFFFC0];
	_ =	sdelay $0x7  }
0x6b: {  	[tilespmem:v1+s10+$0x0] =	vst.idx.add.f32.msk $0xffff, v5  }
0x6c: {  	v1 =	vld [tilespmem:s16+$0xFFFFFFD0];
	_ =	sdelay $0x7  }
0x6d: {  	[tilespmem:v1+s10+$0x0] =	vst.idx.add.f32.msk $0xffff, v6  }
0x6e: {  	v1 =	vld [tilespmem:s16+$0xFFFFFFE0];
	_ =	sdelay $0x7  }
0x6f: {  	[tilespmem:v1+s10+$0x0] =	vst.idx.add.f32.msk $0xffff, v7  }
0x70: {  	v1 =	vld [tilespmem:s16+$0xFFFFFFF0];
	_ =	sdelay $0x7  }
0x71: {  	[tilespmem:v1+s10+$0x0] =	vst.idx.add.f32.msk $0xffff, v8  }
0x72: {  	v1 =	vld [tilespmem:s16+$0x0]  }
0x73: {  	v2 =	vld [tilespmem:s16+$0x10]  }
0x74: {  	v3 =	vld [tilespmem:s16+$0x20]  }
0x75: {  	v4 =	vld [tilespmem:s16+$0x30]  }
0x76: {  	v5 =	vld [tilespmem:s16+$0x40]  }
0x77: {  	v6 =	vld [tilespmem:s16+$0x50]  }
0x78: {  	v7 =	vld [tilespmem:s16+$0x60]  }
0x79: {  	v8 =	vld [tilespmem:s16+$0x70]  }
0x7a: {  	v9 =	vld [tilespmem:s16+$0x80]  }
0x7b: {  	v1 =	vld.idx.msk [tilespmem:v1+s7+$0x0], $0xffff  }
0x7c: {  	v2 =	vld.idx.msk [tilespmem:v2+s7+$0x0], $0xffff  }
0x7d: {  	v3 =	vld.idx.msk [tilespmem:v3+s7+$0x0], $0xffff  }
0x7e: {  	v4 =	vld.idx.msk [tilespmem:v4+s7+$0x0], $0xffff  }
0x7f: {  	v5 =	vld.idx.msk [tilespmem:v5+s7+$0x0], $0xffff  }
0x80: {  	v6 =	vld.idx.msk [tilespmem:v6+s7+$0x0], $0xffff  }
0x81: {  	v7 =	vld.idx.msk [tilespmem:v7+s7+$0x0], $0xffff  }
0x82: {  	v8 =	vld.idx.msk [tilespmem:v8+s7+$0x0], $0xffff  }
0x83: {  	[tilespmem:v9+s10+$0x0] =	vst.idx.add.f32.msk $0xffff, v1  }
0x84: {  	v1 =	vld [tilespmem:s16+$0x90];
	_ =	sdelay $0x7  }
0x85: {  	[tilespmem:v1+s10+$0x0] =	vst.idx.add.f32.msk $0xffff, v2  }
0x86: {  	v1 =	vld [tilespmem:s16+$0xA0];
	_ =	sdelay $0x7  }
0x87: {  	[tilespmem:v1+s10+$0x0] =	vst.idx.add.f32.msk $0xffff, v3  }
0x88: {  	v1 =	vld [tilespmem:s16+$0xB0];
	_ =	sdelay $0x7  }
0x89: {  	[tilespmem:v1+s10+$0x0] =	vst.idx.add.f32.msk $0xffff, v4  }
0x8a: {  	v1 =	vld [tilespmem:s16+$0xC0];
	_ =	sdelay $0x7  }
0x8b: {  	[tilespmem:v1+s10+$0x0] =	vst.idx.add.f32.msk $0xffff, v5  }
0x8c: {  	v1 =	vld [tilespmem:s16+$0xD0];
	_ =	sdelay $0x7  }
0x8d: {  	[tilespmem:v1+s10+$0x0] =	vst.idx.add.f32.msk $0xffff, v6  }
0x8e: {  	v1 =	vld [tilespmem:s16+$0xE0];
	_ =	sdelay $0x7  }
0x8f: {  	[tilespmem:v1+s10+$0x0] =	vst.idx.add.f32.msk $0xffff, v7  }
0x90: {  	v1 =	vld [tilespmem:s16+$0xF0];
	_ =	sdelay $0x7  }
0x91: {  	[tilespmem:v1+s10+$0x0] =	vst.idx.add.f32.msk $0xffff, v8  }
0x92: {  	v1 =	vld [tilespmem:s16+$0x100]  }
0x93: {  	v2 =	vld [tilespmem:s16+$0x110]  }
0x94: {  	v3 =	vld [tilespmem:s16+$0x120]  }
0x95: {  	v4 =	vld [tilespmem:s16+$0x130]  }
0x96: {  	v5 =	vld [tilespmem:s16+$0x140]  }
0x97: {  	v6 =	vld [tilespmem:s16+$0x150]  }
0x98: {  	v7 =	vld [tilespmem:s16+$0x160]  }
0x99: {  	v8 =	vld [tilespmem:s16+$0x170]  }
0x9a: {  	v9 =	vld [tilespmem:s16+$0x180]  }
0x9b: {  	v1 =	vld.idx.msk [tilespmem:v1+s7+$0x0], $0xffff  }
0x9c: {  	v2 =	vld.idx.msk [tilespmem:v2+s7+$0x0], $0xffff  }
0x9d: {  	v3 =	vld.idx.msk [tilespmem:v3+s7+$0x0], $0xffff  }
0x9e: {  	v4 =	vld.idx.msk [tilespmem:v4+s7+$0x0], $0xffff  }
0x9f: {  	v5 =	vld.idx.msk [tilespmem:v5+s7+$0x0], $0xffff  }
0xa0: {  	v6 =	vld.idx.msk [tilespmem:v6+s7+$0x0], $0xffff  }
0xa1: {  	v7 =	vld.idx.msk [tilespmem:v7+s7+$0x0], $0xffff  }
0xa2: {  	v8 =	vld.idx.msk [tilespmem:v8+s7+$0x0], $0xffff  }
0xa3: {  	[tilespmem:v9+s10+$0x0] =	vst.idx.add.f32.msk $0xffff, v1  }
0xa4: {  	v1 =	vld [tilespmem:s16+$0x190];
	_ =	sdelay $0x7  }
0xa5: {  	[tilespmem:v1+s10+$0x0] =	vst.idx.add.f32.msk $0xffff, v2  }
0xa6: {  	v1 =	vld [tilespmem:s16+$0x1A0];
	_ =	sdelay $0x7  }
0xa7: {  	[tilespmem:v1+s10+$0x0] =	vst.idx.add.f32.msk $0xffff, v3  }
0xa8: {  	v1 =	vld [tilespmem:s16+$0x1B0];
	_ =	sdelay $0x7  }
0xa9: {  	[tilespmem:v1+s10+$0x0] =	vst.idx.add.f32.msk $0xffff, v4  }
0xaa: {  	v1 =	vld [tilespmem:s16+$0x1C0];
	_ =	sdelay $0x7  }
0xab: {  	[tilespmem:v1+s10+$0x0] =	vst.idx.add.f32.msk $0xffff, v5  }
0xac: {  	v1 =	vld [tilespmem:s16+$0x1D0];
	_ =	sdelay $0x7  }
0xad: {  	[tilespmem:v1+s10+$0x0] =	vst.idx.add.f32.msk $0xffff, v6  }
0xae: {  	v1 =	vld [tilespmem:s16+$0x1E0];
	_ =	sdelay $0x7  }
0xaf: {  	[tilespmem:v1+s10+$0x0] =	vst.idx.add.f32.msk $0xffff, v7  }
0xb0: {  	v1 =	vld [tilespmem:s16+$0x1F0];
	_ =	sdelay $0x1  }
0xb1: {  	s15 =	sadd.s32 $0x4, s15  }
0xb2: {  	p1 =	slt.u32 s15, $0x48  }
.Ltmp4:
0xb3: {  	_ = 	snop;
	(pc) =	sbr.rel @p1 .LBB2_5-.Ltmp4, $2  }
0xb4: {  	_ =	sdelay $0x2  }
0xb5: {  	s16 =	sadd.s32 $0x400, s16;
	[tilespmem:v1+s10+$0x0] =	vst.idx.add.f32.msk $0xffff, v8  }
0xb6: {  	v1 =	vld [tilespmem:$0x4C00]  }
0xb7: {  	v2 =	vld [tilespmem:$0x4C10]  }
0xb8: {  	v3 =	vld [tilespmem:$0x4C20]  }
0xb9: {  	v4 =	vld [tilespmem:$0x4C30]  }
0xba: {  	v5 =	vld [tilespmem:$0x4C40]  }
0xbb: {  	v6 =	vld [tilespmem:$0x4C50]  }
0xbc: {  	v7 =	vld [tilespmem:$0x4C60]  }
0xbd: {  	v8 =	vld [tilespmem:$0x4C70]  }
0xbe: {  	v9 =	vld [tilespmem:$0x4C80]  }
0xbf: {  	v1 =	vld.idx.msk [tilespmem:v1+s7+$0x0], $0xffff  }
0xc0: {  	v2 =	vld.idx.msk [tilespmem:v2+s7+$0x0], $0xffff  }
0xc1: {  	v3 =	vld.idx.msk [tilespmem:v3+s7+$0x0], $0xffff  }
0xc2: {  	v4 =	vld.idx.msk [tilespmem:v4+s7+$0x0], $0xffff  }
0xc3: {  	v5 =	vld.idx.msk [tilespmem:v5+s7+$0x0], $0xffff  }
0xc4: {  	v6 =	vld.idx.msk [tilespmem:v6+s7+$0x0], $0xffff  }
0xc5: {  	v7 =	vld.idx.msk [tilespmem:v7+s7+$0x0], $0xffff  }
0xc6: {  	v8 =	vld.idx.msk [tilespmem:v8+s7+$0x0], $0xffff  }
0xc7: {  	[tilespmem:v9+s10+$0x0] =	vst.idx.add.f32.msk $0xffff, v1  }
0xc8: {  	v1 =	vld [tilespmem:$0x4C90];
	_ =	sdelay $0x7  }
0xc9: {  	[tilespmem:v1+s10+$0x0] =	vst.idx.add.f32.msk $0xffff, v2  }
0xca: {  	v1 =	vld [tilespmem:$0x4CA0];
	_ =	sdelay $0x7  }
0xcb: {  	[tilespmem:v1+s10+$0x0] =	vst.idx.add.f32.msk $0xffff, v3  }
0xcc: {  	v1 =	vld [tilespmem:$0x4CB0];
	_ =	sdelay $0x7  }
0xcd: {  	[tilespmem:v1+s10+$0x0] =	vst.idx.add.f32.msk $0xffff, v4  }
0xce: {  	v1 =	vld [tilespmem:$0x4CC0];
	_ =	sdelay $0x7  }
0xcf: {  	[tilespmem:v1+s10+$0x0] =	vst.idx.add.f32.msk $0xffff, v5  }
0xd0: {  	v1 =	vld [tilespmem:$0x4CD0];
	_ =	sdelay $0x7  }
0xd1: {  	[tilespmem:v1+s10+$0x0] =	vst.idx.add.f32.msk $0xffff, v6  }
0xd2: {  	v1 =	vld [tilespmem:$0x4CE0];
	_ =	sdelay $0x7  }
0xd3: {  	[tilespmem:v1+s10+$0x0] =	vst.idx.add.f32.msk $0xffff, v7  }
0xd4: {  	v1 =	vld [tilespmem:$0x4CF0];
	_ =	sdelay $0x7  }
0xd5: {  	[tilespmem:v1+s10+$0x0] =	vst.idx.add.f32.msk $0xffff, v8  }
0xd6: {  	v1 =	vld [tilespmem:$0x4D00]  }
0xd7: {  	v2 =	vld [tilespmem:$0x4D10]  }
0xd8: {  	v3 =	vld [tilespmem:$0x4D20]  }
0xd9: {  	v4 =	vld [tilespmem:$0x4D30]  }
0xda: {  	v5 =	vld [tilespmem:$0x4D40]  }
0xdb: {  	v6 =	vld [tilespmem:$0x4D50]  }
0xdc: {  	v7 =	vld [tilespmem:$0x4D60]  }
0xdd: {  	v8 =	vld [tilespmem:$0x4D70]  }
0xde: {  	v9 =	vld [tilespmem:$0x4D80]  }
0xdf: {  	v1 =	vld.idx.msk [tilespmem:v1+s7+$0x0], $0xffff  }
0xe0: {  	v2 =	vld.idx.msk [tilespmem:v2+s7+$0x0], $0xffff  }
0xe1: {  	v3 =	vld.idx.msk [tilespmem:v3+s7+$0x0], $0xffff  }
0xe2: {  	v4 =	vld.idx.msk [tilespmem:v4+s7+$0x0], $0xffff  }
0xe3: {  	v5 =	vld.idx.msk [tilespmem:v5+s7+$0x0], $0xffff  }
0xe4: {  	v6 =	vld.idx.msk [tilespmem:v6+s7+$0x0], $0xffff  }
0xe5: {  	v7 =	vld.idx.msk [tilespmem:v7+s7+$0x0], $0xffff  }
0xe6: {  	v8 =	vld.idx.msk [tilespmem:v8+s7+$0x0], $0xffff  }
0xe7: {  	[tilespmem:v9+s10+$0x0] =	vst.idx.add.f32.msk $0xffff, v1  }
0xe8: {  	v1 =	vld [tilespmem:$0x4D90];
	_ =	sdelay $0x7  }
0xe9: {  	[tilespmem:v1+s10+$0x0] =	vst.idx.add.f32.msk $0xffff, v2  }
0xea: {  	v1 =	vld [tilespmem:$0x4DA0];
	_ =	sdelay $0x7  }
0xeb: {  	[tilespmem:v1+s10+$0x0] =	vst.idx.add.f32.msk $0xffff, v3  }
0xec: {  	v1 =	vld [tilespmem:$0x4DB0];
	_ =	sdelay $0x7  }
0xed: {  	[tilespmem:v1+s10+$0x0] =	vst.idx.add.f32.msk $0xffff, v4  }
0xee: {  	v1 =	vld [tilespmem:$0x4DC0];
	_ =	sdelay $0x7  }
0xef: {  	[tilespmem:v1+s10+$0x0] =	vst.idx.add.f32.msk $0xffff, v5  }
0xf0: {  	v1 =	vld [tilespmem:$0x4DD0];
	_ =	sdelay $0x7  }
0xf1: {  	[tilespmem:v1+s10+$0x0] =	vst.idx.add.f32.msk $0xffff, v6  }
0xf2: {  	v1 =	vld [tilespmem:$0x4DE0];
	_ =	sdelay $0x7  }
0xf3: {  	[tilespmem:v1+s10+$0x0] =	vst.idx.add.f32.msk $0xffff, v7  }
0xf4: {  	v1 =	vld [tilespmem:$0x4DF0];
	_ =	sdelay $0x7  }
0xf5: {  	[tilespmem:v1+s10+$0x0] =	vst.idx.add.f32.msk $0xffff, v8  }
0xf6: {  	v1 =	vld [tilespmem:$0x4E00]  }
0xf7: {  	v2 =	vld [tilespmem:$0x4E10]  }
0xf8: {  	v3 =	vld [tilespmem:$0x4E20]  }
0xf9: {  	v4 =	vld [tilespmem:$0x4E30]  }
0xfa: {  	v5 =	vld [tilespmem:$0x4E40]  }
0xfb: {  	v6 =	vld [tilespmem:$0x4E50]  }
0xfc: {  	v7 =	vld [tilespmem:$0x4E60]  }
0xfd: {  	v8 =	vld [tilespmem:$0x4E70]  }
0xfe: {  	v9 =	vld [tilespmem:$0x4E80]  }
0xff: {  	v1 =	vld.idx.msk [tilespmem:v1+s7+$0x0], $0xffff  }
0x100: {  	v2 =	vld.idx.msk [tilespmem:v2+s7+$0x0], $0xffff  }
0x101: {  	v3 =	vld.idx.msk [tilespmem:v3+s7+$0x0], $0xffff  }
0x102: {  	v4 =	vld.idx.msk [tilespmem:v4+s7+$0x0], $0xffff  }
0x103: {  	v5 =	vld.idx.msk [tilespmem:v5+s7+$0x0], $0xffff  }
0x104: {  	v6 =	vld.idx.msk [tilespmem:v6+s7+$0x0], $0xffff  }
0x105: {  	v7 =	vld.idx.msk [tilespmem:v7+s7+$0x0], $0xffff  }
0x106: {  	v8 =	vld.idx.msk [tilespmem:v8+s7+$0x0], $0xffff  }
0x107: {  	[tilespmem:v9+s10+$0x0] =	vst.idx.add.f32.msk $0xffff, v1  }
0x108: {  	v1 =	vld [tilespmem:$0x4E90];
	_ =	sdelay $0x7  }
0x109: {  	[tilespmem:v1+s10+$0x0] =	vst.idx.add.f32.msk $0xffff, v2  }
0x10a: {  	v1 =	vld [tilespmem:$0x4EA0];
	_ =	sdelay $0x7  }
0x10b: {  	[tilespmem:v1+s10+$0x0] =	vst.idx.add.f32.msk $0xffff, v3  }
0x10c: {  	v1 =	vld [tilespmem:$0x4EB0];
	_ =	sdelay $0x7  }
0x10d: {  	[tilespmem:v1+s10+$0x0] =	vst.idx.add.f32.msk $0xffff, v4  }
0x10e: {  	v1 =	vld [tilespmem:$0x4EC0];
	_ =	sdelay $0x7  }
0x10f: {  	[tilespmem:v1+s10+$0x0] =	vst.idx.add.f32.msk $0xffff, v5  }
0x110: {  	v1 =	vld [tilespmem:$0x4ED0];
	_ =	sdelay $0x7  }
0x111: {  	[tilespmem:v1+s10+$0x0] =	vst.idx.add.f32.msk $0xffff, v6  }
0x112: {  	v1 =	vld [tilespmem:$0x4EE0];
	_ =	sdelay $0x7  }
0x113: {  	[tilespmem:v1+s10+$0x0] =	vst.idx.add.f32.msk $0xffff, v7  }
0x114: {  	v1 =	vld [tilespmem:$0x4EF0];
	_ =	sdelay $0x3  }
.Ltmp5:
0x115: {  	_ = 	snop;
	(pc) =	sbr.rel .LBB2_12-.Ltmp5, $2  }
0x116: {  	_ =	sdelay $0x2  }
0x117: {  	[tilespmem:v1+s10+$0x0] =	vst.idx.add.f32.msk $0xffff, v8  }
.LBB2_7:
0x118: {  	[tilespmem:s2], [sflag:$0x2] =	stream.linear.gather [hbm4b:s4+s2], $0x4E00, $0x38;
	[tilespmem:$0x9E00] =	vst v63  }
0x119: {  	s15 =	simm.s32 $0x76C0  }
0x11a: {  	[tilespmem:s15+$0xFFFFFFC0] =	vst v0  }
0x11b: {  	[tilespmem:s15+$0x30] =	vst v0  }
0x11c: {  	[tilespmem:s15+$0x20] =	vst v0  }
0x11d: {  	[tilespmem:s15+$0x10] =	vst v0  }
0x11e: {  	[tilespmem:s15+$0x0] =	vst v0  }
0x11f: {  	[tilespmem:s15+$0xFFFFFFF0] =	vst v0  }
0x120: {  	s16 =	simm.s32 $0x0;
	[tilespmem:s15+$0xFFFFFFE0] =	vst v0  }
.LBB2_8:
0x121: {  	s16 =	sadd.s32 $0x8, s16;
	[tilespmem:s15+$0xFFFFFFD0] =	vst v0;
	s15 =	sadd.s32 $0x80, s15  }
0x122: {  	[tilespmem:s15+$0xFFFFFFC0] =	vst v0;
	p1 =	slt.u32 s16, $0x268  }
0x123: {  	[tilespmem:s15+$0x30] =	vst v0  }
.Ltmp6:
0x124: {  	[tilespmem:s15+$0x20] =	vst v0;
	(pc) =	sbr.rel @p1 .LBB2_8-.Ltmp6, $4  }
0x125: {  	[tilespmem:s15+$0x10] =	vst v0  }
0x126: {  	[tilespmem:s15+$0x0] =	vst v0  }
0x127: {  	[tilespmem:s15+$0xFFFFFFF0] =	vst v0  }
0x128: {  	[tilespmem:s15+$0xFFFFFFE0] =	vst v0  }
0x129: {  	[tilespmem:s15+$0xFFFFFFD0] =	vst v0  }
0x12a: {  	[tilespmem:$0x9D80] =	vst v0  }
0x12b: {  	_ =	swait.ge [sflag:s8], $0x2780  }
0x12c: {  	[sflag:s8] =	ssyncset.done $0x0  }
0x12d: {  	[sflag:s8] =	ssyncadd.s32 $0xFFFFD880  }
0x12e: {  	_ =	swait.ge [sflag:s9], $0x4E00  }
0x12f: {  	[sflag:s9] =	ssyncset.done $0x0  }
0x130: {  	s15 =	simm.s32 $0xFFFFFFFC;
	s16 =	simm.s32 $0x200;
	[sflag:s9] =	ssyncadd.s32 $0xFFFFB200  }
.LBB2_10:
0x131: {  	v1 =	vld [tilespmem:s16+$0xFFFFFE00]  }
0x132: {  	v2 =	vld [tilespmem:s16+$0xFFFFFE10]  }
0x133: {  	v3 =	vld [tilespmem:s16+$0xFFFFFE20]  }
0x134: {  	v4 =	vld [tilespmem:s16+$0xFFFFFE30]  }
0x135: {  	v5 =	vld [tilespmem:s16+$0xFFFFFE40]  }
0x136: {  	v6 =	vld [tilespmem:s16+$0xFFFFFE50]  }
0x137: {  	v7 =	vld [tilespmem:s16+$0xFFFFFE60]  }
0x138: {  	v8 =	vld [tilespmem:s16+$0xFFFFFE70]  }
0x139: {  	v9 =	vld [tilespmem:s16+$0xFFFFFE80]  }
0x13a: {  	v1 =	vld.idx.msk [tilespmem:v1+s7+$0x0], $0xffff  }
0x13b: {  	v2 =	vld.idx.msk [tilespmem:v2+s7+$0x0], $0xffff  }
0x13c: {  	v3 =	vld.idx.msk [tilespmem:v3+s7+$0x0], $0xffff  }
0x13d: {  	v4 =	vld.idx.msk [tilespmem:v4+s7+$0x0], $0xffff  }
0x13e: {  	v5 =	vld.idx.msk [tilespmem:v5+s7+$0x0], $0xffff  }
0x13f: {  	v6 =	vld.idx.msk [tilespmem:v6+s7+$0x0], $0xffff  }
0x140: {  	v7 =	vld.idx.msk [tilespmem:v7+s7+$0x0], $0xffff  }
0x141: {  	v8 =	vld.idx.msk [tilespmem:v8+s7+$0x0], $0xffff  }
0x142: {  	[tilespmem:v9+s10+$0x0] =	vst.idx.add.f32.msk $0xffff, v1  }
0x143: {  	v1 =	vld [tilespmem:s16+$0xFFFFFE90];
	_ =	sdelay $0x7  }
0x144: {  	[tilespmem:v1+s10+$0x0] =	vst.idx.add.f32.msk $0xffff, v2  }
0x145: {  	v1 =	vld [tilespmem:s16+$0xFFFFFEA0];
	_ =	sdelay $0x7  }
0x146: {  	[tilespmem:v1+s10+$0x0] =	vst.idx.add.f32.msk $0xffff, v3  }
0x147: {  	v1 =	vld [tilespmem:s16+$0xFFFFFEB0];
	_ =	sdelay $0x7  }
0x148: {  	[tilespmem:v1+s10+$0x0] =	vst.idx.add.f32.msk $0xffff, v4  }
0x149: {  	v1 =	vld [tilespmem:s16+$0xFFFFFEC0];
	_ =	sdelay $0x7  }
0x14a: {  	[tilespmem:v1+s10+$0x0] =	vst.idx.add.f32.msk $0xffff, v5  }
0x14b: {  	v1 =	vld [tilespmem:s16+$0xFFFFFED0];
	_ =	sdelay $0x7  }
0x14c: {  	[tilespmem:v1+s10+$0x0] =	vst.idx.add.f32.msk $0xffff, v6  }
0x14d: {  	v1 =	vld [tilespmem:s16+$0xFFFFFEE0];
	_ =	sdelay $0x7  }
0x14e: {  	[tilespmem:v1+s10+$0x0] =	vst.idx.add.f32.msk $0xffff, v7  }
0x14f: {  	v1 =	vld [tilespmem:s16+$0xFFFFFEF0];
	_ =	sdelay $0x7  }
0x150: {  	[tilespmem:v1+s10+$0x0] =	vst.idx.add.f32.msk $0xffff, v8  }
0x151: {  	v1 =	vld [tilespmem:s16+$0xFFFFFF00]  }
0x152: {  	v2 =	vld [tilespmem:s16+$0xFFFFFF10]  }
0x153: {  	v3 =	vld [tilespmem:s16+$0xFFFFFF20]  }
0x154: {  	v4 =	vld [tilespmem:s16+$0xFFFFFF30]  }
0x155: {  	v5 =	vld [tilespmem:s16+$0xFFFFFF40]  }
0x156: {  	v6 =	vld [tilespmem:s16+$0xFFFFFF50]  }
0x157: {  	v7 =	vld [tilespmem:s16+$0xFFFFFF60]  }
0x158: {  	v8 =	vld [tilespmem:s16+$0xFFFFFF70]  }
0x159: {  	v9 =	vld [tilespmem:s16+$0xFFFFFF80]  }
0x15a: {  	v1 =	vld.idx.msk [tilespmem:v1+s7+$0x0], $0xffff  }
0x15b: {  	v2 =	vld.idx.msk [tilespmem:v2+s7+$0x0], $0xffff  }
0x15c: {  	v3 =	vld.idx.msk [tilespmem:v3+s7+$0x0], $0xffff  }
0x15d: {  	v4 =	vld.idx.msk [tilespmem:v4+s7+$0x0], $0xffff  }
0x15e: {  	v5 =	vld.idx.msk [tilespmem:v5+s7+$0x0], $0xffff  }
0x15f: {  	v6 =	vld.idx.msk [tilespmem:v6+s7+$0x0], $0xffff  }
0x160: {  	v7 =	vld.idx.msk [tilespmem:v7+s7+$0x0], $0xffff  }
0x161: {  	v8 =	vld.idx.msk [tilespmem:v8+s7+$0x0], $0xffff  }
0x162: {  	[tilespmem:v9+s10+$0x0] =	vst.idx.add.f32.msk $0xffff, v1  }
0x163: {  	v1 =	vld [tilespmem:s16+$0xFFFFFF90];
	_ =	sdelay $0x7  }
0x164: {  	[tilespmem:v1+s10+$0x0] =	vst.idx.add.f32.msk $0xffff, v2  }
0x165: {  	v1 =	vld [tilespmem:s16+$0xFFFFFFA0];
	_ =	sdelay $0x7  }
0x166: {  	[tilespmem:v1+s10+$0x0] =	vst.idx.add.f32.msk $0xffff, v3  }
0x167: {  	v1 =	vld [tilespmem:s16+$0xFFFFFFB0];
	_ =	sdelay $0x7  }
0x168: {  	[tilespmem:v1+s10+$0x0] =	vst.idx.add.f32.msk $0xffff, v4  }
0x169: {  	v1 =	vld [tilespmem:s16+$0xFFFFFFC0];
	_ =	sdelay $0x7  }
0x16a: {  	[tilespmem:v1+s10+$0x0] =	vst.idx.add.f32.msk $0xffff, v5  }
0x16b: {  	v1 =	vld [tilespmem:s16+$0xFFFFFFD0];
	_ =	sdelay $0x7  }
0x16c: {  	[tilespmem:v1+s10+$0x0] =	vst.idx.add.f32.msk $0xffff, v6  }
0x16d: {  	v1 =	vld [tilespmem:s16+$0xFFFFFFE0];
	_ =	sdelay $0x7  }
0x16e: {  	[tilespmem:v1+s10+$0x0] =	vst.idx.add.f32.msk $0xffff, v7  }
0x16f: {  	v1 =	vld [tilespmem:s16+$0xFFFFFFF0];
	_ =	sdelay $0x7  }
0x170: {  	[tilespmem:v1+s10+$0x0] =	vst.idx.add.f32.msk $0xffff, v8  }
0x171: {  	v1 =	vld [tilespmem:s16+$0x0]  }
0x172: {  	v2 =	vld [tilespmem:s16+$0x10]  }
0x173: {  	v3 =	vld [tilespmem:s16+$0x20]  }
0x174: {  	v4 =	vld [tilespmem:s16+$0x30]  }
0x175: {  	v5 =	vld [tilespmem:s16+$0x40]  }
0x176: {  	v6 =	vld [tilespmem:s16+$0x50]  }
0x177: {  	v7 =	vld [tilespmem:s16+$0x60]  }
0x178: {  	v8 =	vld [tilespmem:s16+$0x70]  }
0x179: {  	v9 =	vld [tilespmem:s16+$0x80]  }
0x17a: {  	v1 =	vld.idx.msk [tilespmem:v1+s7+$0x0], $0xffff  }
0x17b: {  	v2 =	vld.idx.msk [tilespmem:v2+s7+$0x0], $0xffff  }
0x17c: {  	v3 =	vld.idx.msk [tilespmem:v3+s7+$0x0], $0xffff  }
0x17d: {  	v4 =	vld.idx.msk [tilespmem:v4+s7+$0x0], $0xffff  }
0x17e: {  	v5 =	vld.idx.msk [tilespmem:v5+s7+$0x0], $0xffff  }
0x17f: {  	v6 =	vld.idx.msk [tilespmem:v6+s7+$0x0], $0xffff  }
0x180: {  	v7 =	vld.idx.msk [tilespmem:v7+s7+$0x0], $0xffff  }
0x181: {  	v8 =	vld.idx.msk [tilespmem:v8+s7+$0x0], $0xffff  }
0x182: {  	[tilespmem:v9+s10+$0x0] =	vst.idx.add.f32.msk $0xffff, v1  }
0x183: {  	v1 =	vld [tilespmem:s16+$0x90];
	_ =	sdelay $0x7  }
0x184: {  	[tilespmem:v1+s10+$0x0] =	vst.idx.add.f32.msk $0xffff, v2  }
0x185: {  	v1 =	vld [tilespmem:s16+$0xA0];
	_ =	sdelay $0x7  }
0x186: {  	[tilespmem:v1+s10+$0x0] =	vst.idx.add.f32.msk $0xffff, v3  }
0x187: {  	v1 =	vld [tilespmem:s16+$0xB0];
	_ =	sdelay $0x7  }
0x188: {  	[tilespmem:v1+s10+$0x0] =	vst.idx.add.f32.msk $0xffff, v4  }
0x189: {  	v1 =	vld [tilespmem:s16+$0xC0];
	_ =	sdelay $0x7  }
0x18a: {  	[tilespmem:v1+s10+$0x0] =	vst.idx.add.f32.msk $0xffff, v5  }
0x18b: {  	v1 =	vld [tilespmem:s16+$0xD0];
	_ =	sdelay $0x7  }
0x18c: {  	[tilespmem:v1+s10+$0x0] =	vst.idx.add.f32.msk $0xffff, v6  }
0x18d: {  	v1 =	vld [tilespmem:s16+$0xE0];
	_ =	sdelay $0x7  }
0x18e: {  	[tilespmem:v1+s10+$0x0] =	vst.idx.add.f32.msk $0xffff, v7  }
0x18f: {  	v1 =	vld [tilespmem:s16+$0xF0];
	_ =	sdelay $0x7  }
0x190: {  	[tilespmem:v1+s10+$0x0] =	vst.idx.add.f32.msk $0xffff, v8  }
0x191: {  	v1 =	vld [tilespmem:s16+$0x100]  }
0x192: {  	v2 =	vld [tilespmem:s16+$0x110]  }
0x193: {  	v3 =	vld [tilespmem:s16+$0x120]  }
0x194: {  	v4 =	vld [tilespmem:s16+$0x130]  }
0x195: {  	v5 =	vld [tilespmem:s16+$0x140]  }
0x196: {  	v6 =	vld [tilespmem:s16+$0x150]  }
0x197: {  	v7 =	vld [tilespmem:s16+$0x160]  }
0x198: {  	v8 =	vld [tilespmem:s16+$0x170]  }
0x199: {  	v9 =	vld [tilespmem:s16+$0x180]  }
0x19a: {  	v1 =	vld.idx.msk [tilespmem:v1+s7+$0x0], $0xffff  }
0x19b: {  	v2 =	vld.idx.msk [tilespmem:v2+s7+$0x0], $0xffff  }
0x19c: {  	v3 =	vld.idx.msk [tilespmem:v3+s7+$0x0], $0xffff  }
0x19d: {  	v4 =	vld.idx.msk [tilespmem:v4+s7+$0x0], $0xffff  }
0x19e: {  	v5 =	vld.idx.msk [tilespmem:v5+s7+$0x0], $0xffff  }
0x19f: {  	v6 =	vld.idx.msk [tilespmem:v6+s7+$0x0], $0xffff  }
0x1a0: {  	v7 =	vld.idx.msk [tilespmem:v7+s7+$0x0], $0xffff  }
0x1a1: {  	v8 =	vld.idx.msk [tilespmem:v8+s7+$0x0], $0xffff  }
0x1a2: {  	[tilespmem:v9+s10+$0x0] =	vst.idx.add.f32.msk $0xffff, v1  }
0x1a3: {  	v1 =	vld [tilespmem:s16+$0x190];
	_ =	sdelay $0x7  }
0x1a4: {  	[tilespmem:v1+s10+$0x0] =	vst.idx.add.f32.msk $0xffff, v2  }
0x1a5: {  	v1 =	vld [tilespmem:s16+$0x1A0];
	_ =	sdelay $0x7  }
0x1a6: {  	[tilespmem:v1+s10+$0x0] =	vst.idx.add.f32.msk $0xffff, v3  }
0x1a7: {  	v1 =	vld [tilespmem:s16+$0x1B0];
	_ =	sdelay $0x7  }
0x1a8: {  	[tilespmem:v1+s10+$0x0] =	vst.idx.add.f32.msk $0xffff, v4  }
0x1a9: {  	v1 =	vld [tilespmem:s16+$0x1C0];
	_ =	sdelay $0x7  }
0x1aa: {  	[tilespmem:v1+s10+$0x0] =	vst.idx.add.f32.msk $0xffff, v5  }
0x1ab: {  	v1 =	vld [tilespmem:s16+$0x1D0];
	_ =	sdelay $0x7  }
0x1ac: {  	[tilespmem:v1+s10+$0x0] =	vst.idx.add.f32.msk $0xffff, v6  }
0x1ad: {  	v1 =	vld [tilespmem:s16+$0x1E0];
	_ =	sdelay $0x7  }
0x1ae: {  	[tilespmem:v1+s10+$0x0] =	vst.idx.add.f32.msk $0xffff, v7  }
0x1af: {  	v1 =	vld [tilespmem:s16+$0x1F0];
	_ =	sdelay $0x1  }
0x1b0: {  	s15 =	sadd.s32 $0x4, s15  }
0x1b1: {  	p1 =	slt.u32 s15, $0x48  }
.Ltmp7:
0x1b2: {  	_ = 	snop;
	(pc) =	sbr.rel @p1 .LBB2_10-.Ltmp7, $2  }
0x1b3: {  	_ =	sdelay $0x2  }
0x1b4: {  	s16 =	sadd.s32 $0x400, s16;
	[tilespmem:v1+s10+$0x0] =	vst.idx.add.f32.msk $0xffff, v8  }
0x1b5: {  	v1 =	vld [tilespmem:$0x4C00]  }
0x1b6: {  	v2 =	vld [tilespmem:$0x4C10]  }
0x1b7: {  	v3 =	vld [tilespmem:$0x4C20]  }
0x1b8: {  	v4 =	vld [tilespmem:$0x4C30]  }
0x1b9: {  	v5 =	vld [tilespmem:$0x4C40]  }
0x1ba: {  	v6 =	vld [tilespmem:$0x4C50]  }
0x1bb: {  	v7 =	vld [tilespmem:$0x4C60]  }
0x1bc: {  	v8 =	vld [tilespmem:$0x4C70]  }
0x1bd: {  	v9 =	vld [tilespmem:$0x4C80]  }
0x1be: {  	v1 =	vld.idx.msk [tilespmem:v1+s7+$0x0], $0xffff  }
0x1bf: {  	v2 =	vld.idx.msk [tilespmem:v2+s7+$0x0], $0xffff  }
0x1c0: {  	v3 =	vld.idx.msk [tilespmem:v3+s7+$0x0], $0xffff  }
0x1c1: {  	v4 =	vld.idx.msk [tilespmem:v4+s7+$0x0], $0xffff  }
0x1c2: {  	v5 =	vld.idx.msk [tilespmem:v5+s7+$0x0], $0xffff  }
0x1c3: {  	v6 =	vld.idx.msk [tilespmem:v6+s7+$0x0], $0xffff  }
0x1c4: {  	v7 =	vld.idx.msk [tilespmem:v7+s7+$0x0], $0xffff  }
0x1c5: {  	v8 =	vld.idx.msk [tilespmem:v8+s7+$0x0], $0xffff  }
0x1c6: {  	[tilespmem:v9+s10+$0x0] =	vst.idx.add.f32.msk $0xffff, v1  }
0x1c7: {  	v1 =	vld [tilespmem:$0x4C90];
	_ =	sdelay $0x7  }
0x1c8: {  	[tilespmem:v1+s10+$0x0] =	vst.idx.add.f32.msk $0xffff, v2  }
0x1c9: {  	v1 =	vld [tilespmem:$0x4CA0];
	_ =	sdelay $0x7  }
0x1ca: {  	[tilespmem:v1+s10+$0x0] =	vst.idx.add.f32.msk $0xffff, v3  }
0x1cb: {  	v1 =	vld [tilespmem:$0x4CB0];
	_ =	sdelay $0x7  }
0x1cc: {  	[tilespmem:v1+s10+$0x0] =	vst.idx.add.f32.msk $0xffff, v4  }
0x1cd: {  	v1 =	vld [tilespmem:$0x4CC0];
	_ =	sdelay $0x7  }
0x1ce: {  	[tilespmem:v1+s10+$0x0] =	vst.idx.add.f32.msk $0xffff, v5  }
0x1cf: {  	v1 =	vld [tilespmem:$0x4CD0];
	_ =	sdelay $0x7  }
0x1d0: {  	[tilespmem:v1+s10+$0x0] =	vst.idx.add.f32.msk $0xffff, v6  }
0x1d1: {  	v1 =	vld [tilespmem:$0x4CE0];
	_ =	sdelay $0x7  }
0x1d2: {  	[tilespmem:v1+s10+$0x0] =	vst.idx.add.f32.msk $0xffff, v7  }
0x1d3: {  	v1 =	vld [tilespmem:$0x4CF0];
	_ =	sdelay $0x7  }
0x1d4: {  	[tilespmem:v1+s10+$0x0] =	vst.idx.add.f32.msk $0xffff, v8  }
0x1d5: {  	v1 =	vld [tilespmem:$0x4D00]  }
0x1d6: {  	v2 =	vld [tilespmem:$0x4D10]  }
0x1d7: {  	v3 =	vld [tilespmem:$0x4D20]  }
0x1d8: {  	v4 =	vld [tilespmem:$0x4D30]  }
0x1d9: {  	v5 =	vld [tilespmem:$0x4D40]  }
0x1da: {  	v6 =	vld [tilespmem:$0x4D50]  }
0x1db: {  	v7 =	vld [tilespmem:$0x4D60]  }
0x1dc: {  	v8 =	vld [tilespmem:$0x4D70]  }
0x1dd: {  	v9 =	vld [tilespmem:$0x4D80]  }
0x1de: {  	v1 =	vld.idx.msk [tilespmem:v1+s7+$0x0], $0xffff  }
0x1df: {  	v2 =	vld.idx.msk [tilespmem:v2+s7+$0x0], $0xffff  }
0x1e0: {  	v3 =	vld.idx.msk [tilespmem:v3+s7+$0x0], $0xffff  }
0x1e1: {  	v4 =	vld.idx.msk [tilespmem:v4+s7+$0x0], $0xffff  }
0x1e2: {  	v5 =	vld.idx.msk [tilespmem:v5+s7+$0x0], $0xffff  }
0x1e3: {  	v6 =	vld.idx.msk [tilespmem:v6+s7+$0x0], $0xffff  }
0x1e4: {  	v7 =	vld.idx.msk [tilespmem:v7+s7+$0x0], $0xffff  }
0x1e5: {  	v8 =	vld.idx.msk [tilespmem:v8+s7+$0x0], $0xffff  }
0x1e6: {  	[tilespmem:v9+s10+$0x0] =	vst.idx.add.f32.msk $0xffff, v1  }
0x1e7: {  	v1 =	vld [tilespmem:$0x4D90];
	_ =	sdelay $0x7  }
0x1e8: {  	[tilespmem:v1+s10+$0x0] =	vst.idx.add.f32.msk $0xffff, v2  }
0x1e9: {  	v1 =	vld [tilespmem:$0x4DA0];
	_ =	sdelay $0x7  }
0x1ea: {  	[tilespmem:v1+s10+$0x0] =	vst.idx.add.f32.msk $0xffff, v3  }
0x1eb: {  	v1 =	vld [tilespmem:$0x4DB0];
	_ =	sdelay $0x7  }
0x1ec: {  	[tilespmem:v1+s10+$0x0] =	vst.idx.add.f32.msk $0xffff, v4  }
0x1ed: {  	v1 =	vld [tilespmem:$0x4DC0];
	_ =	sdelay $0x7  }
0x1ee: {  	[tilespmem:v1+s10+$0x0] =	vst.idx.add.f32.msk $0xffff, v5  }
0x1ef: {  	v1 =	vld [tilespmem:$0x4DD0];
	_ =	sdelay $0x7  }
0x1f0: {  	[tilespmem:v1+s10+$0x0] =	vst.idx.add.f32.msk $0xffff, v6  }
0x1f1: {  	v1 =	vld [tilespmem:$0x4DE0];
	_ =	sdelay $0x7  }
0x1f2: {  	[tilespmem:v1+s10+$0x0] =	vst.idx.add.f32.msk $0xffff, v7  }
0x1f3: {  	v1 =	vld [tilespmem:$0x4DF0];
	_ =	sdelay $0x3  }
.Ltmp8:
0x1f4: {  	_ = 	snop;
	(pc) =	sbr.rel .LBB2_12-.Ltmp8, $2  }
0x1f5: {  	_ =	sdelay $0x2  }
0x1f6: {  	[tilespmem:v1+s10+$0x0] =	vst.idx.add.f32.msk $0xffff, v8  }
.LBB2_13:
0x1f7: {  	_ =	sfence.sel $0x180000  }
0x1f8: {  	[bflag:$0x0] =	sbarrier.arrive $0xFFFF  }
0x1f9: {  	p0 =	sne.s32 s1, $0x0;
	_ =	strace $0x9000004A  }
0x1fa: {  	s0 =	sadd.s32 @!p0 $0x100000, s0;
	[bflag:$0x2] =	sbarrier.arrive $0xFFFF  }
0x1fb: {  	[sflag:s0] =	ssyncadd.tile.s32 @!p0 $0x1;
	_ =	shalt  }
.Lfunc_end2:
_tile_overlayer_lowered:
.L_overlay_start_2:
0x1fc: {  	(tag) =	ssettag $0x2  }
0x1fd: {  	s0 =	rddreg [dreg:$0x0];
	s2 =	stileid.u32  }
0x1fe: {  	s1 =	rddreg [dreg:$0x1];
	p0 =	sne.s32 s2, $0x0  }
0x1ff: {  	s3 =	rddreg [dreg:$0x2];
	[bflag:$0x3] =	sbarrier.arrive $0xFFFF;
	s2 =	simm.s32 @!p0 $0x1C03  }
0x200: {  	[timem:s3], [sflag:s2] =	dma.local @!p0 [hbm:s0], s1  }
0x201: {  	s0 =	simm.s32 @!p0 $0x3  }
0x202: {  	_ =	swait.ge @!p0 [sflag:s0], s1  }
0x203: {  	s1 =	ssub.s32 @!p0 $0x0, s1;
	[sflag:s0] =	ssyncset.done @!p0 $0x0  }
0x204: {  	[sflag:s0] =	ssyncadd.s32 @!p0 s1  }
0x205: {  	[bflag:$0x3] =	sbarrier.arrive $0xFFFF  }
0x206: {  	_ =	shalt  }

// kernel: kernel.7.cloned.1.call-start
scs
__scs_entry_jumppad:
0x0: {  	(pc) =	sbr.rel $0x88, $3  }
0x1: {  	(tag) =	ssettag $0x0;
	lr =	simm.s32 $0x1  }
0x2: {  	[smem:$0x3F9D] =	sst lr;
	_ =	strace $0xD0000000  }
0x3: {  	_ = 	snop  }
0x4: {  	_ = 	snop  }
0x5: {  	_ = 	snop  }
0x6: {  	_ = 	snop  }
0x7: {  	_ = 	snop  }
__scs_overlays_trampoline_lowered:
0x8: {  	[smem:$0x3FAC] =	sst s0  }
0x9: {  	[smem:$0x3FAD] =	sst s1  }
0xa: {  	[smem:$0x3FAE] =	sst s2  }
0xb: {  	[smem:$0x3FAF] =	sst s3  }
0xc: {  	[smem:$0x3FB0] =	sst s4  }
0xd: {  	[smem:$0x3FB1] =	sst s5  }
0xe: {  	[smem:$0x3FB2] =	sst s6  }
0xf: {  	[smem:$0x3FB3] =	sst s7  }
0x10: {  	[smem:$0x3FB4] =	sst s8  }
0x11: {  	[smem:$0x3FB5] =	sst s9;
	s0 =	simm.s32 @!p0 $0x0  }
0x12: {  	s1 =	sld [smem:$0x3F9B];
	s0 =	simm.s32 @p0 $0x1  }
0x13: {  	[smem:$0x3FB6] =	sst s0;
	s0 =	simm.s32 @!p1 $0x0  }
0x14: {  	s2 =	sld [smem:$0x3F9A];
	s0 =	simm.s32 @p1 $0x1  }
0x15: {  	[smem:$0x3FB7] =	sst s0;
	s0 =	simm.s32 @!p2 $0x0  }
0x16: {  	s3 =	sld [smem:$0x3FDB];
	s0 =	simm.s32 @p2 $0x1  }
0x17: {  	s4 =	simm.s32 $0x1BF5;
	[smem:$0x3FB9] =	sst s0  }
0x18: {  	s0 =	sld [smem:$0x3F9C];
	_ =	swait.ge [sflag:s4], $0x0  }
0x19: {  	s7 =	sld [smem:$0x3F9D]  }
0x1a: {  	s8 =	sadd.s32 $0xFFFFE003, lr  }
0x1b: {  	s9 =	sadd.s32 $0xFFFFFEF7, lr;
	s5 =	simm.s32 $0xFFFFFFFF;
	p2 =	slt.u32 s8, $0xFFFFF086  }
0x1c: {  	p1 =	slt.u32 s9, $0xF7A;
	s5 =	simm.s32 @!p2 $0x0  }
0x1d: {  	s5 =	simm.s32 @p1 $0x1;
	p0 =	seq.s32 s7, s2  }
0x1e: {  	s7 =	smul.u32 @!p0 $0xF7A, s2;
	p2 =	seq.s32 @!p0 s5, $0x0  }
0x1f: {  	s9 =	smul.u32 $0xF7A, s1;
	s8 =	simm.s32 @!p0 $0x1BF5;
	p2 =	por !p2, p0  }
0x20: {  	[sflag:s8] =	ssyncset.s32 @!p0 $0xFFFFF086;
	s6 =	sadd.s32 @!p0 s3, s7;
	s7 =	simm.s32 @!p0 $0x108  }
0x21: {  	s3 =	sadd.s32 s3, s9;
	s6 =	sadd.s32 @!p0 $0x88, s6;
	s7 =	simm.s32 @p2 $0x1082  }
0x22: {  	[simem:s7], [sflag:s8] =	dma.local @!p0 [hbm:s6], $0xF7A  }
0x23: {  	s9 =	sor.u32 $0xD0000000, s2;
	s6 =	simm.s32 $0x108;
	_ =	swait.ge @!p0 [sflag:s8], $0x0  }
0x24: {  	s3 =	sadd.s32 $0x88, s3;
	s6 =	simm.s32 @!p1 $0x1082;
	[sflag:s4] =	ssyncset.s32 $0xFFFFF086  }
0x25: {  	[simem:s6], [sflag:s4] =	dma.local [hbm:s3], $0xF7A  }
0x26: {  	[smem:$0x3F9D] =	sst s1;
	(tag) =	ssettag s2;
	_ =	strace s9  }
0x27: {  	s1 =	sld [smem:$0x3FAD]  }
0x28: {  	s2 =	sld [smem:$0x3FAE]  }
0x29: {  	s4 =	sld [smem:$0x3FB0]  }
0x2a: {  	p0 =	seq.s32 s5, $0x0;
	s5 =	sld [smem:$0x3FB1]  }
0x2b: {  	s6 =	sld [smem:$0x3FB2]  }
0x2c: {  	s7 =	sld [smem:$0x3FB3]  }
0x2d: {  	s3 =	simm.s32 $0x108;
	s8 =	sld [smem:$0x3FB4]  }
0x2e: {  	s3 =	simm.s32 @!p0 $0x1082;
	s9 =	sld [smem:$0x3FB5]  }
0x2f: {  	lr =	sadd.s32 s0, s3;
	s0 =	sld [smem:$0x3FAC]  }
0x30: {  	s3 =	sld [smem:$0x3FAF]  }
0x31: {  	[smem:$0x3FB8] =	sst s10  }
0x32: {  	s10 =	sld [smem:$0x3FB6];
	_ =	sdelay $0x3  }
0x33: {  	p0 =	seq.s32 s10, $0x1;
	s10 =	sld [smem:$0x3FB8];
	_ =	sdelay $0x3  }
0x34: {  	[smem:$0x3FB8] =	sst s10  }
0x35: {  	s10 =	sld [smem:$0x3FB7];
	_ =	sdelay $0x3  }
0x36: {  	p1 =	seq.s32 s10, $0x1;
	s10 =	sld [smem:$0x3FB8];
	_ =	sdelay $0x3  }
0x37: {  	[smem:$0x3FB8] =	sst s10  }
0x38: {  	s10 =	sld [smem:$0x3FB9]  }
0x39: {  	_ = 	snop;
	(pc) =	sbr.ind lr, $3  }
0x3a: {  	_ = 	snop  }
0x3b: {  	_ = 	snop  }
0x3c: {  	p2 =	seq.s32 s10, $0x1;
	s10 =	sld [smem:$0x3FB8]  }
0x3d: {  	_ =	shalt  }
0x3e: {  	_ =	shalt  }
0x3f: {  	_ =	shalt  }
0x40: {  	_ =	shalt  }
0x41: {  	_ =	shalt  }
0x42: {  	_ =	shalt  }
0x43: {  	_ =	shalt  }
0x44: {  	_ =	shalt  }
0x45: {  	_ =	shalt  }
0x46: {  	_ =	shalt  }
0x47: {  	_ =	shalt  }
0x48: {  	_ =	shalt  }
0x49: {  	_ =	shalt  }
0x4a: {  	_ =	shalt  }
0x4b: {  	_ =	shalt  }
0x4c: {  	_ =	shalt  }
0x4d: {  	_ =	shalt  }
0x4e: {  	_ =	shalt  }
0x4f: {  	_ =	shalt  }
0x50: {  	_ =	shalt  }
0x51: {  	_ =	shalt  }
0x52: {  	_ =	shalt  }
0x53: {  	_ =	shalt  }
0x54: {  	_ =	shalt  }
0x55: {  	_ =	shalt  }
0x56: {  	_ =	shalt  }
0x57: {  	_ =	shalt  }
0x58: {  	_ =	shalt  }
0x59: {  	_ =	shalt  }
0x5a: {  	_ =	shalt  }
0x5b: {  	_ =	shalt  }
0x5c: {  	_ =	shalt  }
0x5d: {  	_ =	shalt  }
0x5e: {  	_ =	shalt  }
0x5f: {  	_ =	shalt  }
0x60: {  	_ =	shalt  }
0x61: {  	_ =	shalt  }
0x62: {  	_ =	shalt  }
0x63: {  	_ =	shalt  }
0x64: {  	_ =	shalt  }
0x65: {  	_ =	shalt  }
0x66: {  	_ =	shalt  }
0x67: {  	_ =	shalt  }
0x68: {  	_ =	shalt  }
0x69: {  	_ =	shalt  }
0x6a: {  	_ =	shalt  }
0x6b: {  	_ =	shalt  }
0x6c: {  	_ =	shalt  }
0x6d: {  	_ =	shalt  }
0x6e: {  	_ =	shalt  }
0x6f: {  	_ =	shalt  }
0x70: {  	_ =	shalt  }
0x71: {  	_ =	shalt  }
0x72: {  	_ =	shalt  }
0x73: {  	_ =	shalt  }
0x74: {  	_ =	shalt  }
0x75: {  	_ =	shalt  }
0x76: {  	_ =	shalt  }
0x77: {  	_ =	shalt  }
0x78: {  	_ =	shalt  }
0x79: {  	_ =	shalt  }
0x7a: {  	_ =	shalt  }
0x7b: {  	_ =	shalt  }
0x7c: {  	_ =	shalt  }
0x7d: {  	_ =	shalt  }
0x7e: {  	_ =	shalt  }
0x7f: {  	_ =	shalt  }
0x80: {  	_ =	shalt  }
0x81: {  	_ =	shalt  }
0x82: {  	_ =	shalt  }
0x83: {  	_ =	shalt  }
0x84: {  	_ =	shalt  }
0x85: {  	_ =	shalt  }
0x86: {  	_ =	shalt  }
0x87: {  	_ =	shalt  }
.Lfunc_end0:
.L_simem_size_0:
called_computation_lowered:
.L_overlay_start_0:
0x88: {  	s2 =	sld [smem:$0x3FD9]  }
0x89: {  	s3 =	sld [smem:$0x3FFE];
	_ =	sdelay $0x1  }
0x8a: {  	s1 =	srdreg.scid  }
0x8b: {  	s0 =	sand.u32 $0x1, s1  }
0x8c: {  	s17 =	sshll.u32 s0, $0xA;
	s2 =	sadd.s32 s3, s2  }
0x8d: {  	s2 =	sadd.s32 s2, s17  }
0x8e: {  	[smem:$0x3FC4] =	sst s2  }
0x8f: {  	_ = 	snop  }
0x90: {  	s2 =	sld [smem:$0x3FC8];
	(tm) =	ssettm $0x1  }
0x91: {  	s18 =	sld [smem:$0x3FFB];
	_ =	sdelay $0x3  }
0x92: {  	_ =	strace s18  }
0x93: {  	s3 =	sld [smem:$0x3FFC];
	_ =	sdelay $0x3  }
0x94: {  	_ =	strace s3  }
0x95: {  	s3 =	sld [smem:$0x3FFD];
	_ =	sdelay $0x3  }
0x96: {  	_ =	strace s3  }
0x97: {  	_ =	strace $0x8FFFFFFF  }
0x98: {  	s19 =	sld [smem:$0x3FDB];
	_ =	sdelay $0x1  }
0x99: {  	s4 =	simm.s32 $_scs_section_size  }
0x9a: {  	s5 =	simm.s32 $_size__tile_overlayer_lowered;
	s6 =	simm.s32 $_tile_overlayer_lowered  }
0x9b: {  	s22 =	simm.s32 $0x1BFF;
	s21 =	sshll.u32 s6, $0x1;
	s3 =	sadd.s32 s4, s19  }
0x9c: {  	s7 =	simm.s32 $0x0;
	s20 =	sshll.u32 s5, $0x1;
	s5 =	sadd.s32 s21, s3  }
0x9d: {  	[timem:s7], [sflag:s22] =	dma.local [hbm:s5], s20  }
0x9e: {  	_ =	swait.ge [sflag:s22], s20  }
0x9f: {  	s4 =	ssub.s32 $0x0, s20;
	[sflag:s22] =	ssyncset.done $0x0  }
0xa0: {  	[sflag:s22] =	ssyncadd.s32 s4;
	_ =	sdelay $0x1  }
0xa1: {  	s23 =	simm.s32 $0x1B8B  }
0xa2: {  	_ =	swait.ge [sflag:s23], $0x1  }
0xa3: {  	[sflag:s23] =	ssyncset.done $0x0  }
0xa4: {  	s25 =	simm.s32 $0x1B8E;
	s24 =	sld [smem:$0x3FFE];
	[sflag:s23] =	ssyncadd.s32 $0xFFFFFFFF  }
0xa5: {  	s26 =	simm.s32 $execute0_lowered;
	[smem:$0x3FD2] =	sst s25  }
0xa6: {  	s5 =	sshll.u32 s26, $0x1;
	_ =	strace $0x80000046;
	[dreg:$0x1] =	wrdreg $0xFFFFFFFF  }
0xa7: {  	s28 =	simm.s32 $_size_execute0_lowered;
	s3 =	sadd.s32 s3, s5;
	[dreg:$0x0] =	wrdreg $0x0  }
0xa8: {  	s5 =	sshll.u32 s28, $0x1;
	[dreg:$0x2] =	wrdreg s3  }
0xa9: {  	[dreg:$0x3] =	wrdreg s5  }
0xaa: {  	[dreg:$0x4] =	wrdreg $0xC0  }
0xab: {  	_ =	task [dreg:s7], $0x5FFFF  }
0xac: {  	[dreg:$0x1] =	wrdreg $0xFFFFFFFF  }
0xad: {  	[dreg:$0x0] =	wrdreg $0x60  }
0xae: {  	[dreg:$0x2] =	wrdreg s2  }
0xaf: {  	[dreg:$0x3] =	wrdreg s24  }
0xb0: {  	[dreg:$0x4] =	wrdreg $0x9  }
0xb1: {  	_ =	task.clear_ibuf [dreg:s7], $0x5FFFF;
	_ =	strace $0x90000046  }
0xb2: {  	s29 =	simm.s32 $0x9;
	_ =	strace $0x80000048  }
0xb3: {  	_ =	swait.ge [sflag:s29], $0x1  }
0xb4: {  	[sflag:s29] =	ssyncadd.s32 $0xFFFFFFFF  }
0xb5: {  	_ =	strace $0x90000048  }
0xb6: {  	_ =	sfence  }
0xb7: {  	s30 =	sld [smem:$0x0];
	_ =	sdelay $0x2  }
0xb8: {  	s31 =	sshll.u32 s1, $0xD;
	s1 =	sshrl.u32 s1, $0x2  }
0xb9: {  	s3 =	sand.u32 $0x4000, s31;
	s1 =	sadd.s32 s1, s30  }
0xba: {  	s0 =	sor.u32 s3, s0;
	s1 =	sshll.u32 s1, $0x11  }
0xbb: {  	s0 =	sor.u32 s1, s0  }
0xbc: {  	s0 =	sadd.s32 $0x8F2B, s0  }
0xbd: {  	[sflag:s0] =	ssyncadd.remote.s32 $0x1  }
0xbe: {  	_ =	sfence.sel $0xFFFF  }
0xbf: {  	[dreg:$0x0] =	wrdreg $0xFFFFFFFF;
	(pc) =	sbr.abs _section_cstart, $3  }
0xc0: {  	[dreg:$0x1] =	wrdreg $0xFFFFFFFF  }
0xc1: {  	_ =	task.clear_ibuf [dreg:s7], $0x2FFFF;
	_ =	strace $0x9FFFFFFF  }
0xc2: {  	(tm) =	ssettm $0x7FFFFFFF  }
0xc3: {  	_ =	shalt  }
tec
execute0_lowered:
.L_overlay_start_1:
0x0: {  	(tag) =	ssettag $0x1  }
0x1: {  	s4 =	rddreg [dreg:$0x0]  }
0x2: {  	s0 =	srdreg.scid;
	s5 =	rddreg [dreg:$0x1]  }
0x3: {  	s2 =	simm.s32 $0x0;
	s11 =	simm.s32 $0x0;
	s3 =	sand.u32 $0x1, s0  }
0x4: {  	s0 =	stileid.u32;
	[smem:$0x7FF] =	sst s2;
	s1 =	sshll.u32 s3, $0x4  }
0x5: {  	s8 =	sshll.u32 s0, $0x7;
	s3 =	ssub.s32 $0x2, s3;
	s6 =	sor.u32 s0, s1  }
0x6: {  	s1 =	rddreg [dreg:$0x2];
	_ =	strace $0x80000047;
	s8 =	sand.u32 $0x380, s8  }
0x7: {  	s30 =	sshrl.u32 s3, $0x1;
	s7 =	sshrl.u32 s6, $0x3;
	s9 =	smul.u32 $0x4E, s6  }
0x8: {  	s10 =	smin.u32 s6, $0x4;
	s31 =	ssub.s32 s3, s30;
	s7 =	smul.u32 $0x13C00, s7  }
.Ltmp0:
0x9: {  	p0 =	sgt.u32 s6, $0x3;
	s6 =	simm.s32 $0x1;
	(pc) =	sbr.rel .LBB2_1-.Ltmp0, $4  }
0xa: {  	s29 =	sadd.s32 s10, s9;
	s9 =	simm.s32 $0x400;
	s7 =	sor.u32 s8, s7  }
0xb: {  	s10 =	simm.s32 $0x2;
	s8 =	sshll.u32 s29, $0x5;
	s7 =	sshrl.u32 s7, $0x3  }
0xc: {  	s3 =	sadd.s32 s4, s8;
	s8 =	simm.s32 $0x80;
	s5 =	sadd.s32 s7, s5  }
0xd: {  	v0 =	vimm.f32 $0.0e+00;
	v1 =	vimm.f32 $1.000000000e+00;
	s7 =	simm.s32 $0x4F00;
	s4 =	sadd.s32 $0x1A00, s5;
	s5 =	smax.u32 s31, $0x1  }
.LBB2_11:
0xe: {  	_ =	sdelay $0x3  }
0xf: {  	[tilespmem:v2+s7+$0x0] =	vst.idx.add.f32.msk $0xffff, v1  }
.LBB2_12:
0x10: {  	s11 =	sadd.s32 $0x1, s11  }
0x11: {  	p1 =	sne.s32 s11, s5  }
.Ltmp1:
0x12: {  	_ = 	snop;
	(pc) =	sbr.rel @!p1 .LBB2_13-.Ltmp1, $4  }
0x13: {  	[hbm4b:s4+s8] =	stream.strided.scatter [tilespmem:s7], [sflag:$0x2], $0x2780, s9, s8, $0x38;
	[tilespmem:$0x7680] =	vst v63  }
0x14: {  	_ =	swait.ge [sflag:s10], $0x2780  }
0x15: {  	[sflag:s10] =	ssyncset.done $0x0  }
0x16: {  	[sflag:s10] =	ssyncadd.s32 $0xFFFFD880  }
.LBB2_1:
.Ltmp2:
0x17: {  	(pc) =	sbr.rel @p0 .LBB2_7-.Ltmp2, $1  }
0x18: {  	_ =	sdelay $0x3  }
0x19: {  	[tilespmem:s2], [sflag:$0x1] =	stream.linear.gather [hbm4b:s3+s2], $0x4F00, $0x38;
	[tilespmem:$0x7680] =	vst v63  }
0x1a: {  	s12 =	simm.s32 $0x4F40  }
0x1b: {  	[tilespmem:s12+$0xFFFFFFC0] =	vst v0  }
0x1c: {  	[tilespmem:s12+$0x30] =	vst v0  }
0x1d: {  	[tilespmem:s12+$0x20] =	vst v0  }
0x1e: {  	[tilespmem:s12+$0x10] =	vst v0  }
0x1f: {  	[tilespmem:s12+$0x0] =	vst v0  }
0x20: {  	[tilespmem:s12+$0xFFFFFFF0] =	vst v0  }
0x21: {  	s13 =	simm.s32 $0x0;
	[tilespmem:s12+$0xFFFFFFE0] =	vst v0  }
.LBB2_3:
0x22: {  	s13 =	sadd.s32 $0x8, s13;
	[tilespmem:s12+$0xFFFFFFD0] =	vst v0;
	s12 =	sadd.s32 $0x80, s12  }
0x23: {  	[tilespmem:s12+$0xFFFFFFC0] =	vst v0;
	p1 =	slt.u32 s13, $0x268  }
0x24: {  	[tilespmem:s12+$0x30] =	vst v0  }
.Ltmp3:
0x25: {  	[tilespmem:s12+$0x20] =	vst v0;
	(pc) =	sbr.rel @p1 .LBB2_3-.Ltmp3, $4  }
0x26: {  	[tilespmem:s12+$0x10] =	vst v0  }
0x27: {  	[tilespmem:s12+$0x0] =	vst v0  }
0x28: {  	[tilespmem:s12+$0xFFFFFFF0] =	vst v0  }
0x29: {  	[tilespmem:s12+$0xFFFFFFE0] =	vst v0  }
0x2a: {  	[tilespmem:s12+$0xFFFFFFD0] =	vst v0  }
0x2b: {  	[tilespmem:$0x7600] =	vst v0  }
0x2c: {  	_ =	swait.ge [sflag:s6], $0x4F00  }
0x2d: {  	[sflag:s6] =	ssyncset.done $0x0  }
0x2e: {  	s12 =	simm.s32 $0x180;
	[sflag:s6] =	ssyncadd.s32 $0xFFFFB100  }
0x2f: {  	v2 =	vld [tilespmem:s12+$0xFFFFFF00]  }
0x30: {  	v3 =	vld [tilespmem:s12+$0xFFFFFF10]  }
0x31: {  	v4 =	vld [tilespmem:s12+$0xFFFFFF20]  }
0x32: {  	v5 =	vld [tilespmem:s12+$0xFFFFFF30]  }
0x33: {  	v6 =	vld [tilespmem:s12+$0xFFFFFF40]  }
0x34: {  	v7 =	vld [tilespmem:s12+$0xFFFFFF50]  }
0x35: {  	v8 =	vld [tilespmem:s12+$0xFFFFFF60]  }
0x36: {  	v9 =	vld [tilespmem:s12+$0xFFFFFF70]  }
0x37: {  	[tilespmem:v2+s7+$0x0] =	vst.idx.add.f32.msk $0xffff, v1  }
0x38: {  	[tilespmem:v3+s7+$0x0] =	vst.idx.add.f32.msk $0xffff, v1  }
0x39: {  	[tilespmem:v4+s7+$0x0] =	vst.idx.add.f32.msk $0xffff, v1  }
0x3a: {  	[tilespmem:v5+s7+$0x0] =	vst.idx.add.f32.msk $0xffff, v1  }
0x3b: {  	[tilespmem:v6+s7+$0x0] =	vst.idx.add.f32.msk $0xffff, v1  }
0x3c: {  	[tilespmem:v7+s7+$0x0] =	vst.idx.add.f32.msk $0xffff, v1  }
0x3d: {  	[tilespmem:v8+s7+$0x0] =	vst.idx.add.f32.msk $0xffff, v1  }
0x3e: {  	[tilespmem:v9+s7+$0x0] =	vst.idx.add.f32.msk $0xffff, v1  }
0x3f: {  	v3 =	vld [tilespmem:s12+$0x0]  }
0x40: {  	v4 =	vld [tilespmem:s12+$0x10]  }
0x41: {  	v5 =	vld [tilespmem:s12+$0x20]  }
0x42: {  	v6 =	vld [tilespmem:s12+$0x30]  }
0x43: {  	v7 =	vld [tilespmem:s12+$0x40]  }
0x44: {  	v8 =	vld [tilespmem:s12+$0x50]  }
0x45: {  	v9 =	vld [tilespmem:s12+$0x60]  }
0x46: {  	v2 =	vld [tilespmem:s12+$0x70]  }
0x47: {  	[tilespmem:v3+s7+$0x0] =	vst.idx.add.f32.msk $0xffff, v1  }
0x48: {  	[tilespmem:v4+s7+$0x0] =	vst.idx.add.f32.msk $0xffff, v1  }
0x49: {  	[tilespmem:v5+s7+$0x0] =	vst.idx.add.f32.msk $0xffff, v1  }
0x4a: {  	[tilespmem:v6+s7+$0x0] =	vst.idx.add.f32.msk $0xffff, v1  }
0x4b: {  	[tilespmem:v7+s7+$0x0] =	vst.idx.add.f32.msk $0xffff, v1  }
0x4c: {  	[tilespmem:v8+s7+$0x0] =	vst.idx.add.f32.msk $0xffff, v1  }
0x4d: {  	s13 =	simm.s32 $0x0;
	[tilespmem:v9+s7+$0x0] =	vst.idx.add.f32.msk $0xffff, v1  }
.LBB2_5:
0x4e: {  	s13 =	sadd.s32 $0x2, s13;
	[tilespmem:v2+s7+$0x0] =	vst.idx.add.f32.msk $0xffff, v1;
	s12 =	sadd.s32 $0x200, s12  }
0x4f: {  	v2 =	vld [tilespmem:s12+$0xFFFFFF00];
	p1 =	slt.u32 s13, $0x4C  }
0x50: {  	v3 =	vld [tilespmem:s12+$0xFFFFFF10]  }
0x51: {  	v4 =	vld [tilespmem:s12+$0xFFFFFF20]  }
0x52: {  	v5 =	vld [tilespmem:s12+$0xFFFFFF30]  }
0x53: {  	v6 =	vld [tilespmem:s12+$0xFFFFFF40]  }
0x54: {  	v7 =	vld [tilespmem:s12+$0xFFFFFF50]  }
0x55: {  	v8 =	vld [tilespmem:s12+$0xFFFFFF60]  }
0x56: {  	v9 =	vld [tilespmem:s12+$0xFFFFFF70]  }
0x57: {  	[tilespmem:v2+s7+$0x0] =	vst.idx.add.f32.msk $0xffff, v1  }
0x58: {  	[tilespmem:v3+s7+$0x0] =	vst.idx.add.f32.msk $0xffff, v1  }
0x59: {  	[tilespmem:v4+s7+$0x0] =	vst.idx.add.f32.msk $0xffff, v1  }
0x5a: {  	[tilespmem:v5+s7+$0x0] =	vst.idx.add.f32.msk $0xffff, v1  }
0x5b: {  	[tilespmem:v6+s7+$0x0] =	vst.idx.add.f32.msk $0xffff, v1  }
0x5c: {  	[tilespmem:v7+s7+$0x0] =	vst.idx.add.f32.msk $0xffff, v1  }
0x5d: {  	[tilespmem:v8+s7+$0x0] =	vst.idx.add.f32.msk $0xffff, v1  }
0x5e: {  	[tilespmem:v9+s7+$0x0] =	vst.idx.add.f32.msk $0xffff, v1  }
0x5f: {  	v3 =	vld [tilespmem:s12+$0x0]  }
0x60: {  	v4 =	vld [tilespmem:s12+$0x10]  }
0x61: {  	v5 =	vld [tilespmem:s12+$0x20]  }
0x62: {  	v6 =	vld [tilespmem:s12+$0x30]  }
0x63: {  	v7 =	vld [tilespmem:s12+$0x40]  }
0x64: {  	v8 =	vld [tilespmem:s12+$0x50]  }
0x65: {  	v9 =	vld [tilespmem:s12+$0x60]  }
0x66: {  	v2 =	vld [tilespmem:s12+$0x70]  }
0x67: {  	[tilespmem:v3+s7+$0x0] =	vst.idx.add.f32.msk $0xffff, v1  }
0x68: {  	[tilespmem:v4+s7+$0x0] =	vst.idx.add.f32.msk $0xffff, v1  }
.Ltmp4:
0x69: {  	[tilespmem:v5+s7+$0x0] =	vst.idx.add.f32.msk $0xffff, v1;
	(pc) =	sbr.rel @p1 .LBB2_5-.Ltmp4, $4  }
0x6a: {  	[tilespmem:v6+s7+$0x0] =	vst.idx.add.f32.msk $0xffff, v1  }
0x6b: {  	[tilespmem:v7+s7+$0x0] =	vst.idx.add.f32.msk $0xffff, v1  }
0x6c: {  	[tilespmem:v8+s7+$0x0] =	vst.idx.add.f32.msk $0xffff, v1  }
0x6d: {  	[tilespmem:v9+s7+$0x0] =	vst.idx.add.f32.msk $0xffff, v1  }
0x6e: {  	_ =	sdelay $0x3  }
0x6f: {  	[tilespmem:v2+s7+$0x0] =	vst.idx.add.f32.msk $0xffff, v1  }
0x70: {  	v2 =	vld [tilespmem:$0x4E80]  }
0x71: {  	v3 =	vld [tilespmem:$0x4E90]  }
0x72: {  	v4 =	vld [tilespmem:$0x4EA0]  }
0x73: {  	v5 =	vld [tilespmem:$0x4EB0]  }
0x74: {  	v6 =	vld [tilespmem:$0x4EC0]  }
0x75: {  	v7 =	vld [tilespmem:$0x4ED0]  }
0x76: {  	v8 =	vld [tilespmem:$0x4EE0]  }
0x77: {  	v9 =	vld [tilespmem:$0x4EF0]  }
0x78: {  	[tilespmem:v2+s7+$0x0] =	vst.idx.add.f32.msk $0xffff, v1  }
0x79: {  	[tilespmem:v3+s7+$0x0] =	vst.idx.add.f32.msk $0xffff, v1  }
0x7a: {  	[tilespmem:v4+s7+$0x0] =	vst.idx.add.f32.msk $0xffff, v1  }
.Ltmp5:
0x7b: {  	[tilespmem:v5+s7+$0x0] =	vst.idx.add.f32.msk $0xffff, v1;
	(pc) =	sbr.rel .LBB2_12-.Ltmp5, $4  }
0x7c: {  	[tilespmem:v6+s7+$0x0] =	vst.idx.add.f32.msk $0xffff, v1  }
0x7d: {  	[tilespmem:v7+s7+$0x0] =	vst.idx.add.f32.msk $0xffff, v1  }
0x7e: {  	[tilespmem:v8+s7+$0x0] =	vst.idx.add.f32.msk $0xffff, v1  }
0x7f: {  	[tilespmem:v9+s7+$0x0] =	vst.idx.add.f32.msk $0xffff, v1  }
.LBB2_7:
0x80: {  	[tilespmem:s2], [sflag:$0x1] =	stream.linear.gather [hbm4b:s3+s2], $0x4E00, $0x38;
	[tilespmem:$0x7680] =	vst v63  }
0x81: {  	s12 =	simm.s32 $0x4F40  }
0x82: {  	[tilespmem:s12+$0xFFFFFFC0] =	vst v0  }
0x83: {  	[tilespmem:s12+$0x30] =	vst v0  }
0x84: {  	[tilespmem:s12+$0x20] =	vst v0  }
0x85: {  	[tilespmem:s12+$0x10] =	vst v0  }
0x86: {  	[tilespmem:s12+$0x0] =	vst v0  }
0x87: {  	[tilespmem:s12+$0xFFFFFFF0] =	vst v0  }
0x88: {  	s13 =	simm.s32 $0x0;
	[tilespmem:s12+$0xFFFFFFE0] =	vst v0  }
.LBB2_8:
0x89: {  	s13 =	sadd.s32 $0x8, s13;
	[tilespmem:s12+$0xFFFFFFD0] =	vst v0;
	s12 =	sadd.s32 $0x80, s12  }
0x8a: {  	[tilespmem:s12+$0xFFFFFFC0] =	vst v0;
	p1 =	slt.u32 s13, $0x268  }
0x8b: {  	[tilespmem:s12+$0x30] =	vst v0  }
.Ltmp6:
0x8c: {  	[tilespmem:s12+$0x20] =	vst v0;
	(pc) =	sbr.rel @p1 .LBB2_8-.Ltmp6, $4  }
0x8d: {  	[tilespmem:s12+$0x10] =	vst v0  }
0x8e: {  	[tilespmem:s12+$0x0] =	vst v0  }
0x8f: {  	[tilespmem:s12+$0xFFFFFFF0] =	vst v0  }
0x90: {  	[tilespmem:s12+$0xFFFFFFE0] =	vst v0  }
0x91: {  	[tilespmem:s12+$0xFFFFFFD0] =	vst v0  }
0x92: {  	[tilespmem:$0x7600] =	vst v0  }
0x93: {  	_ =	swait.ge [sflag:s6], $0x4E00  }
0x94: {  	[sflag:s6] =	ssyncset.done $0x0  }
0x95: {  	s12 =	simm.s32 $0x180;
	[sflag:s6] =	ssyncadd.s32 $0xFFFFB200  }
0x96: {  	v2 =	vld [tilespmem:s12+$0xFFFFFF00]  }
0x97: {  	v3 =	vld [tilespmem:s12+$0xFFFFFF10]  }
0x98: {  	v4 =	vld [tilespmem:s12+$0xFFFFFF20]  }
0x99: {  	v5 =	vld [tilespmem:s12+$0xFFFFFF30]  }
0x9a: {  	v6 =	vld [tilespmem:s12+$0xFFFFFF40]  }
0x9b: {  	v7 =	vld [tilespmem:s12+$0xFFFFFF50]  }
0x9c: {  	v8 =	vld [tilespmem:s12+$0xFFFFFF60]  }
0x9d: {  	v9 =	vld [tilespmem:s12+$0xFFFFFF70]  }
0x9e: {  	[tilespmem:v2+s7+$0x0] =	vst.idx.add.f32.msk $0xffff, v1  }
0x9f: {  	[tilespmem:v3+s7+$0x0] =	vst.idx.add.f32.msk $0xffff, v1  }
0xa0: {  	[tilespmem:v4+s7+$0x0] =	vst.idx.add.f32.msk $0xffff, v1  }
0xa1: {  	[tilespmem:v5+s7+$0x0] =	vst.idx.add.f32.msk $0xffff, v1  }
0xa2: {  	[tilespmem:v6+s7+$0x0] =	vst.idx.add.f32.msk $0xffff, v1  }
0xa3: {  	[tilespmem:v7+s7+$0x0] =	vst.idx.add.f32.msk $0xffff, v1  }
0xa4: {  	[tilespmem:v8+s7+$0x0] =	vst.idx.add.f32.msk $0xffff, v1  }
0xa5: {  	[tilespmem:v9+s7+$0x0] =	vst.idx.add.f32.msk $0xffff, v1  }
0xa6: {  	v3 =	vld [tilespmem:s12+$0x0]  }
0xa7: {  	v4 =	vld [tilespmem:s12+$0x10]  }
0xa8: {  	v5 =	vld [tilespmem:s12+$0x20]  }
0xa9: {  	v6 =	vld [tilespmem:s12+$0x30]  }
0xaa: {  	v7 =	vld [tilespmem:s12+$0x40]  }
0xab: {  	v8 =	vld [tilespmem:s12+$0x50]  }
0xac: {  	v9 =	vld [tilespmem:s12+$0x60]  }
0xad: {  	v2 =	vld [tilespmem:s12+$0x70]  }
0xae: {  	[tilespmem:v3+s7+$0x0] =	vst.idx.add.f32.msk $0xffff, v1  }
0xaf: {  	[tilespmem:v4+s7+$0x0] =	vst.idx.add.f32.msk $0xffff, v1  }
0xb0: {  	[tilespmem:v5+s7+$0x0] =	vst.idx.add.f32.msk $0xffff, v1  }
0xb1: {  	[tilespmem:v6+s7+$0x0] =	vst.idx.add.f32.msk $0xffff, v1  }
0xb2: {  	[tilespmem:v7+s7+$0x0] =	vst.idx.add.f32.msk $0xffff, v1  }
0xb3: {  	[tilespmem:v8+s7+$0x0] =	vst.idx.add.f32.msk $0xffff, v1  }
0xb4: {  	s13 =	simm.s32 $0x0;
	[tilespmem:v9+s7+$0x0] =	vst.idx.add.f32.msk $0xffff, v1  }
.LBB2_10:
0xb5: {  	s13 =	sadd.s32 $0x2, s13;
	[tilespmem:v2+s7+$0x0] =	vst.idx.add.f32.msk $0xffff, v1;
	s12 =	sadd.s32 $0x200, s12  }
0xb6: {  	v2 =	vld [tilespmem:s12+$0xFFFFFF00];
	p1 =	slt.u32 s13, $0x4C  }
0xb7: {  	v3 =	vld [tilespmem:s12+$0xFFFFFF10]  }
0xb8: {  	v4 =	vld [tilespmem:s12+$0xFFFFFF20]  }
0xb9: {  	v5 =	vld [tilespmem:s12+$0xFFFFFF30]  }
0xba: {  	v6 =	vld [tilespmem:s12+$0xFFFFFF40]  }
0xbb: {  	v7 =	vld [tilespmem:s12+$0xFFFFFF50]  }
0xbc: {  	v8 =	vld [tilespmem:s12+$0xFFFFFF60]  }
0xbd: {  	v9 =	vld [tilespmem:s12+$0xFFFFFF70]  }
0xbe: {  	[tilespmem:v2+s7+$0x0] =	vst.idx.add.f32.msk $0xffff, v1  }
0xbf: {  	[tilespmem:v3+s7+$0x0] =	vst.idx.add.f32.msk $0xffff, v1  }
0xc0: {  	[tilespmem:v4+s7+$0x0] =	vst.idx.add.f32.msk $0xffff, v1  }
0xc1: {  	[tilespmem:v5+s7+$0x0] =	vst.idx.add.f32.msk $0xffff, v1  }
0xc2: {  	[tilespmem:v6+s7+$0x0] =	vst.idx.add.f32.msk $0xffff, v1  }
0xc3: {  	[tilespmem:v7+s7+$0x0] =	vst.idx.add.f32.msk $0xffff, v1  }
0xc4: {  	[tilespmem:v8+s7+$0x0] =	vst.idx.add.f32.msk $0xffff, v1  }
0xc5: {  	[tilespmem:v9+s7+$0x0] =	vst.idx.add.f32.msk $0xffff, v1  }
0xc6: {  	v3 =	vld [tilespmem:s12+$0x0]  }
0xc7: {  	v4 =	vld [tilespmem:s12+$0x10]  }
0xc8: {  	v5 =	vld [tilespmem:s12+$0x20]  }
0xc9: {  	v6 =	vld [tilespmem:s12+$0x30]  }
0xca: {  	v7 =	vld [tilespmem:s12+$0x40]  }
0xcb: {  	v8 =	vld [tilespmem:s12+$0x50]  }
0xcc: {  	v9 =	vld [tilespmem:s12+$0x60]  }
0xcd: {  	v2 =	vld [tilespmem:s12+$0x70]  }
0xce: {  	[tilespmem:v3+s7+$0x0] =	vst.idx.add.f32.msk $0xffff, v1  }
0xcf: {  	[tilespmem:v4+s7+$0x0] =	vst.idx.add.f32.msk $0xffff, v1  }
.Ltmp7:
0xd0: {  	[tilespmem:v5+s7+$0x0] =	vst.idx.add.f32.msk $0xffff, v1;
	(pc) =	sbr.rel @p1 .LBB2_10-.Ltmp7, $4  }
0xd1: {  	[tilespmem:v6+s7+$0x0] =	vst.idx.add.f32.msk $0xffff, v1  }
0xd2: {  	[tilespmem:v7+s7+$0x0] =	vst.idx.add.f32.msk $0xffff, v1  }
0xd3: {  	[tilespmem:v8+s7+$0x0] =	vst.idx.add.f32.msk $0xffff, v1  }
0xd4: {  	[tilespmem:v9+s7+$0x0] =	vst.idx.add.f32.msk $0xffff, v1  }
.Ltmp8:
0xd5: {  	_ = 	snop;
	(pc) =	sbr.rel .LBB2_11-.Ltmp8, $1  }
0xd6: {  	_ =	sdelay $0x3  }
.LBB2_13:
0xd7: {  	_ =	sfence.sel $0x180000  }
0xd8: {  	[bflag:$0x0] =	sbarrier.arrive $0xFFFF  }
0xd9: {  	p0 =	sne.s32 s0, $0x0;
	_ =	strace $0x90000047  }
0xda: {  	s0 =	sadd.s32 @!p0 $0x100000, s1;
	[bflag:$0x2] =	sbarrier.arrive $0xFFFF  }
0xdb: {  	[sflag:s0] =	ssyncadd.tile.s32 @!p0 $0x1;
	_ =	shalt  }
.Lfunc_end2:
_tile_overlayer_lowered:
.L_overlay_start_2:
0xdc: {  	(tag) =	ssettag $0x2  }
0xdd: {  	s0 =	rddreg [dreg:$0x0];
	s2 =	stileid.u32  }
0xde: {  	s1 =	rddreg [dreg:$0x1];
	p0 =	sne.s32 s2, $0x0  }
0xdf: {  	s3 =	rddreg [dreg:$0x2];
	[bflag:$0x3] =	sbarrier.arrive $0xFFFF;
	s2 =	simm.s32 @!p0 $0x1C02  }
0xe0: {  	[timem:s3], [sflag:s2] =	dma.local @!p0 [hbm:s0], s1  }
0xe1: {  	s0 =	simm.s32 @!p0 $0x2  }
0xe2: {  	_ =	swait.ge @!p0 [sflag:s0], s1  }
0xe3: {  	s1 =	ssub.s32 @!p0 $0x0, s1;
	[sflag:s0] =	ssyncset.done @!p0 $0x0  }
0xe4: {  	[sflag:s0] =	ssyncadd.s32 @!p0 s1  }
0xe5: {  	[bflag:$0x3] =	sbarrier.arrive $0xFFFF  }
0xe6: {  	_ =	shalt  }

</sc_bundles>
